<compile_context>
chip_gen: v7x
topology: tpu7x:2x2x1
jax: 0.10.2.dev20260603
libtpu: 0.0.44.dev20260713+nightly
codegen_flags: <defaults>
</compile_context>

<pallas_src>
import functools

import jax
import jax.numpy as jnp
from jax import lax
from jax.experimental import pallas as pl
from jax.experimental.pallas import tpu as pltpu
from jax.experimental.pallas import tpu_sc as plsc

NC, NS = 2, 16
NW = NC * NS
CH = 128


def _gather_body(nch, x_hbm, idx_hbm, out_hbm, idx_v, rows_v, sem):
    c = lax.axis_index("c")
    s = lax.axis_index("s")
    wid = s * NC + c
    epw = nch * CH
    pltpu.sync_copy(idx_hbm.at[wid], idx_v)

    def fire(j, carry):
        pltpu.make_async_copy(
            x_hbm.at[idx_v.at[j]],
            rows_v.at[pl.ds(j * CH, CH)],
            sem,
        ).start()
        return carry

    def drain(j, carry):
        pltpu.make_async_copy(
            x_hbm.at[idx_v.at[0]],
            rows_v.at[pl.ds(0, CH)],
            sem,
        ).wait()
        return carry

    lax.fori_loop(0, nch, fire, 0)
    lax.fori_loop(0, nch, drain, 0)
    pltpu.sync_copy(rows_v, out_hbm.at[pl.ds(wid * epw, epw)])


def _sc_gather(x, idx_grouped, nin, nch):
    epw = nch * CH
    run = pl.kernel(
        functools.partial(_gather_body, nch),
        out_type=jax.ShapeDtypeStruct((NW * epw, nin), jnp.float32),
        mesh=plsc.VectorSubcoreMesh(core_axis_name="c", subcore_axis_name="s"),
        scratch_types=[
            pltpu.VMEM((nch, CH), jnp.int32),
            pltpu.VMEM((epw, nin), jnp.float32),
            pltpu.SemaphoreType.DMA,
        ],
        compiler_params=pltpu.CompilerParams(use_tc_tiling_on_sc=False),
    )
    return run(x, idx_grouped)


def _scatter_body(nch, n_acc, n_out, nout, msg_hbm, idx_hbm, zeros_hbm,
                  part_hbm, idx_v, rows_v, tmp_v, acc_sh, sem):
    c = lax.axis_index("c")
    s = lax.axis_index("s")
    wid = s * NC + c
    epw = nch * CH
    cnt = n_acc // NS

    pltpu.sync_copy(zeros_hbm.at[pl.ds(s * cnt, cnt)], tmp_v)
    pltpu.sync_copy(tmp_v, acc_sh.at[pl.ds(s * cnt, cnt)])

    pltpu.sync_copy(idx_hbm.at[wid], idx_v)
    pltpu.sync_copy(msg_hbm.at[pl.ds(wid * epw, epw)], rows_v)
    plsc.subcore_barrier()

    def fire(j, carry):
        pltpu.async_copy(
            rows_v.at[pl.ds(j * CH, CH)],
            acc_sh.at[idx_v.at[j]],
            sem,
            add=True,
        )
        return carry

    def drain(j, carry):
        pltpu.make_async_copy(
            rows_v.at[pl.ds(0, CH)],
            acc_sh.at[idx_v.at[0]],
            sem,
        ).wait()
        return carry

    lax.fori_loop(0, nch, fire, 0)
    lax.fori_loop(0, nch, drain, 0)
    plsc.subcore_barrier()

    ocnt = n_out // NS
    pltpu.sync_copy(acc_sh.at[pl.ds(s * ocnt, ocnt)], tmp_v.at[pl.ds(0, ocnt)])
    pltpu.sync_copy(tmp_v.at[pl.ds(0, ocnt)],
                    part_hbm.at[c].at[pl.ds(s * ocnt, ocnt)])


def _sc_scatter(msg, idx_grouped, zeros_acc, n_acc, n_out, nout, nch):
    epw = nch * CH
    run = pl.kernel(
        functools.partial(_scatter_body, nch, n_acc, n_out, nout),
        out_type=jax.ShapeDtypeStruct((NC, n_out, nout), jnp.float32),
        mesh=plsc.VectorSubcoreMesh(core_axis_name="c", subcore_axis_name="s"),
        scratch_types=[
            pltpu.VMEM((nch, CH), jnp.int32),
            pltpu.VMEM((epw, nout), jnp.float32),
            pltpu.VMEM((n_acc // NS, nout), jnp.float32),
            pltpu.VMEM_SHARED((n_acc, nout), jnp.float32),
            pltpu.SemaphoreType.DMA,
        ],
        compiler_params=pltpu.CompilerParams(use_tc_tiling_on_sc=False),
    )
    return run(msg, idx_grouped, zeros_acc)


def _edge_tc(be, nin, nout, ea_ref, xj_ref, w1_ref, w2_ref, rep_ref, sel_ref,
             msg_ref):
    g = 128 // nin
    bp = be // g
    xj = jnp.concatenate(
        [xj_ref[:, k * nin:(k + 1) * nin] for k in range(g)], axis=0)
    a = lax.dot_general(ea_ref[...], w1_ref[...], (((0,), (0,)), ((), ())),
                        preferred_element_type=jnp.float32)
    r = jnp.maximum(a, 0.0)
    h = jnp.dot(r.astype(jnp.bfloat16), w2_ref[...].astype(jnp.bfloat16),
                preferred_element_type=jnp.float32)
    xr = jnp.dot(xj, rep_ref[...], preferred_element_type=jnp.float32)
    msg = jnp.dot(xr * h, sel_ref[...], preferred_element_type=jnp.float32)
    msg_ref[...] = jnp.concatenate(
        [msg[k * bp:(k + 1) * bp, :] for k in range(g)], axis=1)


def _tc_edge(ea_t, xj_pk, w1, w2, rep, sel, be, e_h, e_pad, blk_off=0,
             interpret=False):
    nin = w1.shape[0]
    hid = w2.shape[1]
    nout = sel.shape[1]
    grid = e_h // be
    bp = be * nin // 128
    bo = be * nout // 128
    return pl.pallas_call(
        functools.partial(_edge_tc, be, nin, nout),
        grid=(grid,),
        in_specs=[
            pl.BlockSpec((nin, be), lambda i: (0, i + blk_off)),
            pl.BlockSpec((bp, 128), lambda i: (i, 0)),
            pl.BlockSpec((nin, hid), lambda i: (0, 0)),
            pl.BlockSpec((hid, hid), lambda i: (0, 0)),
            pl.BlockSpec((nin, hid), lambda i: (0, 0)),
            pl.BlockSpec((hid, nout), lambda i: (0, 0)),
        ],
        out_specs=pl.BlockSpec((bo, 128), lambda i: (i, 0)),
        out_shape=jax.ShapeDtypeStruct((e_pad * nout // 128, 128),
                                       jnp.float32),
        interpret=interpret,
    )(ea_t, xj_pk, w1, w2, rep, sel)


def _combine_tc(nparts, nin, nout, *refs):
    g = 128 // nout
    p_refs = refs[:nparts]
    x_ref, root_ref, bias_ref, out_ref = refs[nparts:]

    def unpack(ref2d):
        return jnp.concatenate(
            [ref2d[:, k * nin:(k + 1) * nin] for k in range(g)], axis=0)

    xv = unpack(x_ref)
    xr = jnp.dot(xv, root_ref[...], preferred_element_type=jnp.float32)
    acc = xr + bias_ref[...]
    for p in p_refs:
        acc = acc + unpack(p[0]) + unpack(p[1])
    bp = acc.shape[0] // g
    out_ref[...] = jnp.concatenate(
        [acc[k * bp:(k + 1) * bp, :] for k in range(g)], axis=1)


def _tc_combine(parts_pk_list, x_pk, root, bias2d, interpret=False):
    npk = x_pk.shape[0]
    nin = root.shape[0]
    nout = root.shape[1]
    return pl.pallas_call(
        functools.partial(_combine_tc, len(parts_pk_list), nin, nout),
        in_specs=[pl.BlockSpec((NC, npk, 128), lambda: (0, 0, 0))
                  for _ in parts_pk_list] + [
            pl.BlockSpec((npk, 128), lambda: (0, 0)),
            pl.BlockSpec((nin, nout), lambda: (0, 0)),
            pl.BlockSpec((1, nout), lambda: (0, 0)),
        ],
        out_specs=pl.BlockSpec((npk, 128), lambda: (0, 0)),
        out_shape=jax.ShapeDtypeStruct((npk, 128), jnp.float32),
        interpret=interpret,
    )(*parts_pk_list, x_pk, root, bias2d)


def kernel(x, edge_index, edge_attr, mlp_w1, mlp_w2, root, bias):
    n, nin = x.shape
    e = edge_index.shape[1]
    hid = mlp_w1.shape[1]
    nout = root.shape[1]
    assert n % NS == 0

    phases = [e // 2, e // 2]
    g = 128 // nin
    be = 3200
    bp = be // g
    assert all(ph % be == 0 for ph in phases) and sum(phases) == e

    def prep_idx(v, e_h):
        return v.reshape(e_h // be, g, bp).transpose(0, 2, 1).reshape(e_h)

    src_gs, dst_gs, nchs = [], [], []
    off = 0
    for e_h in phases:
        nch = -(-e_h // (NW * CH))
        pad = NW * nch * CH - e_h
        sl = slice(off, off + e_h)
        off += e_h
        sh = prep_idx(edge_index[0][sl], e_h)
        dh = prep_idx(edge_index[1][sl], e_h)
        if pad:
            sh = jnp.concatenate([sh, jnp.zeros((pad,), jnp.int32)])
            dh = jnp.concatenate([dh, jnp.full((pad,), n, jnp.int32)])
        src_gs.append(sh.reshape(NW, nch, CH))
        dst_gs.append(dh.reshape(NW, nch, CH))
        nchs.append(nch)
    ea_t = edge_attr.T

    n_acc = -(-(n + 1) // NS) * NS
    zeros_acc = jnp.zeros((n_acc * nout // 128, 128),
                          jnp.float32).reshape(n_acc, nout)

    x_pk = lax.optimization_barrier(x.reshape(n * nin // 128, 128))
    x_lin = x_pk.reshape(n, nin)

    ii = lax.broadcasted_iota(jnp.int32, (nin, hid), 0)
    cc = lax.broadcasted_iota(jnp.int32, (nin, hid), 1)
    rep = (cc // nout == ii).astype(jnp.float32)
    c2 = lax.broadcasted_iota(jnp.int32, (hid, nout), 0)
    oo = lax.broadcasted_iota(jnp.int32, (hid, nout), 1)
    sel = (c2 % nout == oo).astype(jnp.float32)

    parts_list = []
    blk_off = 0
    for hh, e_h in enumerate(phases):
        nch = nchs[hh]
        e_pad = NW * nch * CH
        xj = _sc_gather(x_lin, src_gs[hh], nin, nch)
        xj_pk = xj.reshape(e_pad * nin // 128, 128)
        msg_pk = _tc_edge(ea_t, xj_pk, mlp_w1, mlp_w2, rep, sel,
                          be=be, e_h=e_h, e_pad=e_pad, blk_off=blk_off)
        blk_off += e_h // be
        msg = msg_pk.reshape(e_pad, nout)
        parts = _sc_scatter(msg, dst_gs[hh], zeros_acc, n_acc, n, nout, nch)
        parts_list.append(parts.reshape(NC, n * nout // 128, 128))
    out_pk = _tc_combine(parts_list, x_pk, root, bias.reshape(1, nout))
    return out_pk.reshape(n, nout)

# --- scband reference (transcript-rebuilt; emitter-appended) ---
"""Pipeline reference for scband-nnconv-53644141527045 (READ-ONLY COPY).

The authoritative reference and input builder live on the scoring server;
editing this copy changes nothing except your own understanding.
"""

import jax, jax.numpy as jnp
import numpy as np

N, E, NIN, NOUT = 10000, 160000, 16, 16
HID = NIN * NOUT

def setup_inputs(seed: int = 0) -> dict:
    key = jax.random.key(seed)
    ks = jax.random.split(key, 8)
    x = jax.random.normal(ks[0], (N, NIN), dtype=jnp.float32)
    edge_index = jax.random.randint(ks[1], (2, E), 0, N, dtype=jnp.int32)
    edge_attr = jax.random.uniform(ks[2], (E, NIN), dtype=jnp.float32)
    mlp_w1 = jax.random.normal(ks[3], (NIN, HID), dtype=jnp.float32) * (1.0 / np.sqrt(NIN))
    mlp_w2 = jax.random.normal(ks[4], (HID, HID), dtype=jnp.float32) * (1.0 / np.sqrt(HID))
    root = jax.random.normal(ks[5], (NIN, NOUT), dtype=jnp.float32) * (1.0 / np.sqrt(NIN))
    bias = jnp.zeros((NOUT,), dtype=jnp.float32)
    return {"x": x, "edge_index": edge_index, "edge_attr": edge_attr,
            "mlp_w1": mlp_w1, "mlp_w2": mlp_w2, "root": root, "bias": bias}

def reference(x, edge_index, edge_attr, mlp_w1, mlp_w2, root, bias):
    # edge-conditioned MLP (2 layers, no bias) producing per-edge weight matrices
    h = jax.nn.relu(edge_attr @ mlp_w1) @ mlp_w2          # [E, NIN*NOUT]
    W_e = h.reshape(-1, NIN, NOUT)                        # [E, NIN, NOUT]
    src, dst = edge_index[0], edge_index[1]
    x_j = jnp.take(x, src, axis=0)                        # gather source features [E, NIN]
    msg = jnp.einsum('ei,eio->eo', x_j, W_e)              # per-edge matvec [E, NOUT]
    aggr = jnp.zeros((x.shape[0], NOUT), dtype=x.dtype).at[dst].add(msg)  # scatter-add
    out = aggr + x @ root + bias                          # root weight + bias
    return out

if __name__ == "__main__":
    import jax
    _d = setup_inputs()
    print(jax.jit(kernel)(*tuple(_d.values())))

</pallas_src>

<mosaic_0001>
#map = affine_map<(d0, d1) -> (0, 0)>
#map1 = affine_map<(d0, d1) -> (0, 0, 0)>
module attributes {stable_mosaic.version = 14 : i64} {
  func.func @_gather_body(%arg0: i32, %arg1: i32, %arg2: memref<10000x16xf32, #tpu.memory_space<hbm>>, %arg3: memref<32x20x128xi32, #tpu.memory_space<hbm>>, %arg4: memref<81920x16xf32, #tpu.memory_space<hbm>>, %arg5: memref<20x128xi32, #tpu.memory_space<vmem>>, %arg6: memref<2560x16xf32, #tpu.memory_space<vmem>>, %arg7: memref<!tpu.dma_semaphore, #tpu.memory_space<semaphore_mem>>) attributes {dimension_semantics = [#tpu.dimension_semantics<core_parallel>, #tpu.dimension_semantics<subcore_parallel>], iteration_bounds = array<i64: 2, 16>, scalar_prefetch = 0 : i64, scratch_operands = 3 : i64, tpu.core_type = #tpu.core_type<sc_vector_subcore>, window_params = [{transform_indices = #map}, {transform_indices = #map1}, {transform_indices = #map}]} {
    %mul3A = arith.constant 2 : i32
    %mul3A_0 = arith.muli %arg1, %mul3A : i32
    %add3A = arith.addi %mul3A_0, %arg0 : i32
    "tpu.region"() ({
      %run_scoped3A = tpu.sem_alloc : memref<!tpu.dma_semaphore, #tpu.memory_space<semaphore_mem>>
      %dma_start3A = arith.constant 0 : i32
      %dma_start3A_14 = arith.constant 0 : i32
      %dma_start3A_15 = tpu.memref_slice %arg3[%add3A, %dma_start3A, %dma_start3A_14] : memref<32x20x128xi32, #tpu.memory_space<hbm>> -> memref<1x20x128xi32, #tpu.memory_space<hbm>>
      %dma_start3A_16 = tpu.memref_squeeze %dma_start3A_15 : memref<1x20x128xi32, #tpu.memory_space<hbm>> -> memref<20x128xi32, #tpu.memory_space<hbm>>
      %dma_start3A_17 = arith.constant 0 : i32
      %dma_start3A_18 = arith.constant 0 : i32
      %dma_start3A_19 = tpu.memref_slice %arg3[%add3A, %dma_start3A_17, %dma_start3A_18] : memref<32x20x128xi32, #tpu.memory_space<hbm>> -> memref<1x20x128xi32, #tpu.memory_space<hbm>>
      %dma_start3A_20 = tpu.memref_squeeze %dma_start3A_19 : memref<1x20x128xi32, #tpu.memory_space<hbm>> -> memref<20x128xi32, #tpu.memory_space<hbm>>
      tpu.enqueue_dma source(%dma_start3A_20 : memref<20x128xi32, #tpu.memory_space<hbm>>) target(%arg5 : memref<20x128xi32, #tpu.memory_space<vmem>>) target_semaphore(%run_scoped3A : memref<!tpu.dma_semaphore, #tpu.memory_space<semaphore_mem>>)
      %dma_wait3A = arith.constant 0 : i32
      %dma_wait3A_21 = arith.constant 0 : i32
      %dma_wait3A_22 = tpu.memref_slice %arg3[%add3A, %dma_wait3A, %dma_wait3A_21] : memref<32x20x128xi32, #tpu.memory_space<hbm>> -> memref<1x20x128xi32, #tpu.memory_space<hbm>>
      %dma_wait3A_23 = tpu.memref_squeeze %dma_wait3A_22 : memref<1x20x128xi32, #tpu.memory_space<hbm>> -> memref<20x128xi32, #tpu.memory_space<hbm>>
      %dma_wait3A_24 = arith.constant 0 : i32
      %dma_wait3A_25 = arith.constant 0 : i32
      %dma_wait3A_26 = tpu.memref_slice %arg3[%add3A, %dma_wait3A_24, %dma_wait3A_25] : memref<32x20x128xi32, #tpu.memory_space<hbm>> -> memref<1x20x128xi32, #tpu.memory_space<hbm>>
      %dma_wait3A_27 = tpu.memref_squeeze %dma_wait3A_26 : memref<1x20x128xi32, #tpu.memory_space<hbm>> -> memref<20x128xi32, #tpu.memory_space<hbm>>
      tpu.wait_dma2 semaphore(%run_scoped3A : memref<!tpu.dma_semaphore, #tpu.memory_space<semaphore_mem>>) src(%dma_wait3A_27 : memref<20x128xi32, #tpu.memory_space<hbm>>) dst(%arg5 : memref<20x128xi32, #tpu.memory_space<vmem>>)
      tpu.yield
    }) : () -> ()
    %scan3A = arith.constant 0 : i32
    %scan3A_1 = arith.constant 0 : i32
    %scan3A_2 = arith.constant 20 : i32
    %scan3A_3 = arith.addi %scan3A_1, %scan3A_2 : i32
    %scan3A_4 = arith.constant 1 : i32
    scf.for %scan3A_14 = %scan3A_1 to %scan3A_3 step %scan3A_4  : i32 {
      %mul3A_15 = arith.constant 128 : i32
      %mul3A_16 = arith.muli %scan3A_14, %mul3A_15 : i32
      %dma_start3A = arith.constant 0 : i32
      %dma_start3A_17 = tpu.memref_slice %arg6[%mul3A_16, %dma_start3A] : memref<2560x16xf32, #tpu.memory_space<vmem>> -> memref<128x16xf32, #tpu.memory_space<vmem>>
      %dma_start3A_18 = arith.constant 0 : i32
      %dma_start3A_19 = tpu.memref_slice %arg5[%scan3A_14, %dma_start3A_18] : memref<20x128xi32, #tpu.memory_space<vmem>> -> memref<1x128xi32, #tpu.memory_space<vmem>>
      %dma_start3A_20 = tpu.memref_squeeze %dma_start3A_19 : memref<1x128xi32, #tpu.memory_space<vmem>> -> memref<128xi32, #tpu.memory_space<vmem>>
      %dma_start3A_21 = arith.constant 0 : i32
      %dma_start3A_22 = arith.constant 0 : i32
      %dma_start3A_23 = tpu.memref_slice %arg2[%dma_start3A_21, %dma_start3A_22] : memref<10000x16xf32, #tpu.memory_space<hbm>> -> memref<10000x16xf32, #tpu.memory_space<hbm>>
      tpu.enqueue_indirect_dma source(%dma_start3A_23 : memref<10000x16xf32, #tpu.memory_space<hbm>>) target(%dma_start3A_17 : memref<128x16xf32, #tpu.memory_space<vmem>>) offsets(%dma_start3A_20 : memref<128xi32, #tpu.memory_space<vmem>>) semaphore(%arg7 : memref<!tpu.dma_semaphore, #tpu.memory_space<semaphore_mem>>)
    }
    %scan3A_5 = arith.constant 20 : i32
    %scan3A_6 = arith.constant 0 : i32
    %scan3A_7 = arith.constant 0 : i32
    %scan3A_8 = arith.constant 20 : i32
    %scan3A_9 = arith.addi %scan3A_7, %scan3A_8 : i32
    %scan3A_10 = arith.constant 1 : i32
    scf.for %scan3A_14 = %scan3A_7 to %scan3A_9 step %scan3A_10  : i32 {
      %dma_wait3A = arith.constant 0 : i32
      %dma_wait3A_15 = arith.constant 0 : i32
      %dma_wait3A_16 = arith.constant 0 : i32
      %dma_wait3A_17 = tpu.memref_slice %arg6[%dma_wait3A_15, %dma_wait3A_16] : memref<2560x16xf32, #tpu.memory_space<vmem>> -> memref<128x16xf32, #tpu.memory_space<vmem>>
      %dma_wait3A_18 = arith.constant 0 : i32
      %dma_wait3A_19 = tpu.memref_slice %arg5[%dma_wait3A, %dma_wait3A_18] : memref<20x128xi32, #tpu.memory_space<vmem>> -> memref<1x128xi32, #tpu.memory_space<vmem>>
      %dma_wait3A_20 = tpu.memref_squeeze %dma_wait3A_19 : memref<1x128xi32, #tpu.memory_space<vmem>> -> memref<128xi32, #tpu.memory_space<vmem>>
      %dma_wait3A_21 = arith.constant 0 : i32
      %dma_wait3A_22 = arith.constant 0 : i32
      %dma_wait3A_23 = tpu.memref_slice %arg2[%dma_wait3A_21, %dma_wait3A_22] : memref<10000x16xf32, #tpu.memory_space<hbm>> -> memref<10000x16xf32, #tpu.memory_space<hbm>>
      tpu.wait_indirect_dma semaphore(%arg7 : memref<!tpu.dma_semaphore, #tpu.memory_space<semaphore_mem>>) src(%dma_wait3A_23 : memref<10000x16xf32, #tpu.memory_space<hbm>>) dst(%dma_wait3A_17 : memref<128x16xf32, #tpu.memory_space<vmem>>)
    }
    %scan3A_11 = arith.constant 20 : i32
    %mul3A_12 = arith.constant 2560 : i32
    %mul3A_13 = arith.muli %add3A, %mul3A_12 : i32
    "tpu.region"() ({
      %run_scoped3A = tpu.sem_alloc : memref<!tpu.dma_semaphore, #tpu.memory_space<semaphore_mem>>
      %dma_start3A = arith.constant 0 : i32
      %dma_start3A_14 = tpu.memref_slice %arg4[%mul3A_13, %dma_start3A] : memref<81920x16xf32, #tpu.memory_space<hbm>> -> memref<2560x16xf32, #tpu.memory_space<hbm>>
      %dma_start3A_15 = arith.constant 0 : i32
      %dma_start3A_16 = tpu.memref_slice %arg4[%mul3A_13, %dma_start3A_15] : memref<81920x16xf32, #tpu.memory_space<hbm>> -> memref<2560x16xf32, #tpu.memory_space<hbm>>
      tpu.enqueue_dma source(%arg6 : memref<2560x16xf32, #tpu.memory_space<vmem>>) target(%dma_start3A_16 : memref<2560x16xf32, #tpu.memory_space<hbm>>) target_semaphore(%run_scoped3A : memref<!tpu.dma_semaphore, #tpu.memory_space<semaphore_mem>>)
      %dma_wait3A = arith.constant 0 : i32
      %dma_wait3A_17 = tpu.memref_slice %arg4[%mul3A_13, %dma_wait3A] : memref<81920x16xf32, #tpu.memory_space<hbm>> -> memref<2560x16xf32, #tpu.memory_space<hbm>>
      %dma_wait3A_18 = arith.constant 0 : i32
      %dma_wait3A_19 = tpu.memref_slice %arg4[%mul3A_13, %dma_wait3A_18] : memref<81920x16xf32, #tpu.memory_space<hbm>> -> memref<2560x16xf32, #tpu.memory_space<hbm>>
      tpu.wait_dma2 semaphore(%run_scoped3A : memref<!tpu.dma_semaphore, #tpu.memory_space<semaphore_mem>>) src(%arg6 : memref<2560x16xf32, #tpu.memory_space<vmem>>) dst(%dma_wait3A_19 : memref<2560x16xf32, #tpu.memory_space<hbm>>)
      tpu.yield
    }) : () -> ()
    return
  }
}

#map = affine_map<(d0, d1) -> (0, 0)>
#map1 = affine_map<(d0, d1) -> (0, 0, 0)>
module attributes {stable_mosaic.version = 14 : i64} {
  func.func @_scatter_body(%arg0: i32, %arg1: i32, %arg2: memref<81920x16xf32, #tpu.memory_space<hbm>>, %arg3: memref<32x20x128xi32, #tpu.memory_space<hbm>>, %arg4: memref<10016x16xf32, #tpu.memory_space<hbm>>, %arg5: memref<2x10000x16xf32, #tpu.memory_space<hbm>>, %arg6: memref<20x128xi32, #tpu.memory_space<vmem>>, %arg7: memref<2560x16xf32, #tpu.memory_space<vmem>>, %arg8: memref<626x16xf32, #tpu.memory_space<vmem>>, %arg9: memref<10016x16xf32, #tpu.memory_space<vmem_shared>>, %arg10: memref<!tpu.dma_semaphore, #tpu.memory_space<semaphore_mem>>) attributes {dimension_semantics = [#tpu.dimension_semantics<core_parallel>, #tpu.dimension_semantics<subcore_parallel>], iteration_bounds = array<i64: 2, 16>, scalar_prefetch = 0 : i64, scratch_operands = 5 : i64, tpu.core_type = #tpu.core_type<sc_vector_subcore>, window_params = [{transform_indices = #map}, {transform_indices = #map1}, {transform_indices = #map}, {transform_indices = #map1}]} {
    %mul3A = arith.constant 2 : i32
    %mul3A_0 = arith.muli %arg1, %mul3A : i32
    %add3A = arith.addi %mul3A_0, %arg0 : i32
    %mul3A_1 = arith.constant 626 : i32
    %mul3A_2 = arith.muli %arg1, %mul3A_1 : i32
    "tpu.region"() ({
      %run_scoped3A = tpu.sem_alloc : memref<!tpu.dma_semaphore, #tpu.memory_space<semaphore_mem>>
      %dma_start3A = arith.constant 0 : i32
      %dma_start3A_23 = tpu.memref_slice %arg4[%mul3A_2, %dma_start3A] : memref<10016x16xf32, #tpu.memory_space<hbm>> -> memref<626x16xf32, #tpu.memory_space<hbm>>
      %dma_start3A_24 = arith.constant 0 : i32
      %dma_start3A_25 = tpu.memref_slice %arg4[%mul3A_2, %dma_start3A_24] : memref<10016x16xf32, #tpu.memory_space<hbm>> -> memref<626x16xf32, #tpu.memory_space<hbm>>
      tpu.enqueue_dma source(%dma_start3A_25 : memref<626x16xf32, #tpu.memory_space<hbm>>) target(%arg8 : memref<626x16xf32, #tpu.memory_space<vmem>>) target_semaphore(%run_scoped3A : memref<!tpu.dma_semaphore, #tpu.memory_space<semaphore_mem>>)
      %dma_wait3A = arith.constant 0 : i32
      %dma_wait3A_26 = tpu.memref_slice %arg4[%mul3A_2, %dma_wait3A] : memref<10016x16xf32, #tpu.memory_space<hbm>> -> memref<626x16xf32, #tpu.memory_space<hbm>>
      %dma_wait3A_27 = arith.constant 0 : i32
      %dma_wait3A_28 = tpu.memref_slice %arg4[%mul3A_2, %dma_wait3A_27] : memref<10016x16xf32, #tpu.memory_space<hbm>> -> memref<626x16xf32, #tpu.memory_space<hbm>>
      tpu.wait_dma2 semaphore(%run_scoped3A : memref<!tpu.dma_semaphore, #tpu.memory_space<semaphore_mem>>) src(%dma_wait3A_28 : memref<626x16xf32, #tpu.memory_space<hbm>>) dst(%arg8 : memref<626x16xf32, #tpu.memory_space<vmem>>)
      tpu.yield
    }) : () -> ()
    %mul3A_3 = arith.constant 626 : i32
    %mul3A_4 = arith.muli %arg1, %mul3A_3 : i32
    "tpu.region"() ({
      %run_scoped3A = tpu.sem_alloc : memref<!tpu.dma_semaphore, #tpu.memory_space<semaphore_mem>>
      %dma_start3A = arith.constant 0 : i32
      %dma_start3A_23 = tpu.memref_slice %arg9[%mul3A_4, %dma_start3A] : memref<10016x16xf32, #tpu.memory_space<vmem_shared>> -> memref<626x16xf32, #tpu.memory_space<vmem_shared>>
      %dma_start3A_24 = arith.constant 0 : i32
      %dma_start3A_25 = tpu.memref_slice %arg9[%mul3A_4, %dma_start3A_24] : memref<10016x16xf32, #tpu.memory_space<vmem_shared>> -> memref<626x16xf32, #tpu.memory_space<vmem_shared>>
      tpu.enqueue_dma source(%arg8 : memref<626x16xf32, #tpu.memory_space<vmem>>) target(%dma_start3A_25 : memref<626x16xf32, #tpu.memory_space<vmem_shared>>) target_semaphore(%run_scoped3A : memref<!tpu.dma_semaphore, #tpu.memory_space<semaphore_mem>>)
      %dma_wait3A = arith.constant 0 : i32
      %dma_wait3A_26 = tpu.memref_slice %arg9[%mul3A_4, %dma_wait3A] : memref<10016x16xf32, #tpu.memory_space<vmem_shared>> -> memref<626x16xf32, #tpu.memory_space<vmem_shared>>
      %dma_wait3A_27 = arith.constant 0 : i32
      %dma_wait3A_28 = tpu.memref_slice %arg9[%mul3A_4, %dma_wait3A_27] : memref<10016x16xf32, #tpu.memory_space<vmem_shared>> -> memref<626x16xf32, #tpu.memory_space<vmem_shared>>
      tpu.wait_dma2 semaphore(%run_scoped3A : memref<!tpu.dma_semaphore, #tpu.memory_space<semaphore_mem>>) src(%arg8 : memref<626x16xf32, #tpu.memory_space<vmem>>) dst(%dma_wait3A_28 : memref<626x16xf32, #tpu.memory_space<vmem_shared>>)
      tpu.yield
    }) : () -> ()
    "tpu.region"() ({
      %run_scoped3A = tpu.sem_alloc : memref<!tpu.dma_semaphore, #tpu.memory_space<semaphore_mem>>
      %dma_start3A = arith.constant 0 : i32
      %dma_start3A_23 = arith.constant 0 : i32
      %dma_start3A_24 = tpu.memref_slice %arg3[%add3A, %dma_start3A, %dma_start3A_23] : memref<32x20x128xi32, #tpu.memory_space<hbm>> -> memref<1x20x128xi32, #tpu.memory_space<hbm>>
      %dma_start3A_25 = tpu.memref_squeeze %dma_start3A_24 : memref<1x20x128xi32, #tpu.memory_space<hbm>> -> memref<20x128xi32, #tpu.memory_space<hbm>>
      %dma_start3A_26 = arith.constant 0 : i32
      %dma_start3A_27 = arith.constant 0 : i32
      %dma_start3A_28 = tpu.memref_slice %arg3[%add3A, %dma_start3A_26, %dma_start3A_27] : memref<32x20x128xi32, #tpu.memory_space<hbm>> -> memref<1x20x128xi32, #tpu.memory_space<hbm>>
      %dma_start3A_29 = tpu.memref_squeeze %dma_start3A_28 : memref<1x20x128xi32, #tpu.memory_space<hbm>> -> memref<20x128xi32, #tpu.memory_space<hbm>>
      tpu.enqueue_dma source(%dma_start3A_29 : memref<20x128xi32, #tpu.memory_space<hbm>>) target(%arg6 : memref<20x128xi32, #tpu.memory_space<vmem>>) target_semaphore(%run_scoped3A : memref<!tpu.dma_semaphore, #tpu.memory_space<semaphore_mem>>)
      %dma_wait3A = arith.constant 0 : i32
      %dma_wait3A_30 = arith.constant 0 : i32
      %dma_wait3A_31 = tpu.memref_slice %arg3[%add3A, %dma_wait3A, %dma_wait3A_30] : memref<32x20x128xi32, #tpu.memory_space<hbm>> -> memref<1x20x128xi32, #tpu.memory_space<hbm>>
      %dma_wait3A_32 = tpu.memref_squeeze %dma_wait3A_31 : memref<1x20x128xi32, #tpu.memory_space<hbm>> -> memref<20x128xi32, #tpu.memory_space<hbm>>
      %dma_wait3A_33 = arith.constant 0 : i32
      %dma_wait3A_34 = arith.constant 0 : i32
      %dma_wait3A_35 = tpu.memref_slice %arg3[%add3A, %dma_wait3A_33, %dma_wait3A_34] : memref<32x20x128xi32, #tpu.memory_space<hbm>> -> memref<1x20x128xi32, #tpu.memory_space<hbm>>
      %dma_wait3A_36 = tpu.memref_squeeze %dma_wait3A_35 : memref<1x20x128xi32, #tpu.memory_space<hbm>> -> memref<20x128xi32, #tpu.memory_space<hbm>>
      tpu.wait_dma2 semaphore(%run_scoped3A : memref<!tpu.dma_semaphore, #tpu.memory_space<semaphore_mem>>) src(%dma_wait3A_36 : memref<20x128xi32, #tpu.memory_space<hbm>>) dst(%arg6 : memref<20x128xi32, #tpu.memory_space<vmem>>)
      tpu.yield
    }) : () -> ()
    %mul3A_5 = arith.constant 2560 : i32
    %mul3A_6 = arith.muli %add3A, %mul3A_5 : i32
    "tpu.region"() ({
      %run_scoped3A = tpu.sem_alloc : memref<!tpu.dma_semaphore, #tpu.memory_space<semaphore_mem>>
      %dma_start3A = arith.constant 0 : i32
      %dma_start3A_23 = tpu.memref_slice %arg2[%mul3A_6, %dma_start3A] : memref<81920x16xf32, #tpu.memory_space<hbm>> -> memref<2560x16xf32, #tpu.memory_space<hbm>>
      %dma_start3A_24 = arith.constant 0 : i32
      %dma_start3A_25 = tpu.memref_slice %arg2[%mul3A_6, %dma_start3A_24] : memref<81920x16xf32, #tpu.memory_space<hbm>> -> memref<2560x16xf32, #tpu.memory_space<hbm>>
      tpu.enqueue_dma source(%dma_start3A_25 : memref<2560x16xf32, #tpu.memory_space<hbm>>) target(%arg7 : memref<2560x16xf32, #tpu.memory_space<vmem>>) target_semaphore(%run_scoped3A : memref<!tpu.dma_semaphore, #tpu.memory_space<semaphore_mem>>)
      %dma_wait3A = arith.constant 0 : i32
      %dma_wait3A_26 = tpu.memref_slice %arg2[%mul3A_6, %dma_wait3A] : memref<81920x16xf32, #tpu.memory_space<hbm>> -> memref<2560x16xf32, #tpu.memory_space<hbm>>
      %dma_wait3A_27 = arith.constant 0 : i32
      %dma_wait3A_28 = tpu.memref_slice %arg2[%mul3A_6, %dma_wait3A_27] : memref<81920x16xf32, #tpu.memory_space<hbm>> -> memref<2560x16xf32, #tpu.memory_space<hbm>>
      tpu.wait_dma2 semaphore(%run_scoped3A : memref<!tpu.dma_semaphore, #tpu.memory_space<semaphore_mem>>) src(%dma_wait3A_28 : memref<2560x16xf32, #tpu.memory_space<hbm>>) dst(%arg7 : memref<2560x16xf32, #tpu.memory_space<vmem>>)
      tpu.yield
    }) : () -> ()
    %barrier3A = arith.constant 0 : index
    tpu.barrier barrier_id(%barrier3A)
    %scan3A = arith.constant 0 : i32
    %scan3A_7 = arith.constant 0 : i32
    %scan3A_8 = arith.constant 20 : i32
    %scan3A_9 = arith.addi %scan3A_7, %scan3A_8 : i32
    %scan3A_10 = arith.constant 1 : i32
    scf.for %scan3A_23 = %scan3A_7 to %scan3A_9 step %scan3A_10  : i32 {
      %mul3A_24 = arith.constant 128 : i32
      %mul3A_25 = arith.muli %scan3A_23, %mul3A_24 : i32
      %dma_start3A = arith.constant 0 : i32
      %dma_start3A_26 = tpu.memref_slice %arg7[%mul3A_25, %dma_start3A] : memref<2560x16xf32, #tpu.memory_space<vmem>> -> memref<128x16xf32, #tpu.memory_space<vmem>>
      %dma_start3A_27 = arith.constant 0 : i32
      %dma_start3A_28 = tpu.memref_slice %arg6[%scan3A_23, %dma_start3A_27] : memref<20x128xi32, #tpu.memory_space<vmem>> -> memref<1x128xi32, #tpu.memory_space<vmem>>
      %dma_start3A_29 = tpu.memref_squeeze %dma_start3A_28 : memref<1x128xi32, #tpu.memory_space<vmem>> -> memref<128xi32, #tpu.memory_space<vmem>>
      %dma_start3A_30 = arith.constant 0 : i32
      %dma_start3A_31 = arith.constant 0 : i32
      %dma_start3A_32 = tpu.memref_slice %arg9[%dma_start3A_30, %dma_start3A_31] : memref<10016x16xf32, #tpu.memory_space<vmem_shared>> -> memref<10016x16xf32, #tpu.memory_space<vmem_shared>>
      tpu.enqueue_indirect_dma source(%dma_start3A_26 : memref<128x16xf32, #tpu.memory_space<vmem>>) target(%dma_start3A_32 : memref<10016x16xf32, #tpu.memory_space<vmem_shared>>) offsets(%dma_start3A_29 : memref<128xi32, #tpu.memory_space<vmem>>) semaphore(%arg10 : memref<!tpu.dma_semaphore, #tpu.memory_space<semaphore_mem>>) {add = true}
    }
    %scan3A_11 = arith.constant 20 : i32
    %scan3A_12 = arith.constant 0 : i32
    %scan3A_13 = arith.constant 0 : i32
    %scan3A_14 = arith.constant 20 : i32
    %scan3A_15 = arith.addi %scan3A_13, %scan3A_14 : i32
    %scan3A_16 = arith.constant 1 : i32
    scf.for %scan3A_23 = %scan3A_13 to %scan3A_15 step %scan3A_16  : i32 {
      %dma_wait3A = arith.constant 0 : i32
      %dma_wait3A_24 = arith.constant 0 : i32
      %dma_wait3A_25 = arith.constant 0 : i32
      %dma_wait3A_26 = tpu.memref_slice %arg7[%dma_wait3A_24, %dma_wait3A_25] : memref<2560x16xf32, #tpu.memory_space<vmem>> -> memref<128x16xf32, #tpu.memory_space<vmem>>
      %dma_wait3A_27 = arith.constant 0 : i32
      %dma_wait3A_28 = tpu.memref_slice %arg6[%dma_wait3A, %dma_wait3A_27] : memref<20x128xi32, #tpu.memory_space<vmem>> -> memref<1x128xi32, #tpu.memory_space<vmem>>
      %dma_wait3A_29 = tpu.memref_squeeze %dma_wait3A_28 : memref<1x128xi32, #tpu.memory_space<vmem>> -> memref<128xi32, #tpu.memory_space<vmem>>
      %dma_wait3A_30 = arith.constant 0 : i32
      %dma_wait3A_31 = arith.constant 0 : i32
      %dma_wait3A_32 = tpu.memref_slice %arg9[%dma_wait3A_30, %dma_wait3A_31] : memref<10016x16xf32, #tpu.memory_space<vmem_shared>> -> memref<10016x16xf32, #tpu.memory_space<vmem_shared>>
      tpu.wait_indirect_dma semaphore(%arg10 : memref<!tpu.dma_semaphore, #tpu.memory_space<semaphore_mem>>) src(%dma_wait3A_26 : memref<128x16xf32, #tpu.memory_space<vmem>>) dst(%dma_wait3A_32 : memref<10016x16xf32, #tpu.memory_space<vmem_shared>>)
    }
    %scan3A_17 = arith.constant 20 : i32
    %barrier3A_18 = arith.constant 0 : index
    tpu.barrier barrier_id(%barrier3A_18)
    %mul3A_19 = arith.constant 625 : i32
    %mul3A_20 = arith.muli %arg1, %mul3A_19 : i32
    "tpu.region"() ({
      %run_scoped3A = tpu.sem_alloc : memref<!tpu.dma_semaphore, #tpu.memory_space<semaphore_mem>>
      %dma_start3A = arith.constant 0 : i32
      %dma_start3A_23 = arith.constant 0 : i32
      %dma_start3A_24 = tpu.memref_slice %arg8[%dma_start3A, %dma_start3A_23] : memref<626x16xf32, #tpu.memory_space<vmem>> -> memref<625x16xf32, #tpu.memory_space<vmem>>
      %dma_start3A_25 = arith.constant 0 : i32
      %dma_start3A_26 = tpu.memref_slice %arg9[%mul3A_20, %dma_start3A_25] : memref<10016x16xf32, #tpu.memory_space<vmem_shared>> -> memref<625x16xf32, #tpu.memory_space<vmem_shared>>
      %dma_start3A_27 = arith.constant 0 : i32
      %dma_start3A_28 = arith.constant 0 : i32
      %dma_start3A_29 = tpu.memref_slice %arg8[%dma_start3A_27, %dma_start3A_28] : memref<626x16xf32, #tpu.memory_space<vmem>> -> memref<625x16xf32, #tpu.memory_space<vmem>>
      %dma_start3A_30 = arith.constant 0 : i32
      %dma_start3A_31 = tpu.memref_slice %arg9[%mul3A_20, %dma_start3A_30] : memref<10016x16xf32, #tpu.memory_space<vmem_shared>> -> memref<625x16xf32, #tpu.memory_space<vmem_shared>>
      tpu.enqueue_dma source(%dma_start3A_31 : memref<625x16xf32, #tpu.memory_space<vmem_shared>>) target(%dma_start3A_29 : memref<625x16xf32, #tpu.memory_space<vmem>>) target_semaphore(%run_scoped3A : memref<!tpu.dma_semaphore, #tpu.memory_space<semaphore_mem>>)
      %dma_wait3A = arith.constant 0 : i32
      %dma_wait3A_32 = arith.constant 0 : i32
      %dma_wait3A_33 = tpu.memref_slice %arg8[%dma_wait3A, %dma_wait3A_32] : memref<626x16xf32, #tpu.memory_space<vmem>> -> memref<625x16xf32, #tpu.memory_space<vmem>>
      %dma_wait3A_34 = arith.constant 0 : i32
      %dma_wait3A_35 = tpu.memref_slice %arg9[%mul3A_20, %dma_wait3A_34] : memref<10016x16xf32, #tpu.memory_space<vmem_shared>> -> memref<625x16xf32, #tpu.memory_space<vmem_shared>>
      %dma_wait3A_36 = arith.constant 0 : i32
      %dma_wait3A_37 = arith.constant 0 : i32
      %dma_wait3A_38 = tpu.memref_slice %arg8[%dma_wait3A_36, %dma_wait3A_37] : memref<626x16xf32, #tpu.memory_space<vmem>> -> memref<625x16xf32, #tpu.memory_space<vmem>>
      %dma_wait3A_39 = arith.constant 0 : i32
      %dma_wait3A_40 = tpu.memref_slice %arg9[%mul3A_20, %dma_wait3A_39] : memref<10016x16xf32, #tpu.memory_space<vmem_shared>> -> memref<625x16xf32, #tpu.memory_space<vmem_shared>>
      tpu.wait_dma2 semaphore(%run_scoped3A : memref<!tpu.dma_semaphore, #tpu.memory_space<semaphore_mem>>) src(%dma_wait3A_40 : memref<625x16xf32, #tpu.memory_space<vmem_shared>>) dst(%dma_wait3A_38 : memref<625x16xf32, #tpu.memory_space<vmem>>)
      tpu.yield
    }) : () -> ()
    %mul3A_21 = arith.constant 625 : i32
    %mul3A_22 = arith.muli %arg1, %mul3A_21 : i32
    "tpu.region"() ({
      %run_scoped3A = tpu.sem_alloc : memref<!tpu.dma_semaphore, #tpu.memory_space<semaphore_mem>>
      %dma_start3A = arith.constant 0 : i32
      %dma_start3A_23 = arith.constant 0 : i32
      %dma_start3A_24 = tpu.memref_slice %arg8[%dma_start3A, %dma_start3A_23] : memref<626x16xf32, #tpu.memory_space<vmem>> -> memref<625x16xf32, #tpu.memory_space<vmem>>
      %dma_start3A_25 = arith.constant 0 : i32
      %dma_start3A_26 = arith.constant 0 : i32
      %dma_start3A_27 = tpu.memref_slice %arg5[%arg0, %dma_start3A_25, %dma_start3A_26] : memref<2x10000x16xf32, #tpu.memory_space<hbm>> -> memref<1x10000x16xf32, #tpu.memory_space<hbm>>
      %dma_start3A_28 = tpu.memref_squeeze %dma_start3A_27 : memref<1x10000x16xf32, #tpu.memory_space<hbm>> -> memref<10000x16xf32, #tpu.memory_space<hbm>>
      %dma_start3A_29 = arith.constant 0 : i32
      %dma_start3A_30 = tpu.memref_slice %dma_start3A_28[%mul3A_22, %dma_start3A_29] : memref<10000x16xf32, #tpu.memory_space<hbm>> -> memref<625x16xf32, #tpu.memory_space<hbm>>
      %dma_start3A_31 = arith.constant 0 : i32
      %dma_start3A_32 = arith.constant 0 : i32
      %dma_start3A_33 = tpu.memref_slice %arg5[%arg0, %dma_start3A_31, %dma_start3A_32] : memref<2x10000x16xf32, #tpu.memory_space<hbm>> -> memref<1x10000x16xf32, #tpu.memory_space<hbm>>
      %dma_start3A_34 = tpu.memref_squeeze %dma_start3A_33 : memref<1x10000x16xf32, #tpu.memory_space<hbm>> -> memref<10000x16xf32, #tpu.memory_space<hbm>>
      %dma_start3A_35 = arith.constant 0 : i32
      %dma_start3A_36 = tpu.memref_slice %dma_start3A_34[%mul3A_22, %dma_start3A_35] : memref<10000x16xf32, #tpu.memory_space<hbm>> -> memref<625x16xf32, #tpu.memory_space<hbm>>
      %dma_start3A_37 = arith.constant 0 : i32
      %dma_start3A_38 = arith.constant 0 : i32
      %dma_start3A_39 = tpu.memref_slice %arg8[%dma_start3A_37, %dma_start3A_38] : memref<626x16xf32, #tpu.memory_space<vmem>> -> memref<625x16xf32, #tpu.memory_space<vmem>>
      tpu.enqueue_dma source(%dma_start3A_39 : memref<625x16xf32, #tpu.memory_space<vmem>>) target(%dma_start3A_36 : memref<625x16xf32, #tpu.memory_space<hbm>>) target_semaphore(%run_scoped3A : memref<!tpu.dma_semaphore, #tpu.memory_space<semaphore_mem>>)
      %dma_wait3A = arith.constant 0 : i32
      %dma_wait3A_40 = arith.constant 0 : i32
      %dma_wait3A_41 = tpu.memref_slice %arg8[%dma_wait3A, %dma_wait3A_40] : memref<626x16xf32, #tpu.memory_space<vmem>> -> memref<625x16xf32, #tpu.memory_space<vmem>>
      %dma_wait3A_42 = arith.constant 0 : i32
      %dma_wait3A_43 = arith.constant 0 : i32
      %dma_wait3A_44 = tpu.memref_slice %arg5[%arg0, %dma_wait3A_42, %dma_wait3A_43] : memref<2x10000x16xf32, #tpu.memory_space<hbm>> -> memref<1x10000x16xf32, #tpu.memory_space<hbm>>
      %dma_wait3A_45 = tpu.memref_squeeze %dma_wait3A_44 : memref<1x10000x16xf32, #tpu.memory_space<hbm>> -> memref<10000x16xf32, #tpu.memory_space<hbm>>
      %dma_wait3A_46 = arith.constant 0 : i32
      %dma_wait3A_47 = tpu.memref_slice %dma_wait3A_45[%mul3A_22, %dma_wait3A_46] : memref<10000x16xf32, #tpu.memory_space<hbm>> -> memref<625x16xf32, #tpu.memory_space<hbm>>
      %dma_wait3A_48 = arith.constant 0 : i32
      %dma_wait3A_49 = arith.constant 0 : i32
      %dma_wait3A_50 = tpu.memref_slice %arg5[%arg0, %dma_wait3A_48, %dma_wait3A_49] : memref<2x10000x16xf32, #tpu.memory_space<hbm>> -> memref<1x10000x16xf32, #tpu.memory_space<hbm>>
      %dma_wait3A_51 = tpu.memref_squeeze %dma_wait3A_50 : memref<1x10000x16xf32, #tpu.memory_space<hbm>> -> memref<10000x16xf32, #tpu.memory_space<hbm>>
      %dma_wait3A_52 = arith.constant 0 : i32
      %dma_wait3A_53 = tpu.memref_slice %dma_wait3A_51[%mul3A_22, %dma_wait3A_52] : memref<10000x16xf32, #tpu.memory_space<hbm>> -> memref<625x16xf32, #tpu.memory_space<hbm>>
      %dma_wait3A_54 = arith.constant 0 : i32
      %dma_wait3A_55 = arith.constant 0 : i32
      %dma_wait3A_56 = tpu.memref_slice %arg8[%dma_wait3A_54, %dma_wait3A_55] : memref<626x16xf32, #tpu.memory_space<vmem>> -> memref<625x16xf32, #tpu.memory_space<vmem>>
      tpu.wait_dma2 semaphore(%run_scoped3A : memref<!tpu.dma_semaphore, #tpu.memory_space<semaphore_mem>>) src(%dma_wait3A_56 : memref<625x16xf32, #tpu.memory_space<vmem>>) dst(%dma_wait3A_53 : memref<625x16xf32, #tpu.memory_space<hbm>>)
      tpu.yield
    }) : () -> ()
    return
  }
}

#map = affine_map<(d0, d1) -> (0, 0)>
#map1 = affine_map<(d0, d1) -> (0, 0, 0)>
module attributes {stable_mosaic.version = 14 : i64} {
  func.func @_gather_body(%arg0: i32, %arg1: i32, %arg2: memref<10000x16xf32, #tpu.memory_space<hbm>>, %arg3: memref<32x20x128xi32, #tpu.memory_space<hbm>>, %arg4: memref<81920x16xf32, #tpu.memory_space<hbm>>, %arg5: memref<20x128xi32, #tpu.memory_space<vmem>>, %arg6: memref<2560x16xf32, #tpu.memory_space<vmem>>, %arg7: memref<!tpu.dma_semaphore, #tpu.memory_space<semaphore_mem>>) attributes {dimension_semantics = [#tpu.dimension_semantics<core_parallel>, #tpu.dimension_semantics<subcore_parallel>], iteration_bounds = array<i64: 2, 16>, scalar_prefetch = 0 : i64, scratch_operands = 3 : i64, tpu.core_type = #tpu.core_type<sc_vector_subcore>, window_params = [{transform_indices = #map}, {transform_indices = #map1}, {transform_indices = #map}]} {
    %mul3A = arith.constant 2 : i32
    %mul3A_0 = arith.muli %arg1, %mul3A : i32
    %add3A = arith.addi %mul3A_0, %arg0 : i32
    "tpu.region"() ({
      %run_scoped3A = tpu.sem_alloc : memref<!tpu.dma_semaphore, #tpu.memory_space<semaphore_mem>>
      %dma_start3A = arith.constant 0 : i32
      %dma_start3A_14 = arith.constant 0 : i32
      %dma_start3A_15 = tpu.memref_slice %arg3[%add3A, %dma_start3A, %dma_start3A_14] : memref<32x20x128xi32, #tpu.memory_space<hbm>> -> memref<1x20x128xi32, #tpu.memory_space<hbm>>
      %dma_start3A_16 = tpu.memref_squeeze %dma_start3A_15 : memref<1x20x128xi32, #tpu.memory_space<hbm>> -> memref<20x128xi32, #tpu.memory_space<hbm>>
      %dma_start3A_17 = arith.constant 0 : i32
      %dma_start3A_18 = arith.constant 0 : i32
      %dma_start3A_19 = tpu.memref_slice %arg3[%add3A, %dma_start3A_17, %dma_start3A_18] : memref<32x20x128xi32, #tpu.memory_space<hbm>> -> memref<1x20x128xi32, #tpu.memory_space<hbm>>
      %dma_start3A_20 = tpu.memref_squeeze %dma_start3A_19 : memref<1x20x128xi32, #tpu.memory_space<hbm>> -> memref<20x128xi32, #tpu.memory_space<hbm>>
      tpu.enqueue_dma source(%dma_start3A_20 : memref<20x128xi32, #tpu.memory_space<hbm>>) target(%arg5 : memref<20x128xi32, #tpu.memory_space<vmem>>) target_semaphore(%run_scoped3A : memref<!tpu.dma_semaphore, #tpu.memory_space<semaphore_mem>>)
      %dma_wait3A = arith.constant 0 : i32
      %dma_wait3A_21 = arith.constant 0 : i32
      %dma_wait3A_22 = tpu.memref_slice %arg3[%add3A, %dma_wait3A, %dma_wait3A_21] : memref<32x20x128xi32, #tpu.memory_space<hbm>> -> memref<1x20x128xi32, #tpu.memory_space<hbm>>
      %dma_wait3A_23 = tpu.memref_squeeze %dma_wait3A_22 : memref<1x20x128xi32, #tpu.memory_space<hbm>> -> memref<20x128xi32, #tpu.memory_space<hbm>>
      %dma_wait3A_24 = arith.constant 0 : i32
      %dma_wait3A_25 = arith.constant 0 : i32
      %dma_wait3A_26 = tpu.memref_slice %arg3[%add3A, %dma_wait3A_24, %dma_wait3A_25] : memref<32x20x128xi32, #tpu.memory_space<hbm>> -> memref<1x20x128xi32, #tpu.memory_space<hbm>>
      %dma_wait3A_27 = tpu.memref_squeeze %dma_wait3A_26 : memref<1x20x128xi32, #tpu.memory_space<hbm>> -> memref<20x128xi32, #tpu.memory_space<hbm>>
      tpu.wait_dma2 semaphore(%run_scoped3A : memref<!tpu.dma_semaphore, #tpu.memory_space<semaphore_mem>>) src(%dma_wait3A_27 : memref<20x128xi32, #tpu.memory_space<hbm>>) dst(%arg5 : memref<20x128xi32, #tpu.memory_space<vmem>>)
      tpu.yield
    }) : () -> ()
    %scan3A = arith.constant 0 : i32
    %scan3A_1 = arith.constant 0 : i32
    %scan3A_2 = arith.constant 20 : i32
    %scan3A_3 = arith.addi %scan3A_1, %scan3A_2 : i32
    %scan3A_4 = arith.constant 1 : i32
    scf.for %scan3A_14 = %scan3A_1 to %scan3A_3 step %scan3A_4  : i32 {
      %mul3A_15 = arith.constant 128 : i32
      %mul3A_16 = arith.muli %scan3A_14, %mul3A_15 : i32
      %dma_start3A = arith.constant 0 : i32
      %dma_start3A_17 = tpu.memref_slice %arg6[%mul3A_16, %dma_start3A] : memref<2560x16xf32, #tpu.memory_space<vmem>> -> memref<128x16xf32, #tpu.memory_space<vmem>>
      %dma_start3A_18 = arith.constant 0 : i32
      %dma_start3A_19 = tpu.memref_slice %arg5[%scan3A_14, %dma_start3A_18] : memref<20x128xi32, #tpu.memory_space<vmem>> -> memref<1x128xi32, #tpu.memory_space<vmem>>
      %dma_start3A_20 = tpu.memref_squeeze %dma_start3A_19 : memref<1x128xi32, #tpu.memory_space<vmem>> -> memref<128xi32, #tpu.memory_space<vmem>>
      %dma_start3A_21 = arith.constant 0 : i32
      %dma_start3A_22 = arith.constant 0 : i32
      %dma_start3A_23 = tpu.memref_slice %arg2[%dma_start3A_21, %dma_start3A_22] : memref<10000x16xf32, #tpu.memory_space<hbm>> -> memref<10000x16xf32, #tpu.memory_space<hbm>>
      tpu.enqueue_indirect_dma source(%dma_start3A_23 : memref<10000x16xf32, #tpu.memory_space<hbm>>) target(%dma_start3A_17 : memref<128x16xf32, #tpu.memory_space<vmem>>) offsets(%dma_start3A_20 : memref<128xi32, #tpu.memory_space<vmem>>) semaphore(%arg7 : memref<!tpu.dma_semaphore, #tpu.memory_space<semaphore_mem>>)
    }
    %scan3A_5 = arith.constant 20 : i32
    %scan3A_6 = arith.constant 0 : i32
    %scan3A_7 = arith.constant 0 : i32
    %scan3A_8 = arith.constant 20 : i32
    %scan3A_9 = arith.addi %scan3A_7, %scan3A_8 : i32
    %scan3A_10 = arith.constant 1 : i32
    scf.for %scan3A_14 = %scan3A_7 to %scan3A_9 step %scan3A_10  : i32 {
      %dma_wait3A = arith.constant 0 : i32
      %dma_wait3A_15 = arith.constant 0 : i32
      %dma_wait3A_16 = arith.constant 0 : i32
      %dma_wait3A_17 = tpu.memref_slice %arg6[%dma_wait3A_15, %dma_wait3A_16] : memref<2560x16xf32, #tpu.memory_space<vmem>> -> memref<128x16xf32, #tpu.memory_space<vmem>>
      %dma_wait3A_18 = arith.constant 0 : i32
      %dma_wait3A_19 = tpu.memref_slice %arg5[%dma_wait3A, %dma_wait3A_18] : memref<20x128xi32, #tpu.memory_space<vmem>> -> memref<1x128xi32, #tpu.memory_space<vmem>>
      %dma_wait3A_20 = tpu.memref_squeeze %dma_wait3A_19 : memref<1x128xi32, #tpu.memory_space<vmem>> -> memref<128xi32, #tpu.memory_space<vmem>>
      %dma_wait3A_21 = arith.constant 0 : i32
      %dma_wait3A_22 = arith.constant 0 : i32
      %dma_wait3A_23 = tpu.memref_slice %arg2[%dma_wait3A_21, %dma_wait3A_22] : memref<10000x16xf32, #tpu.memory_space<hbm>> -> memref<10000x16xf32, #tpu.memory_space<hbm>>
      tpu.wait_indirect_dma semaphore(%arg7 : memref<!tpu.dma_semaphore, #tpu.memory_space<semaphore_mem>>) src(%dma_wait3A_23 : memref<10000x16xf32, #tpu.memory_space<hbm>>) dst(%dma_wait3A_17 : memref<128x16xf32, #tpu.memory_space<vmem>>)
    }
    %scan3A_11 = arith.constant 20 : i32
    %mul3A_12 = arith.constant 2560 : i32
    %mul3A_13 = arith.muli %add3A, %mul3A_12 : i32
    "tpu.region"() ({
      %run_scoped3A = tpu.sem_alloc : memref<!tpu.dma_semaphore, #tpu.memory_space<semaphore_mem>>
      %dma_start3A = arith.constant 0 : i32
      %dma_start3A_14 = tpu.memref_slice %arg4[%mul3A_13, %dma_start3A] : memref<81920x16xf32, #tpu.memory_space<hbm>> -> memref<2560x16xf32, #tpu.memory_space<hbm>>
      %dma_start3A_15 = arith.constant 0 : i32
      %dma_start3A_16 = tpu.memref_slice %arg4[%mul3A_13, %dma_start3A_15] : memref<81920x16xf32, #tpu.memory_space<hbm>> -> memref<2560x16xf32, #tpu.memory_space<hbm>>
      tpu.enqueue_dma source(%arg6 : memref<2560x16xf32, #tpu.memory_space<vmem>>) target(%dma_start3A_16 : memref<2560x16xf32, #tpu.memory_space<hbm>>) target_semaphore(%run_scoped3A : memref<!tpu.dma_semaphore, #tpu.memory_space<semaphore_mem>>)
      %dma_wait3A = arith.constant 0 : i32
      %dma_wait3A_17 = tpu.memref_slice %arg4[%mul3A_13, %dma_wait3A] : memref<81920x16xf32, #tpu.memory_space<hbm>> -> memref<2560x16xf32, #tpu.memory_space<hbm>>
      %dma_wait3A_18 = arith.constant 0 : i32
      %dma_wait3A_19 = tpu.memref_slice %arg4[%mul3A_13, %dma_wait3A_18] : memref<81920x16xf32, #tpu.memory_space<hbm>> -> memref<2560x16xf32, #tpu.memory_space<hbm>>
      tpu.wait_dma2 semaphore(%run_scoped3A : memref<!tpu.dma_semaphore, #tpu.memory_space<semaphore_mem>>) src(%arg6 : memref<2560x16xf32, #tpu.memory_space<vmem>>) dst(%dma_wait3A_19 : memref<2560x16xf32, #tpu.memory_space<hbm>>)
      tpu.yield
    }) : () -> ()
    return
  }
}

#map = affine_map<(d0, d1) -> (0, 0)>
#map1 = affine_map<(d0, d1) -> (0, 0, 0)>
module attributes {stable_mosaic.version = 14 : i64} {
  func.func @_scatter_body(%arg0: i32, %arg1: i32, %arg2: memref<81920x16xf32, #tpu.memory_space<hbm>>, %arg3: memref<32x20x128xi32, #tpu.memory_space<hbm>>, %arg4: memref<10016x16xf32, #tpu.memory_space<hbm>>, %arg5: memref<2x10000x16xf32, #tpu.memory_space<hbm>>, %arg6: memref<20x128xi32, #tpu.memory_space<vmem>>, %arg7: memref<2560x16xf32, #tpu.memory_space<vmem>>, %arg8: memref<626x16xf32, #tpu.memory_space<vmem>>, %arg9: memref<10016x16xf32, #tpu.memory_space<vmem_shared>>, %arg10: memref<!tpu.dma_semaphore, #tpu.memory_space<semaphore_mem>>) attributes {dimension_semantics = [#tpu.dimension_semantics<core_parallel>, #tpu.dimension_semantics<subcore_parallel>], iteration_bounds = array<i64: 2, 16>, scalar_prefetch = 0 : i64, scratch_operands = 5 : i64, tpu.core_type = #tpu.core_type<sc_vector_subcore>, window_params = [{transform_indices = #map}, {transform_indices = #map1}, {transform_indices = #map}, {transform_indices = #map1}]} {
    %mul3A = arith.constant 2 : i32
    %mul3A_0 = arith.muli %arg1, %mul3A : i32
    %add3A = arith.addi %mul3A_0, %arg0 : i32
    %mul3A_1 = arith.constant 626 : i32
    %mul3A_2 = arith.muli %arg1, %mul3A_1 : i32
    "tpu.region"() ({
      %run_scoped3A = tpu.sem_alloc : memref<!tpu.dma_semaphore, #tpu.memory_space<semaphore_mem>>
      %dma_start3A = arith.constant 0 : i32
      %dma_start3A_23 = tpu.memref_slice %arg4[%mul3A_2, %dma_start3A] : memref<10016x16xf32, #tpu.memory_space<hbm>> -> memref<626x16xf32, #tpu.memory_space<hbm>>
      %dma_start3A_24 = arith.constant 0 : i32
      %dma_start3A_25 = tpu.memref_slice %arg4[%mul3A_2, %dma_start3A_24] : memref<10016x16xf32, #tpu.memory_space<hbm>> -> memref<626x16xf32, #tpu.memory_space<hbm>>
      tpu.enqueue_dma source(%dma_start3A_25 : memref<626x16xf32, #tpu.memory_space<hbm>>) target(%arg8 : memref<626x16xf32, #tpu.memory_space<vmem>>) target_semaphore(%run_scoped3A : memref<!tpu.dma_semaphore, #tpu.memory_space<semaphore_mem>>)
      %dma_wait3A = arith.constant 0 : i32
      %dma_wait3A_26 = tpu.memref_slice %arg4[%mul3A_2, %dma_wait3A] : memref<10016x16xf32, #tpu.memory_space<hbm>> -> memref<626x16xf32, #tpu.memory_space<hbm>>
      %dma_wait3A_27 = arith.constant 0 : i32
      %dma_wait3A_28 = tpu.memref_slice %arg4[%mul3A_2, %dma_wait3A_27] : memref<10016x16xf32, #tpu.memory_space<hbm>> -> memref<626x16xf32, #tpu.memory_space<hbm>>
      tpu.wait_dma2 semaphore(%run_scoped3A : memref<!tpu.dma_semaphore, #tpu.memory_space<semaphore_mem>>) src(%dma_wait3A_28 : memref<626x16xf32, #tpu.memory_space<hbm>>) dst(%arg8 : memref<626x16xf32, #tpu.memory_space<vmem>>)
      tpu.yield
    }) : () -> ()
    %mul3A_3 = arith.constant 626 : i32
    %mul3A_4 = arith.muli %arg1, %mul3A_3 : i32
    "tpu.region"() ({
      %run_scoped3A = tpu.sem_alloc : memref<!tpu.dma_semaphore, #tpu.memory_space<semaphore_mem>>
      %dma_start3A = arith.constant 0 : i32
      %dma_start3A_23 = tpu.memref_slice %arg9[%mul3A_4, %dma_start3A] : memref<10016x16xf32, #tpu.memory_space<vmem_shared>> -> memref<626x16xf32, #tpu.memory_space<vmem_shared>>
      %dma_start3A_24 = arith.constant 0 : i32
      %dma_start3A_25 = tpu.memref_slice %arg9[%mul3A_4, %dma_start3A_24] : memref<10016x16xf32, #tpu.memory_space<vmem_shared>> -> memref<626x16xf32, #tpu.memory_space<vmem_shared>>
      tpu.enqueue_dma source(%arg8 : memref<626x16xf32, #tpu.memory_space<vmem>>) target(%dma_start3A_25 : memref<626x16xf32, #tpu.memory_space<vmem_shared>>) target_semaphore(%run_scoped3A : memref<!tpu.dma_semaphore, #tpu.memory_space<semaphore_mem>>)
      %dma_wait3A = arith.constant 0 : i32
      %dma_wait3A_26 = tpu.memref_slice %arg9[%mul3A_4, %dma_wait3A] : memref<10016x16xf32, #tpu.memory_space<vmem_shared>> -> memref<626x16xf32, #tpu.memory_space<vmem_shared>>
      %dma_wait3A_27 = arith.constant 0 : i32
      %dma_wait3A_28 = tpu.memref_slice %arg9[%mul3A_4, %dma_wait3A_27] : memref<10016x16xf32, #tpu.memory_space<vmem_shared>> -> memref<626x16xf32, #tpu.memory_space<vmem_shared>>
      tpu.wait_dma2 semaphore(%run_scoped3A : memref<!tpu.dma_semaphore, #tpu.memory_space<semaphore_mem>>) src(%arg8 : memref<626x16xf32, #tpu.memory_space<vmem>>) dst(%dma_wait3A_28 : memref<626x16xf32, #tpu.memory_space<vmem_shared>>)
      tpu.yield
    }) : () -> ()
    "tpu.region"() ({
      %run_scoped3A = tpu.sem_alloc : memref<!tpu.dma_semaphore, #tpu.memory_space<semaphore_mem>>
      %dma_start3A = arith.constant 0 : i32
      %dma_start3A_23 = arith.constant 0 : i32
      %dma_start3A_24 = tpu.memref_slice %arg3[%add3A, %dma_start3A, %dma_start3A_23] : memref<32x20x128xi32, #tpu.memory_space<hbm>> -> memref<1x20x128xi32, #tpu.memory_space<hbm>>
      %dma_start3A_25 = tpu.memref_squeeze %dma_start3A_24 : memref<1x20x128xi32, #tpu.memory_space<hbm>> -> memref<20x128xi32, #tpu.memory_space<hbm>>
      %dma_start3A_26 = arith.constant 0 : i32
      %dma_start3A_27 = arith.constant 0 : i32
      %dma_start3A_28 = tpu.memref_slice %arg3[%add3A, %dma_start3A_26, %dma_start3A_27] : memref<32x20x128xi32, #tpu.memory_space<hbm>> -> memref<1x20x128xi32, #tpu.memory_space<hbm>>
      %dma_start3A_29 = tpu.memref_squeeze %dma_start3A_28 : memref<1x20x128xi32, #tpu.memory_space<hbm>> -> memref<20x128xi32, #tpu.memory_space<hbm>>
      tpu.enqueue_dma source(%dma_start3A_29 : memref<20x128xi32, #tpu.memory_space<hbm>>) target(%arg6 : memref<20x128xi32, #tpu.memory_space<vmem>>) target_semaphore(%run_scoped3A : memref<!tpu.dma_semaphore, #tpu.memory_space<semaphore_mem>>)
      %dma_wait3A = arith.constant 0 : i32
      %dma_wait3A_30 = arith.constant 0 : i32
      %dma_wait3A_31 = tpu.memref_slice %arg3[%add3A, %dma_wait3A, %dma_wait3A_30] : memref<32x20x128xi32, #tpu.memory_space<hbm>> -> memref<1x20x128xi32, #tpu.memory_space<hbm>>
      %dma_wait3A_32 = tpu.memref_squeeze %dma_wait3A_31 : memref<1x20x128xi32, #tpu.memory_space<hbm>> -> memref<20x128xi32, #tpu.memory_space<hbm>>
      %dma_wait3A_33 = arith.constant 0 : i32
      %dma_wait3A_34 = arith.constant 0 : i32
      %dma_wait3A_35 = tpu.memref_slice %arg3[%add3A, %dma_wait3A_33, %dma_wait3A_34] : memref<32x20x128xi32, #tpu.memory_space<hbm>> -> memref<1x20x128xi32, #tpu.memory_space<hbm>>
      %dma_wait3A_36 = tpu.memref_squeeze %dma_wait3A_35 : memref<1x20x128xi32, #tpu.memory_space<hbm>> -> memref<20x128xi32, #tpu.memory_space<hbm>>
      tpu.wait_dma2 semaphore(%run_scoped3A : memref<!tpu.dma_semaphore, #tpu.memory_space<semaphore_mem>>) src(%dma_wait3A_36 : memref<20x128xi32, #tpu.memory_space<hbm>>) dst(%arg6 : memref<20x128xi32, #tpu.memory_space<vmem>>)
      tpu.yield
    }) : () -> ()
    %mul3A_5 = arith.constant 2560 : i32
    %mul3A_6 = arith.muli %add3A, %mul3A_5 : i32
    "tpu.region"() ({
      %run_scoped3A = tpu.sem_alloc : memref<!tpu.dma_semaphore, #tpu.memory_space<semaphore_mem>>
      %dma_start3A = arith.constant 0 : i32
      %dma_start3A_23 = tpu.memref_slice %arg2[%mul3A_6, %dma_start3A] : memref<81920x16xf32, #tpu.memory_space<hbm>> -> memref<2560x16xf32, #tpu.memory_space<hbm>>
      %dma_start3A_24 = arith.constant 0 : i32
      %dma_start3A_25 = tpu.memref_slice %arg2[%mul3A_6, %dma_start3A_24] : memref<81920x16xf32, #tpu.memory_space<hbm>> -> memref<2560x16xf32, #tpu.memory_space<hbm>>
      tpu.enqueue_dma source(%dma_start3A_25 : memref<2560x16xf32, #tpu.memory_space<hbm>>) target(%arg7 : memref<2560x16xf32, #tpu.memory_space<vmem>>) target_semaphore(%run_scoped3A : memref<!tpu.dma_semaphore, #tpu.memory_space<semaphore_mem>>)
      %dma_wait3A = arith.constant 0 : i32
      %dma_wait3A_26 = tpu.memref_slice %arg2[%mul3A_6, %dma_wait3A] : memref<81920x16xf32, #tpu.memory_space<hbm>> -> memref<2560x16xf32, #tpu.memory_space<hbm>>
      %dma_wait3A_27 = arith.constant 0 : i32
      %dma_wait3A_28 = tpu.memref_slice %arg2[%mul3A_6, %dma_wait3A_27] : memref<81920x16xf32, #tpu.memory_space<hbm>> -> memref<2560x16xf32, #tpu.memory_space<hbm>>
      tpu.wait_dma2 semaphore(%run_scoped3A : memref<!tpu.dma_semaphore, #tpu.memory_space<semaphore_mem>>) src(%dma_wait3A_28 : memref<2560x16xf32, #tpu.memory_space<hbm>>) dst(%arg7 : memref<2560x16xf32, #tpu.memory_space<vmem>>)
      tpu.yield
    }) : () -> ()
    %barrier3A = arith.constant 0 : index
    tpu.barrier barrier_id(%barrier3A)
    %scan3A = arith.constant 0 : i32
    %scan3A_7 = arith.constant 0 : i32
    %scan3A_8 = arith.constant 20 : i32
    %scan3A_9 = arith.addi %scan3A_7, %scan3A_8 : i32
    %scan3A_10 = arith.constant 1 : i32
    scf.for %scan3A_23 = %scan3A_7 to %scan3A_9 step %scan3A_10  : i32 {
      %mul3A_24 = arith.constant 128 : i32
      %mul3A_25 = arith.muli %scan3A_23, %mul3A_24 : i32
      %dma_start3A = arith.constant 0 : i32
      %dma_start3A_26 = tpu.memref_slice %arg7[%mul3A_25, %dma_start3A] : memref<2560x16xf32, #tpu.memory_space<vmem>> -> memref<128x16xf32, #tpu.memory_space<vmem>>
      %dma_start3A_27 = arith.constant 0 : i32
      %dma_start3A_28 = tpu.memref_slice %arg6[%scan3A_23, %dma_start3A_27] : memref<20x128xi32, #tpu.memory_space<vmem>> -> memref<1x128xi32, #tpu.memory_space<vmem>>
      %dma_start3A_29 = tpu.memref_squeeze %dma_start3A_28 : memref<1x128xi32, #tpu.memory_space<vmem>> -> memref<128xi32, #tpu.memory_space<vmem>>
      %dma_start3A_30 = arith.constant 0 : i32
      %dma_start3A_31 = arith.constant 0 : i32
      %dma_start3A_32 = tpu.memref_slice %arg9[%dma_start3A_30, %dma_start3A_31] : memref<10016x16xf32, #tpu.memory_space<vmem_shared>> -> memref<10016x16xf32, #tpu.memory_space<vmem_shared>>
      tpu.enqueue_indirect_dma source(%dma_start3A_26 : memref<128x16xf32, #tpu.memory_space<vmem>>) target(%dma_start3A_32 : memref<10016x16xf32, #tpu.memory_space<vmem_shared>>) offsets(%dma_start3A_29 : memref<128xi32, #tpu.memory_space<vmem>>) semaphore(%arg10 : memref<!tpu.dma_semaphore, #tpu.memory_space<semaphore_mem>>) {add = true}
    }
    %scan3A_11 = arith.constant 20 : i32
    %scan3A_12 = arith.constant 0 : i32
    %scan3A_13 = arith.constant 0 : i32
    %scan3A_14 = arith.constant 20 : i32
    %scan3A_15 = arith.addi %scan3A_13, %scan3A_14 : i32
    %scan3A_16 = arith.constant 1 : i32
    scf.for %scan3A_23 = %scan3A_13 to %scan3A_15 step %scan3A_16  : i32 {
      %dma_wait3A = arith.constant 0 : i32
      %dma_wait3A_24 = arith.constant 0 : i32
      %dma_wait3A_25 = arith.constant 0 : i32
      %dma_wait3A_26 = tpu.memref_slice %arg7[%dma_wait3A_24, %dma_wait3A_25] : memref<2560x16xf32, #tpu.memory_space<vmem>> -> memref<128x16xf32, #tpu.memory_space<vmem>>
      %dma_wait3A_27 = arith.constant 0 : i32
      %dma_wait3A_28 = tpu.memref_slice %arg6[%dma_wait3A, %dma_wait3A_27] : memref<20x128xi32, #tpu.memory_space<vmem>> -> memref<1x128xi32, #tpu.memory_space<vmem>>
      %dma_wait3A_29 = tpu.memref_squeeze %dma_wait3A_28 : memref<1x128xi32, #tpu.memory_space<vmem>> -> memref<128xi32, #tpu.memory_space<vmem>>
      %dma_wait3A_30 = arith.constant 0 : i32
      %dma_wait3A_31 = arith.constant 0 : i32
      %dma_wait3A_32 = tpu.memref_slice %arg9[%dma_wait3A_30, %dma_wait3A_31] : memref<10016x16xf32, #tpu.memory_space<vmem_shared>> -> memref<10016x16xf32, #tpu.memory_space<vmem_shared>>
      tpu.wait_indirect_dma semaphore(%arg10 : memref<!tpu.dma_semaphore, #tpu.memory_space<semaphore_mem>>) src(%dma_wait3A_26 : memref<128x16xf32, #tpu.memory_space<vmem>>) dst(%dma_wait3A_32 : memref<10016x16xf32, #tpu.memory_space<vmem_shared>>)
    }
    %scan3A_17 = arith.constant 20 : i32
    %barrier3A_18 = arith.constant 0 : index
    tpu.barrier barrier_id(%barrier3A_18)
    %mul3A_19 = arith.constant 625 : i32
    %mul3A_20 = arith.muli %arg1, %mul3A_19 : i32
    "tpu.region"() ({
      %run_scoped3A = tpu.sem_alloc : memref<!tpu.dma_semaphore, #tpu.memory_space<semaphore_mem>>
      %dma_start3A = arith.constant 0 : i32
      %dma_start3A_23 = arith.constant 0 : i32
      %dma_start3A_24 = tpu.memref_slice %arg8[%dma_start3A, %dma_start3A_23] : memref<626x16xf32, #tpu.memory_space<vmem>> -> memref<625x16xf32, #tpu.memory_space<vmem>>
      %dma_start3A_25 = arith.constant 0 : i32
      %dma_start3A_26 = tpu.memref_slice %arg9[%mul3A_20, %dma_start3A_25] : memref<10016x16xf32, #tpu.memory_space<vmem_shared>> -> memref<625x16xf32, #tpu.memory_space<vmem_shared>>
      %dma_start3A_27 = arith.constant 0 : i32
      %dma_start3A_28 = arith.constant 0 : i32
      %dma_start3A_29 = tpu.memref_slice %arg8[%dma_start3A_27, %dma_start3A_28] : memref<626x16xf32, #tpu.memory_space<vmem>> -> memref<625x16xf32, #tpu.memory_space<vmem>>
      %dma_start3A_30 = arith.constant 0 : i32
      %dma_start3A_31 = tpu.memref_slice %arg9[%mul3A_20, %dma_start3A_30] : memref<10016x16xf32, #tpu.memory_space<vmem_shared>> -> memref<625x16xf32, #tpu.memory_space<vmem_shared>>
      tpu.enqueue_dma source(%dma_start3A_31 : memref<625x16xf32, #tpu.memory_space<vmem_shared>>) target(%dma_start3A_29 : memref<625x16xf32, #tpu.memory_space<vmem>>) target_semaphore(%run_scoped3A : memref<!tpu.dma_semaphore, #tpu.memory_space<semaphore_mem>>)
      %dma_wait3A = arith.constant 0 : i32
      %dma_wait3A_32 = arith.constant 0 : i32
      %dma_wait3A_33 = tpu.memref_slice %arg8[%dma_wait3A, %dma_wait3A_32] : memref<626x16xf32, #tpu.memory_space<vmem>> -> memref<625x16xf32, #tpu.memory_space<vmem>>
      %dma_wait3A_34 = arith.constant 0 : i32
      %dma_wait3A_35 = tpu.memref_slice %arg9[%mul3A_20, %dma_wait3A_34] : memref<10016x16xf32, #tpu.memory_space<vmem_shared>> -> memref<625x16xf32, #tpu.memory_space<vmem_shared>>
      %dma_wait3A_36 = arith.constant 0 : i32
      %dma_wait3A_37 = arith.constant 0 : i32
      %dma_wait3A_38 = tpu.memref_slice %arg8[%dma_wait3A_36, %dma_wait3A_37] : memref<626x16xf32, #tpu.memory_space<vmem>> -> memref<625x16xf32, #tpu.memory_space<vmem>>
      %dma_wait3A_39 = arith.constant 0 : i32
      %dma_wait3A_40 = tpu.memref_slice %arg9[%mul3A_20, %dma_wait3A_39] : memref<10016x16xf32, #tpu.memory_space<vmem_shared>> -> memref<625x16xf32, #tpu.memory_space<vmem_shared>>
      tpu.wait_dma2 semaphore(%run_scoped3A : memref<!tpu.dma_semaphore, #tpu.memory_space<semaphore_mem>>) src(%dma_wait3A_40 : memref<625x16xf32, #tpu.memory_space<vmem_shared>>) dst(%dma_wait3A_38 : memref<625x16xf32, #tpu.memory_space<vmem>>)
      tpu.yield
    }) : () -> ()
    %mul3A_21 = arith.constant 625 : i32
    %mul3A_22 = arith.muli %arg1, %mul3A_21 : i32
    "tpu.region"() ({
      %run_scoped3A = tpu.sem_alloc : memref<!tpu.dma_semaphore, #tpu.memory_space<semaphore_mem>>
      %dma_start3A = arith.constant 0 : i32
      %dma_start3A_23 = arith.constant 0 : i32
      %dma_start3A_24 = tpu.memref_slice %arg8[%dma_start3A, %dma_start3A_23] : memref<626x16xf32, #tpu.memory_space<vmem>> -> memref<625x16xf32, #tpu.memory_space<vmem>>
      %dma_start3A_25 = arith.constant 0 : i32
      %dma_start3A_26 = arith.constant 0 : i32
      %dma_start3A_27 = tpu.memref_slice %arg5[%arg0, %dma_start3A_25, %dma_start3A_26] : memref<2x10000x16xf32, #tpu.memory_space<hbm>> -> memref<1x10000x16xf32, #tpu.memory_space<hbm>>
      %dma_start3A_28 = tpu.memref_squeeze %dma_start3A_27 : memref<1x10000x16xf32, #tpu.memory_space<hbm>> -> memref<10000x16xf32, #tpu.memory_space<hbm>>
      %dma_start3A_29 = arith.constant 0 : i32
      %dma_start3A_30 = tpu.memref_slice %dma_start3A_28[%mul3A_22, %dma_start3A_29] : memref<10000x16xf32, #tpu.memory_space<hbm>> -> memref<625x16xf32, #tpu.memory_space<hbm>>
      %dma_start3A_31 = arith.constant 0 : i32
      %dma_start3A_32 = arith.constant 0 : i32
      %dma_start3A_33 = tpu.memref_slice %arg5[%arg0, %dma_start3A_31, %dma_start3A_32] : memref<2x10000x16xf32, #tpu.memory_space<hbm>> -> memref<1x10000x16xf32, #tpu.memory_space<hbm>>
      %dma_start3A_34 = tpu.memref_squeeze %dma_start3A_33 : memref<1x10000x16xf32, #tpu.memory_space<hbm>> -> memref<10000x16xf32, #tpu.memory_space<hbm>>
      %dma_start3A_35 = arith.constant 0 : i32
      %dma_start3A_36 = tpu.memref_slice %dma_start3A_34[%mul3A_22, %dma_start3A_35] : memref<10000x16xf32, #tpu.memory_space<hbm>> -> memref<625x16xf32, #tpu.memory_space<hbm>>
      %dma_start3A_37 = arith.constant 0 : i32
      %dma_start3A_38 = arith.constant 0 : i32
      %dma_start3A_39 = tpu.memref_slice %arg8[%dma_start3A_37, %dma_start3A_38] : memref<626x16xf32, #tpu.memory_space<vmem>> -> memref<625x16xf32, #tpu.memory_space<vmem>>
      tpu.enqueue_dma source(%dma_start3A_39 : memref<625x16xf32, #tpu.memory_space<vmem>>) target(%dma_start3A_36 : memref<625x16xf32, #tpu.memory_space<hbm>>) target_semaphore(%run_scoped3A : memref<!tpu.dma_semaphore, #tpu.memory_space<semaphore_mem>>)
      %dma_wait3A = arith.constant 0 : i32
      %dma_wait3A_40 = arith.constant 0 : i32
      %dma_wait3A_41 = tpu.memref_slice %arg8[%dma_wait3A, %dma_wait3A_40] : memref<626x16xf32, #tpu.memory_space<vmem>> -> memref<625x16xf32, #tpu.memory_space<vmem>>
      %dma_wait3A_42 = arith.constant 0 : i32
      %dma_wait3A_43 = arith.constant 0 : i32
      %dma_wait3A_44 = tpu.memref_slice %arg5[%arg0, %dma_wait3A_42, %dma_wait3A_43] : memref<2x10000x16xf32, #tpu.memory_space<hbm>> -> memref<1x10000x16xf32, #tpu.memory_space<hbm>>
      %dma_wait3A_45 = tpu.memref_squeeze %dma_wait3A_44 : memref<1x10000x16xf32, #tpu.memory_space<hbm>> -> memref<10000x16xf32, #tpu.memory_space<hbm>>
      %dma_wait3A_46 = arith.constant 0 : i32
      %dma_wait3A_47 = tpu.memref_slice %dma_wait3A_45[%mul3A_22, %dma_wait3A_46] : memref<10000x16xf32, #tpu.memory_space<hbm>> -> memref<625x16xf32, #tpu.memory_space<hbm>>
      %dma_wait3A_48 = arith.constant 0 : i32
      %dma_wait3A_49 = arith.constant 0 : i32
      %dma_wait3A_50 = tpu.memref_slice %arg5[%arg0, %dma_wait3A_48, %dma_wait3A_49] : memref<2x10000x16xf32, #tpu.memory_space<hbm>> -> memref<1x10000x16xf32, #tpu.memory_space<hbm>>
      %dma_wait3A_51 = tpu.memref_squeeze %dma_wait3A_50 : memref<1x10000x16xf32, #tpu.memory_space<hbm>> -> memref<10000x16xf32, #tpu.memory_space<hbm>>
      %dma_wait3A_52 = arith.constant 0 : i32
      %dma_wait3A_53 = tpu.memref_slice %dma_wait3A_51[%mul3A_22, %dma_wait3A_52] : memref<10000x16xf32, #tpu.memory_space<hbm>> -> memref<625x16xf32, #tpu.memory_space<hbm>>
      %dma_wait3A_54 = arith.constant 0 : i32
      %dma_wait3A_55 = arith.constant 0 : i32
      %dma_wait3A_56 = tpu.memref_slice %arg8[%dma_wait3A_54, %dma_wait3A_55] : memref<626x16xf32, #tpu.memory_space<vmem>> -> memref<625x16xf32, #tpu.memory_space<vmem>>
      tpu.wait_dma2 semaphore(%run_scoped3A : memref<!tpu.dma_semaphore, #tpu.memory_space<semaphore_mem>>) src(%dma_wait3A_56 : memref<625x16xf32, #tpu.memory_space<vmem>>) dst(%dma_wait3A_53 : memref<625x16xf32, #tpu.memory_space<hbm>>)
      tpu.yield
    }) : () -> ()
    return
  }
}

module attributes {stable_mosaic.version = 14 : i64} {
  func.func @_edge_tc(%arg0: i32, %arg1: memref<16x3200xf32, #tpu.memory_space<vmem>>, %arg2: memref<400x128xf32, #tpu.memory_space<vmem>>, %arg3: memref<16x256xf32, #tpu.memory_space<vmem>>, %arg4: memref<256x256xf32, #tpu.memory_space<vmem>>, %arg5: memref<16x256xf32, #tpu.memory_space<vmem>>, %arg6: memref<256x16xf32, #tpu.memory_space<vmem>>, %arg7: memref<400x128xf32, #tpu.memory_space<vmem>>) attributes {dimension_semantics = [#tpu.dimension_semantics<arbitrary>], iteration_bounds = array<i64: 25>, scalar_prefetch = 0 : i64, scratch_operands = 0 : i64, tpu.core_type = #tpu.core_type<tc>, window_params = [{transform_indices = @transform_0, window_bounds = array<i64: 16, 3200>}, {transform_indices = @transform_1, window_bounds = array<i64: 400, 128>}, {pipeline_mode = #tpu.pipeline_mode<synchronous>, transform_indices = @transform_2, window_bounds = array<i64: 16, 256>}, {pipeline_mode = #tpu.pipeline_mode<synchronous>, transform_indices = @transform_3, window_bounds = array<i64: 256, 256>}, {pipeline_mode = #tpu.pipeline_mode<synchronous>, transform_indices = @transform_4, window_bounds = array<i64: 16, 256>}, {pipeline_mode = #tpu.pipeline_mode<synchronous>, transform_indices = @transform_5, window_bounds = array<i64: 256, 16>}, {transform_indices = @transform_6, window_bounds = array<i64: 400, 128>}]} {
    %get3A = arith.constant 0 : index
    %get3A_0 = arith.constant 0 : index
    %get3A_1 = vector.load %arg2[%get3A, %get3A_0] : memref<400x128xf32, #tpu.memory_space<vmem>>, vector<400x16xf32>
    %get3A_2 = arith.constant 0 : index
    %get3A_3 = arith.constant 16 : index
    %get3A_4 = vector.load %arg2[%get3A_2, %get3A_3] : memref<400x128xf32, #tpu.memory_space<vmem>>, vector<400x16xf32>
    %get3A_5 = arith.constant 0 : index
    %get3A_6 = arith.constant 32 : index
    %get3A_7 = vector.load %arg2[%get3A_5, %get3A_6] : memref<400x128xf32, #tpu.memory_space<vmem>>, vector<400x16xf32>
    %get3A_8 = arith.constant 0 : index
    %get3A_9 = arith.constant 48 : index
    %get3A_10 = vector.load %arg2[%get3A_8, %get3A_9] : memref<400x128xf32, #tpu.memory_space<vmem>>, vector<400x16xf32>
    %get3A_11 = arith.constant 0 : index
    %get3A_12 = arith.constant 64 : index
    %get3A_13 = vector.load %arg2[%get3A_11, %get3A_12] : memref<400x128xf32, #tpu.memory_space<vmem>>, vector<400x16xf32>
    %get3A_14 = arith.constant 0 : index
    %get3A_15 = arith.constant 80 : index
    %get3A_16 = vector.load %arg2[%get3A_14, %get3A_15] : memref<400x128xf32, #tpu.memory_space<vmem>>, vector<400x16xf32>
    %get3A_17 = arith.constant 0 : index
    %get3A_18 = arith.constant 96 : index
    %get3A_19 = vector.load %arg2[%get3A_17, %get3A_18] : memref<400x128xf32, #tpu.memory_space<vmem>>, vector<400x16xf32>
    %get3A_20 = arith.constant 0 : index
    %get3A_21 = arith.constant 112 : index
    %get3A_22 = vector.load %arg2[%get3A_20, %get3A_21] : memref<400x128xf32, #tpu.memory_space<vmem>>, vector<400x16xf32>
    %concatenate3A = tpu.concatenate %get3A_1, %get3A_4, %get3A_7, %get3A_10, %get3A_13, %get3A_16, %get3A_19, %get3A_22 in 0 : vector<400x16xf32>, vector<400x16xf32>, vector<400x16xf32>, vector<400x16xf32>, vector<400x16xf32>, vector<400x16xf32>, vector<400x16xf32>, vector<400x16xf32> -> vector<3200x16xf32>
    %get3A_23 = arith.constant 0 : index
    %get3A_24 = arith.constant 0 : index
    %get3A_25 = vector.load %arg1[%get3A_23, %get3A_24] : memref<16x3200xf32, #tpu.memory_space<vmem>>, vector<16x3200xf32>
    %get3A_26 = arith.constant 0 : index
    %get3A_27 = arith.constant 0 : index
    %get3A_28 = vector.load %arg3[%get3A_26, %get3A_27] : memref<16x256xf32, #tpu.memory_space<vmem>>, vector<16x256xf32>
    %dot_general3A = arith.constant dense<0.000000e+00> : vector<3200x256xf32>
    %dot_general3A_29 = tpu.matmul %get3A_25, %get3A_28, %dot_general3A {dimension_numbers = #tpu.dot_dimension_numbers<[0], [0], [1], [1], [0, 1, 1, 1], [], []>, transpose_lhs_hint = false} : vector<16x3200xf32>, vector<16x256xf32>, vector<3200x256xf32> -> vector<3200x256xf32>
    %max3A = arith.constant 0.000000e+00 : f32
    %max3A_30 = vector.broadcast %max3A : f32 to vector<3200x256xf32>
    %max3A_31 = arith.maximumf %dot_general3A_29, %max3A_30 : vector<3200x256xf32>
    %convert_element_type3A = arith.truncf %max3A_31 : vector<3200x256xf32> to vector<3200x256xbf16>
    %get3A_32 = arith.constant 0 : index
    %get3A_33 = arith.constant 0 : index
    %get3A_34 = vector.load %arg4[%get3A_32, %get3A_33] : memref<256x256xf32, #tpu.memory_space<vmem>>, vector<256x256xf32>
    %convert_element_type3A_35 = arith.truncf %get3A_34 : vector<256x256xf32> to vector<256x256xbf16>
    %dot_general3A_36 = arith.constant dense<0.000000e+00> : vector<3200x256xf32>
    %dot_general3A_37 = tpu.matmul %convert_element_type3A, %convert_element_type3A_35, %dot_general3A_36 {dimension_numbers = #tpu.dot_dimension_numbers<[1], [0], [0], [1], [0, 0, 1, 1], [], []>, transpose_lhs_hint = false} : vector<3200x256xbf16>, vector<256x256xbf16>, vector<3200x256xf32> -> vector<3200x256xf32>
    %get3A_38 = arith.constant 0 : index
    %get3A_39 = arith.constant 0 : index
    %get3A_40 = vector.load %arg5[%get3A_38, %get3A_39] : memref<16x256xf32, #tpu.memory_space<vmem>>, vector<16x256xf32>
    %dot_general3A_41 = arith.constant dense<0.000000e+00> : vector<3200x256xf32>
    %dot_general3A_42 = tpu.matmul %concatenate3A, %get3A_40, %dot_general3A_41 {dimension_numbers = #tpu.dot_dimension_numbers<[1], [0], [0], [1], [0, 0, 1, 1], [], []>, transpose_lhs_hint = false} : vector<3200x16xf32>, vector<16x256xf32>, vector<3200x256xf32> -> vector<3200x256xf32>
    %mul3A = arith.mulf %dot_general3A_42, %dot_general3A_37 : vector<3200x256xf32>
    %get3A_43 = arith.constant 0 : index
    %get3A_44 = arith.constant 0 : index
    %get3A_45 = vector.load %arg6[%get3A_43, %get3A_44] : memref<256x16xf32, #tpu.memory_space<vmem>>, vector<256x16xf32>
    %dot_general3A_46 = arith.constant dense<0.000000e+00> : vector<3200x16xf32>
    %dot_general3A_47 = tpu.matmul %mul3A, %get3A_45, %dot_general3A_46 {dimension_numbers = #tpu.dot_dimension_numbers<[1], [0], [0], [1], [0, 0, 1, 1], [], []>, transpose_lhs_hint = false} : vector<3200x256xf32>, vector<256x16xf32>, vector<3200x16xf32> -> vector<3200x16xf32>
    %slice3A = vector.extract_strided_slice %dot_general3A_47 {offsets = [0, 0], sizes = [400, 16], strides = [1, 1]} : vector<3200x16xf32> to vector<400x16xf32>
    %slice3A_48 = vector.extract_strided_slice %dot_general3A_47 {offsets = [400, 0], sizes = [400, 16], strides = [1, 1]} : vector<3200x16xf32> to vector<400x16xf32>
    %slice3A_49 = vector.extract_strided_slice %dot_general3A_47 {offsets = [800, 0], sizes = [400, 16], strides = [1, 1]} : vector<3200x16xf32> to vector<400x16xf32>
    %slice3A_50 = vector.extract_strided_slice %dot_general3A_47 {offsets = [1200, 0], sizes = [400, 16], strides = [1, 1]} : vector<3200x16xf32> to vector<400x16xf32>
    %slice3A_51 = vector.extract_strided_slice %dot_general3A_47 {offsets = [1600, 0], sizes = [400, 16], strides = [1, 1]} : vector<3200x16xf32> to vector<400x16xf32>
    %slice3A_52 = vector.extract_strided_slice %dot_general3A_47 {offsets = [2000, 0], sizes = [400, 16], strides = [1, 1]} : vector<3200x16xf32> to vector<400x16xf32>
    %slice3A_53 = vector.extract_strided_slice %dot_general3A_47 {offsets = [2400, 0], sizes = [400, 16], strides = [1, 1]} : vector<3200x16xf32> to vector<400x16xf32>
    %slice3A_54 = vector.extract_strided_slice %dot_general3A_47 {offsets = [2800, 0], sizes = [400, 16], strides = [1, 1]} : vector<3200x16xf32> to vector<400x16xf32>
    %concatenate3A_55 = tpu.concatenate %slice3A, %slice3A_48, %slice3A_49, %slice3A_50, %slice3A_51, %slice3A_52, %slice3A_53, %slice3A_54 in 1 : vector<400x16xf32>, vector<400x16xf32>, vector<400x16xf32>, vector<400x16xf32>, vector<400x16xf32>, vector<400x16xf32>, vector<400x16xf32>, vector<400x16xf32> -> vector<400x128xf32>
    %swap3A = arith.constant 0 : index
    %swap3A_56 = arith.constant 0 : index
    %swap3A_57 = vector.load %arg7[%swap3A, %swap3A_56] : memref<400x128xf32, #tpu.memory_space<vmem>>, vector<400x128xf32>
    tpu.vector_store %arg7[%swap3A, %swap3A_56], %concatenate3A_55 {strides = array<i32>} : memref<400x128xf32, #tpu.memory_space<vmem>>, vector<400x128xf32>,
    return
  }
  func.func @transform_0(%arg0: i32) -> (i32, i32) {
    %add3A = arith.constant 25 : i32
    %add3A_0 = arith.addi %arg0, %add3A : i32
    %c0_i32 = arith.constant 0 : i32
    %c0_i32_1 = arith.constant 0 : i32
    return %c0_i32, %add3A_0 : i32, i32
  }
  func.func @transform_1(%arg0: i32) -> (i32, i32) {
    %c0_i32 = arith.constant 0 : i32
    %c0_i32_0 = arith.constant 0 : i32
    return %arg0, %c0_i32 : i32, i32
  }
  func.func @transform_2(%arg0: i32) -> (i32, i32) {
    %c0_i32 = arith.constant 0 : i32
    %c0_i32_0 = arith.constant 0 : i32
    %c0_i32_1 = arith.constant 0 : i32
    return %c0_i32, %c0_i32_0 : i32, i32
  }
  func.func @transform_3(%arg0: i32) -> (i32, i32) {
    %c0_i32 = arith.constant 0 : i32
    %c0_i32_0 = arith.constant 0 : i32
    %c0_i32_1 = arith.constant 0 : i32
    return %c0_i32, %c0_i32_0 : i32, i32
  }
  func.func @transform_4(%arg0: i32) -> (i32, i32) {
    %c0_i32 = arith.constant 0 : i32
    %c0_i32_0 = arith.constant 0 : i32
    %c0_i32_1 = arith.constant 0 : i32
    return %c0_i32, %c0_i32_0 : i32, i32
  }
  func.func @transform_5(%arg0: i32) -> (i32, i32) {
    %c0_i32 = arith.constant 0 : i32
    %c0_i32_0 = arith.constant 0 : i32
    %c0_i32_1 = arith.constant 0 : i32
    return %c0_i32, %c0_i32_0 : i32, i32
  }
  func.func @transform_6(%arg0: i32) -> (i32, i32) {
    %c0_i32 = arith.constant 0 : i32
    %c0_i32_0 = arith.constant 0 : i32
    return %arg0, %c0_i32 : i32, i32
  }
}

module attributes {stable_mosaic.version = 14 : i64} {
  func.func @_edge_tc(%arg0: i32, %arg1: memref<16x3200xf32, #tpu.memory_space<vmem>>, %arg2: memref<400x128xf32, #tpu.memory_space<vmem>>, %arg3: memref<16x256xf32, #tpu.memory_space<vmem>>, %arg4: memref<256x256xf32, #tpu.memory_space<vmem>>, %arg5: memref<16x256xf32, #tpu.memory_space<vmem>>, %arg6: memref<256x16xf32, #tpu.memory_space<vmem>>, %arg7: memref<400x128xf32, #tpu.memory_space<vmem>>) attributes {dimension_semantics = [#tpu.dimension_semantics<arbitrary>], iteration_bounds = array<i64: 25>, scalar_prefetch = 0 : i64, scratch_operands = 0 : i64, tpu.core_type = #tpu.core_type<tc>, window_params = [{transform_indices = @transform_0, window_bounds = array<i64: 16, 3200>}, {transform_indices = @transform_1, window_bounds = array<i64: 400, 128>}, {pipeline_mode = #tpu.pipeline_mode<synchronous>, transform_indices = @transform_2, window_bounds = array<i64: 16, 256>}, {pipeline_mode = #tpu.pipeline_mode<synchronous>, transform_indices = @transform_3, window_bounds = array<i64: 256, 256>}, {pipeline_mode = #tpu.pipeline_mode<synchronous>, transform_indices = @transform_4, window_bounds = array<i64: 16, 256>}, {pipeline_mode = #tpu.pipeline_mode<synchronous>, transform_indices = @transform_5, window_bounds = array<i64: 256, 16>}, {transform_indices = @transform_6, window_bounds = array<i64: 400, 128>}]} {
    %get3A = arith.constant 0 : index
    %get3A_0 = arith.constant 0 : index
    %get3A_1 = vector.load %arg2[%get3A, %get3A_0] : memref<400x128xf32, #tpu.memory_space<vmem>>, vector<400x16xf32>
    %get3A_2 = arith.constant 0 : index
    %get3A_3 = arith.constant 16 : index
    %get3A_4 = vector.load %arg2[%get3A_2, %get3A_3] : memref<400x128xf32, #tpu.memory_space<vmem>>, vector<400x16xf32>
    %get3A_5 = arith.constant 0 : index
    %get3A_6 = arith.constant 32 : index
    %get3A_7 = vector.load %arg2[%get3A_5, %get3A_6] : memref<400x128xf32, #tpu.memory_space<vmem>>, vector<400x16xf32>
    %get3A_8 = arith.constant 0 : index
    %get3A_9 = arith.constant 48 : index
    %get3A_10 = vector.load %arg2[%get3A_8, %get3A_9] : memref<400x128xf32, #tpu.memory_space<vmem>>, vector<400x16xf32>
    %get3A_11 = arith.constant 0 : index
    %get3A_12 = arith.constant 64 : index
    %get3A_13 = vector.load %arg2[%get3A_11, %get3A_12] : memref<400x128xf32, #tpu.memory_space<vmem>>, vector<400x16xf32>
    %get3A_14 = arith.constant 0 : index
    %get3A_15 = arith.constant 80 : index
    %get3A_16 = vector.load %arg2[%get3A_14, %get3A_15] : memref<400x128xf32, #tpu.memory_space<vmem>>, vector<400x16xf32>
    %get3A_17 = arith.constant 0 : index
    %get3A_18 = arith.constant 96 : index
    %get3A_19 = vector.load %arg2[%get3A_17, %get3A_18] : memref<400x128xf32, #tpu.memory_space<vmem>>, vector<400x16xf32>
    %get3A_20 = arith.constant 0 : index
    %get3A_21 = arith.constant 112 : index
    %get3A_22 = vector.load %arg2[%get3A_20, %get3A_21] : memref<400x128xf32, #tpu.memory_space<vmem>>, vector<400x16xf32>
    %concatenate3A = tpu.concatenate %get3A_1, %get3A_4, %get3A_7, %get3A_10, %get3A_13, %get3A_16, %get3A_19, %get3A_22 in 0 : vector<400x16xf32>, vector<400x16xf32>, vector<400x16xf32>, vector<400x16xf32>, vector<400x16xf32>, vector<400x16xf32>, vector<400x16xf32>, vector<400x16xf32> -> vector<3200x16xf32>
    %get3A_23 = arith.constant 0 : index
    %get3A_24 = arith.constant 0 : index
    %get3A_25 = vector.load %arg1[%get3A_23, %get3A_24] : memref<16x3200xf32, #tpu.memory_space<vmem>>, vector<16x3200xf32>
    %get3A_26 = arith.constant 0 : index
    %get3A_27 = arith.constant 0 : index
    %get3A_28 = vector.load %arg3[%get3A_26, %get3A_27] : memref<16x256xf32, #tpu.memory_space<vmem>>, vector<16x256xf32>
    %dot_general3A = arith.constant dense<0.000000e+00> : vector<3200x256xf32>
    %dot_general3A_29 = tpu.matmul %get3A_25, %get3A_28, %dot_general3A {dimension_numbers = #tpu.dot_dimension_numbers<[0], [0], [1], [1], [0, 1, 1, 1], [], []>, transpose_lhs_hint = false} : vector<16x3200xf32>, vector<16x256xf32>, vector<3200x256xf32> -> vector<3200x256xf32>
    %max3A = arith.constant 0.000000e+00 : f32
    %max3A_30 = vector.broadcast %max3A : f32 to vector<3200x256xf32>
    %max3A_31 = arith.maximumf %dot_general3A_29, %max3A_30 : vector<3200x256xf32>
    %convert_element_type3A = arith.truncf %max3A_31 : vector<3200x256xf32> to vector<3200x256xbf16>
    %get3A_32 = arith.constant 0 : index
    %get3A_33 = arith.constant 0 : index
    %get3A_34 = vector.load %arg4[%get3A_32, %get3A_33] : memref<256x256xf32, #tpu.memory_space<vmem>>, vector<256x256xf32>
    %convert_element_type3A_35 = arith.truncf %get3A_34 : vector<256x256xf32> to vector<256x256xbf16>
    %dot_general3A_36 = arith.constant dense<0.000000e+00> : vector<3200x256xf32>
    %dot_general3A_37 = tpu.matmul %convert_element_type3A, %convert_element_type3A_35, %dot_general3A_36 {dimension_numbers = #tpu.dot_dimension_numbers<[1], [0], [0], [1], [0, 0, 1, 1], [], []>, transpose_lhs_hint = false} : vector<3200x256xbf16>, vector<256x256xbf16>, vector<3200x256xf32> -> vector<3200x256xf32>
    %get3A_38 = arith.constant 0 : index
    %get3A_39 = arith.constant 0 : index
    %get3A_40 = vector.load %arg5[%get3A_38, %get3A_39] : memref<16x256xf32, #tpu.memory_space<vmem>>, vector<16x256xf32>
    %dot_general3A_41 = arith.constant dense<0.000000e+00> : vector<3200x256xf32>
    %dot_general3A_42 = tpu.matmul %concatenate3A, %get3A_40, %dot_general3A_41 {dimension_numbers = #tpu.dot_dimension_numbers<[1], [0], [0], [1], [0, 0, 1, 1], [], []>, transpose_lhs_hint = false} : vector<3200x16xf32>, vector<16x256xf32>, vector<3200x256xf32> -> vector<3200x256xf32>
    %mul3A = arith.mulf %dot_general3A_42, %dot_general3A_37 : vector<3200x256xf32>
    %get3A_43 = arith.constant 0 : index
    %get3A_44 = arith.constant 0 : index
    %get3A_45 = vector.load %arg6[%get3A_43, %get3A_44] : memref<256x16xf32, #tpu.memory_space<vmem>>, vector<256x16xf32>
    %dot_general3A_46 = arith.constant dense<0.000000e+00> : vector<3200x16xf32>
    %dot_general3A_47 = tpu.matmul %mul3A, %get3A_45, %dot_general3A_46 {dimension_numbers = #tpu.dot_dimension_numbers<[1], [0], [0], [1], [0, 0, 1, 1], [], []>, transpose_lhs_hint = false} : vector<3200x256xf32>, vector<256x16xf32>, vector<3200x16xf32> -> vector<3200x16xf32>
    %slice3A = vector.extract_strided_slice %dot_general3A_47 {offsets = [0, 0], sizes = [400, 16], strides = [1, 1]} : vector<3200x16xf32> to vector<400x16xf32>
    %slice3A_48 = vector.extract_strided_slice %dot_general3A_47 {offsets = [400, 0], sizes = [400, 16], strides = [1, 1]} : vector<3200x16xf32> to vector<400x16xf32>
    %slice3A_49 = vector.extract_strided_slice %dot_general3A_47 {offsets = [800, 0], sizes = [400, 16], strides = [1, 1]} : vector<3200x16xf32> to vector<400x16xf32>
    %slice3A_50 = vector.extract_strided_slice %dot_general3A_47 {offsets = [1200, 0], sizes = [400, 16], strides = [1, 1]} : vector<3200x16xf32> to vector<400x16xf32>
    %slice3A_51 = vector.extract_strided_slice %dot_general3A_47 {offsets = [1600, 0], sizes = [400, 16], strides = [1, 1]} : vector<3200x16xf32> to vector<400x16xf32>
    %slice3A_52 = vector.extract_strided_slice %dot_general3A_47 {offsets = [2000, 0], sizes = [400, 16], strides = [1, 1]} : vector<3200x16xf32> to vector<400x16xf32>
    %slice3A_53 = vector.extract_strided_slice %dot_general3A_47 {offsets = [2400, 0], sizes = [400, 16], strides = [1, 1]} : vector<3200x16xf32> to vector<400x16xf32>
    %slice3A_54 = vector.extract_strided_slice %dot_general3A_47 {offsets = [2800, 0], sizes = [400, 16], strides = [1, 1]} : vector<3200x16xf32> to vector<400x16xf32>
    %concatenate3A_55 = tpu.concatenate %slice3A, %slice3A_48, %slice3A_49, %slice3A_50, %slice3A_51, %slice3A_52, %slice3A_53, %slice3A_54 in 1 : vector<400x16xf32>, vector<400x16xf32>, vector<400x16xf32>, vector<400x16xf32>, vector<400x16xf32>, vector<400x16xf32>, vector<400x16xf32>, vector<400x16xf32> -> vector<400x128xf32>
    %swap3A = arith.constant 0 : index
    %swap3A_56 = arith.constant 0 : index
    %swap3A_57 = vector.load %arg7[%swap3A, %swap3A_56] : memref<400x128xf32, #tpu.memory_space<vmem>>, vector<400x128xf32>
    tpu.vector_store %arg7[%swap3A, %swap3A_56], %concatenate3A_55 {strides = array<i32>} : memref<400x128xf32, #tpu.memory_space<vmem>>, vector<400x128xf32>,
    return
  }
  func.func @transform_0(%arg0: i32) -> (i32, i32) {
    %add3A = arith.constant 0 : i32
    %add3A_0 = arith.addi %arg0, %add3A : i32
    %c0_i32 = arith.constant 0 : i32
    %c0_i32_1 = arith.constant 0 : i32
    return %c0_i32, %add3A_0 : i32, i32
  }
  func.func @transform_1(%arg0: i32) -> (i32, i32) {
    %c0_i32 = arith.constant 0 : i32
    %c0_i32_0 = arith.constant 0 : i32
    return %arg0, %c0_i32 : i32, i32
  }
  func.func @transform_2(%arg0: i32) -> (i32, i32) {
    %c0_i32 = arith.constant 0 : i32
    %c0_i32_0 = arith.constant 0 : i32
    %c0_i32_1 = arith.constant 0 : i32
    return %c0_i32, %c0_i32_0 : i32, i32
  }
  func.func @transform_3(%arg0: i32) -> (i32, i32) {
    %c0_i32 = arith.constant 0 : i32
    %c0_i32_0 = arith.constant 0 : i32
    %c0_i32_1 = arith.constant 0 : i32
    return %c0_i32, %c0_i32_0 : i32, i32
  }
  func.func @transform_4(%arg0: i32) -> (i32, i32) {
    %c0_i32 = arith.constant 0 : i32
    %c0_i32_0 = arith.constant 0 : i32
    %c0_i32_1 = arith.constant 0 : i32
    return %c0_i32, %c0_i32_0 : i32, i32
  }
  func.func @transform_5(%arg0: i32) -> (i32, i32) {
    %c0_i32 = arith.constant 0 : i32
    %c0_i32_0 = arith.constant 0 : i32
    %c0_i32_1 = arith.constant 0 : i32
    return %c0_i32, %c0_i32_0 : i32, i32
  }
  func.func @transform_6(%arg0: i32) -> (i32, i32) {
    %c0_i32 = arith.constant 0 : i32
    %c0_i32_0 = arith.constant 0 : i32
    return %arg0, %c0_i32 : i32, i32
  }
}

module attributes {stable_mosaic.version = 14 : i64} {
  func.func @_combine_tc(%arg0: memref<2x1250x128xf32, #tpu.memory_space<vmem>>, %arg1: memref<2x1250x128xf32, #tpu.memory_space<vmem>>, %arg2: memref<1250x128xf32, #tpu.memory_space<vmem>>, %arg3: memref<16x16xf32, #tpu.memory_space<vmem>>, %arg4: memref<1x16xf32, #tpu.memory_space<vmem>>, %arg5: memref<1250x128xf32, #tpu.memory_space<vmem>>) attributes {dimension_semantics = [], scalar_prefetch = 0 : i64, scratch_operands = 0 : i64, tpu.core_type = #tpu.core_type<tc>} {
    %get3A = arith.constant 0 : index
    %get3A_0 = arith.constant 0 : index
    %get3A_1 = vector.load %arg2[%get3A, %get3A_0] : memref<1250x128xf32, #tpu.memory_space<vmem>>, vector<1250x16xf32>
    %get3A_2 = arith.constant 0 : index
    %get3A_3 = arith.constant 16 : index
    %get3A_4 = vector.load %arg2[%get3A_2, %get3A_3] : memref<1250x128xf32, #tpu.memory_space<vmem>>, vector<1250x16xf32>
    %get3A_5 = arith.constant 0 : index
    %get3A_6 = arith.constant 32 : index
    %get3A_7 = vector.load %arg2[%get3A_5, %get3A_6] : memref<1250x128xf32, #tpu.memory_space<vmem>>, vector<1250x16xf32>
    %get3A_8 = arith.constant 0 : index
    %get3A_9 = arith.constant 48 : index
    %get3A_10 = vector.load %arg2[%get3A_8, %get3A_9] : memref<1250x128xf32, #tpu.memory_space<vmem>>, vector<1250x16xf32>
    %get3A_11 = arith.constant 0 : index
    %get3A_12 = arith.constant 64 : index
    %get3A_13 = vector.load %arg2[%get3A_11, %get3A_12] : memref<1250x128xf32, #tpu.memory_space<vmem>>, vector<1250x16xf32>
    %get3A_14 = arith.constant 0 : index
    %get3A_15 = arith.constant 80 : index
    %get3A_16 = vector.load %arg2[%get3A_14, %get3A_15] : memref<1250x128xf32, #tpu.memory_space<vmem>>, vector<1250x16xf32>
    %get3A_17 = arith.constant 0 : index
    %get3A_18 = arith.constant 96 : index
    %get3A_19 = vector.load %arg2[%get3A_17, %get3A_18] : memref<1250x128xf32, #tpu.memory_space<vmem>>, vector<1250x16xf32>
    %get3A_20 = arith.constant 0 : index
    %get3A_21 = arith.constant 112 : index
    %get3A_22 = vector.load %arg2[%get3A_20, %get3A_21] : memref<1250x128xf32, #tpu.memory_space<vmem>>, vector<1250x16xf32>
    %concatenate3A = tpu.concatenate %get3A_1, %get3A_4, %get3A_7, %get3A_10, %get3A_13, %get3A_16, %get3A_19, %get3A_22 in 0 : vector<1250x16xf32>, vector<1250x16xf32>, vector<1250x16xf32>, vector<1250x16xf32>, vector<1250x16xf32>, vector<1250x16xf32>, vector<1250x16xf32>, vector<1250x16xf32> -> vector<10000x16xf32>
    %get3A_23 = arith.constant 0 : index
    %get3A_24 = arith.constant 0 : index
    %get3A_25 = vector.load %arg3[%get3A_23, %get3A_24] : memref<16x16xf32, #tpu.memory_space<vmem>>, vector<16x16xf32>
    %dot_general3A = arith.constant dense<0.000000e+00> : vector<10000x16xf32>
    %dot_general3A_26 = tpu.matmul %concatenate3A, %get3A_25, %dot_general3A {dimension_numbers = #tpu.dot_dimension_numbers<[1], [0], [0], [1], [0, 0, 1, 1], [], []>, transpose_lhs_hint = false} : vector<10000x16xf32>, vector<16x16xf32>, vector<10000x16xf32> -> vector<10000x16xf32>
    %get3A_27 = arith.constant 0 : index
    %get3A_28 = arith.constant 0 : index
    %get3A_29 = vector.load %arg4[%get3A_27, %get3A_28] : memref<1x16xf32, #tpu.memory_space<vmem>>, vector<1x16xf32>
    %add3A = vector.broadcast %get3A_29 : vector<1x16xf32> to vector<10000x16xf32>
    %add3A_30 = arith.addf %dot_general3A_26, %add3A : vector<10000x16xf32>
    %get3A_31 = arith.constant 0 : index
    %get3A_32 = arith.constant 0 : index
    %get3A_33 = arith.constant 0 : index
    %get3A_34 = vector.load %arg0[%get3A_31, %get3A_32, %get3A_33] : memref<2x1250x128xf32, #tpu.memory_space<vmem>>, vector<1x1250x128xf32>
    %get3A_35 = vector.shape_cast %get3A_34 : vector<1x1250x128xf32> to vector<1250x128xf32>
    %slice3A = vector.extract_strided_slice %get3A_35 {offsets = [0, 0], sizes = [1250, 16], strides = [1, 1]} : vector<1250x128xf32> to vector<1250x16xf32>
    %slice3A_36 = vector.extract_strided_slice %get3A_35 {offsets = [0, 16], sizes = [1250, 16], strides = [1, 1]} : vector<1250x128xf32> to vector<1250x16xf32>
    %slice3A_37 = vector.extract_strided_slice %get3A_35 {offsets = [0, 32], sizes = [1250, 16], strides = [1, 1]} : vector<1250x128xf32> to vector<1250x16xf32>
    %slice3A_38 = vector.extract_strided_slice %get3A_35 {offsets = [0, 48], sizes = [1250, 16], strides = [1, 1]} : vector<1250x128xf32> to vector<1250x16xf32>
    %slice3A_39 = vector.extract_strided_slice %get3A_35 {offsets = [0, 64], sizes = [1250, 16], strides = [1, 1]} : vector<1250x128xf32> to vector<1250x16xf32>
    %slice3A_40 = vector.extract_strided_slice %get3A_35 {offsets = [0, 80], sizes = [1250, 16], strides = [1, 1]} : vector<1250x128xf32> to vector<1250x16xf32>
    %slice3A_41 = vector.extract_strided_slice %get3A_35 {offsets = [0, 96], sizes = [1250, 16], strides = [1, 1]} : vector<1250x128xf32> to vector<1250x16xf32>
    %slice3A_42 = vector.extract_strided_slice %get3A_35 {offsets = [0, 112], sizes = [1250, 16], strides = [1, 1]} : vector<1250x128xf32> to vector<1250x16xf32>
    %concatenate3A_43 = tpu.concatenate %slice3A, %slice3A_36, %slice3A_37, %slice3A_38, %slice3A_39, %slice3A_40, %slice3A_41, %slice3A_42 in 0 : vector<1250x16xf32>, vector<1250x16xf32>, vector<1250x16xf32>, vector<1250x16xf32>, vector<1250x16xf32>, vector<1250x16xf32>, vector<1250x16xf32>, vector<1250x16xf32> -> vector<10000x16xf32>
    %add3A_44 = arith.addf %add3A_30, %concatenate3A_43 : vector<10000x16xf32>
    %get3A_45 = arith.constant 1 : index
    %get3A_46 = arith.constant 0 : index
    %get3A_47 = arith.constant 0 : index
    %get3A_48 = vector.load %arg0[%get3A_45, %get3A_46, %get3A_47] : memref<2x1250x128xf32, #tpu.memory_space<vmem>>, vector<1x1250x128xf32>
    %get3A_49 = vector.shape_cast %get3A_48 : vector<1x1250x128xf32> to vector<1250x128xf32>
    %slice3A_50 = vector.extract_strided_slice %get3A_49 {offsets = [0, 0], sizes = [1250, 16], strides = [1, 1]} : vector<1250x128xf32> to vector<1250x16xf32>
    %slice3A_51 = vector.extract_strided_slice %get3A_49 {offsets = [0, 16], sizes = [1250, 16], strides = [1, 1]} : vector<1250x128xf32> to vector<1250x16xf32>
    %slice3A_52 = vector.extract_strided_slice %get3A_49 {offsets = [0, 32], sizes = [1250, 16], strides = [1, 1]} : vector<1250x128xf32> to vector<1250x16xf32>
    %slice3A_53 = vector.extract_strided_slice %get3A_49 {offsets = [0, 48], sizes = [1250, 16], strides = [1, 1]} : vector<1250x128xf32> to vector<1250x16xf32>
    %slice3A_54 = vector.extract_strided_slice %get3A_49 {offsets = [0, 64], sizes = [1250, 16], strides = [1, 1]} : vector<1250x128xf32> to vector<1250x16xf32>
    %slice3A_55 = vector.extract_strided_slice %get3A_49 {offsets = [0, 80], sizes = [1250, 16], strides = [1, 1]} : vector<1250x128xf32> to vector<1250x16xf32>
    %slice3A_56 = vector.extract_strided_slice %get3A_49 {offsets = [0, 96], sizes = [1250, 16], strides = [1, 1]} : vector<1250x128xf32> to vector<1250x16xf32>
    %slice3A_57 = vector.extract_strided_slice %get3A_49 {offsets = [0, 112], sizes = [1250, 16], strides = [1, 1]} : vector<1250x128xf32> to vector<1250x16xf32>
    %concatenate3A_58 = tpu.concatenate %slice3A_50, %slice3A_51, %slice3A_52, %slice3A_53, %slice3A_54, %slice3A_55, %slice3A_56, %slice3A_57 in 0 : vector<1250x16xf32>, vector<1250x16xf32>, vector<1250x16xf32>, vector<1250x16xf32>, vector<1250x16xf32>, vector<1250x16xf32>, vector<1250x16xf32>, vector<1250x16xf32> -> vector<10000x16xf32>
    %add3A_59 = arith.addf %add3A_44, %concatenate3A_58 : vector<10000x16xf32>
    %get3A_60 = arith.constant 0 : index
    %get3A_61 = arith.constant 0 : index
    %get3A_62 = arith.constant 0 : index
    %get3A_63 = vector.load %arg1[%get3A_60, %get3A_61, %get3A_62] : memref<2x1250x128xf32, #tpu.memory_space<vmem>>, vector<1x1250x128xf32>
    %get3A_64 = vector.shape_cast %get3A_63 : vector<1x1250x128xf32> to vector<1250x128xf32>
    %slice3A_65 = vector.extract_strided_slice %get3A_64 {offsets = [0, 0], sizes = [1250, 16], strides = [1, 1]} : vector<1250x128xf32> to vector<1250x16xf32>
    %slice3A_66 = vector.extract_strided_slice %get3A_64 {offsets = [0, 16], sizes = [1250, 16], strides = [1, 1]} : vector<1250x128xf32> to vector<1250x16xf32>
    %slice3A_67 = vector.extract_strided_slice %get3A_64 {offsets = [0, 32], sizes = [1250, 16], strides = [1, 1]} : vector<1250x128xf32> to vector<1250x16xf32>
    %slice3A_68 = vector.extract_strided_slice %get3A_64 {offsets = [0, 48], sizes = [1250, 16], strides = [1, 1]} : vector<1250x128xf32> to vector<1250x16xf32>
    %slice3A_69 = vector.extract_strided_slice %get3A_64 {offsets = [0, 64], sizes = [1250, 16], strides = [1, 1]} : vector<1250x128xf32> to vector<1250x16xf32>
    %slice3A_70 = vector.extract_strided_slice %get3A_64 {offsets = [0, 80], sizes = [1250, 16], strides = [1, 1]} : vector<1250x128xf32> to vector<1250x16xf32>
    %slice3A_71 = vector.extract_strided_slice %get3A_64 {offsets = [0, 96], sizes = [1250, 16], strides = [1, 1]} : vector<1250x128xf32> to vector<1250x16xf32>
    %slice3A_72 = vector.extract_strided_slice %get3A_64 {offsets = [0, 112], sizes = [1250, 16], strides = [1, 1]} : vector<1250x128xf32> to vector<1250x16xf32>
    %concatenate3A_73 = tpu.concatenate %slice3A_65, %slice3A_66, %slice3A_67, %slice3A_68, %slice3A_69, %slice3A_70, %slice3A_71, %slice3A_72 in 0 : vector<1250x16xf32>, vector<1250x16xf32>, vector<1250x16xf32>, vector<1250x16xf32>, vector<1250x16xf32>, vector<1250x16xf32>, vector<1250x16xf32>, vector<1250x16xf32> -> vector<10000x16xf32>
    %add3A_74 = arith.addf %add3A_59, %concatenate3A_73 : vector<10000x16xf32>
    %get3A_75 = arith.constant 1 : index
    %get3A_76 = arith.constant 0 : index
    %get3A_77 = arith.constant 0 : index
    %get3A_78 = vector.load %arg1[%get3A_75, %get3A_76, %get3A_77] : memref<2x1250x128xf32, #tpu.memory_space<vmem>>, vector<1x1250x128xf32>
    %get3A_79 = vector.shape_cast %get3A_78 : vector<1x1250x128xf32> to vector<1250x128xf32>
    %slice3A_80 = vector.extract_strided_slice %get3A_79 {offsets = [0, 0], sizes = [1250, 16], strides = [1, 1]} : vector<1250x128xf32> to vector<1250x16xf32>
    %slice3A_81 = vector.extract_strided_slice %get3A_79 {offsets = [0, 16], sizes = [1250, 16], strides = [1, 1]} : vector<1250x128xf32> to vector<1250x16xf32>
    %slice3A_82 = vector.extract_strided_slice %get3A_79 {offsets = [0, 32], sizes = [1250, 16], strides = [1, 1]} : vector<1250x128xf32> to vector<1250x16xf32>
    %slice3A_83 = vector.extract_strided_slice %get3A_79 {offsets = [0, 48], sizes = [1250, 16], strides = [1, 1]} : vector<1250x128xf32> to vector<1250x16xf32>
    %slice3A_84 = vector.extract_strided_slice %get3A_79 {offsets = [0, 64], sizes = [1250, 16], strides = [1, 1]} : vector<1250x128xf32> to vector<1250x16xf32>
    %slice3A_85 = vector.extract_strided_slice %get3A_79 {offsets = [0, 80], sizes = [1250, 16], strides = [1, 1]} : vector<1250x128xf32> to vector<1250x16xf32>
    %slice3A_86 = vector.extract_strided_slice %get3A_79 {offsets = [0, 96], sizes = [1250, 16], strides = [1, 1]} : vector<1250x128xf32> to vector<1250x16xf32>
    %slice3A_87 = vector.extract_strided_slice %get3A_79 {offsets = [0, 112], sizes = [1250, 16], strides = [1, 1]} : vector<1250x128xf32> to vector<1250x16xf32>
    %concatenate3A_88 = tpu.concatenate %slice3A_80, %slice3A_81, %slice3A_82, %slice3A_83, %slice3A_84, %slice3A_85, %slice3A_86, %slice3A_87 in 0 : vector<1250x16xf32>, vector<1250x16xf32>, vector<1250x16xf32>, vector<1250x16xf32>, vector<1250x16xf32>, vector<1250x16xf32>, vector<1250x16xf32>, vector<1250x16xf32> -> vector<10000x16xf32>
    %add3A_89 = arith.addf %add3A_74, %concatenate3A_88 : vector<10000x16xf32>
    %slice3A_90 = vector.extract_strided_slice %add3A_89 {offsets = [0, 0], sizes = [1250, 16], strides = [1, 1]} : vector<10000x16xf32> to vector<1250x16xf32>
    %slice3A_91 = vector.extract_strided_slice %add3A_89 {offsets = [1250, 0], sizes = [1250, 16], strides = [1, 1]} : vector<10000x16xf32> to vector<1250x16xf32>
    %slice3A_92 = vector.extract_strided_slice %add3A_89 {offsets = [2500, 0], sizes = [1250, 16], strides = [1, 1]} : vector<10000x16xf32> to vector<1250x16xf32>
    %slice3A_93 = vector.extract_strided_slice %add3A_89 {offsets = [3750, 0], sizes = [1250, 16], strides = [1, 1]} : vector<10000x16xf32> to vector<1250x16xf32>
    %slice3A_94 = vector.extract_strided_slice %add3A_89 {offsets = [5000, 0], sizes = [1250, 16], strides = [1, 1]} : vector<10000x16xf32> to vector<1250x16xf32>
    %slice3A_95 = vector.extract_strided_slice %add3A_89 {offsets = [6250, 0], sizes = [1250, 16], strides = [1, 1]} : vector<10000x16xf32> to vector<1250x16xf32>
    %slice3A_96 = vector.extract_strided_slice %add3A_89 {offsets = [7500, 0], sizes = [1250, 16], strides = [1, 1]} : vector<10000x16xf32> to vector<1250x16xf32>
    %slice3A_97 = vector.extract_strided_slice %add3A_89 {offsets = [8750, 0], sizes = [1250, 16], strides = [1, 1]} : vector<10000x16xf32> to vector<1250x16xf32>
    %concatenate3A_98 = tpu.concatenate %slice3A_90, %slice3A_91, %slice3A_92, %slice3A_93, %slice3A_94, %slice3A_95, %slice3A_96, %slice3A_97 in 1 : vector<1250x16xf32>, vector<1250x16xf32>, vector<1250x16xf32>, vector<1250x16xf32>, vector<1250x16xf32>, vector<1250x16xf32>, vector<1250x16xf32>, vector<1250x16xf32> -> vector<1250x128xf32>
    %swap3A = arith.constant 0 : index
    %swap3A_99 = arith.constant 0 : index
    %swap3A_100 = vector.load %arg5[%swap3A, %swap3A_99] : memref<1250x128xf32, #tpu.memory_space<vmem>>, vector<1250x128xf32>
    tpu.vector_store %arg5[%swap3A, %swap3A_99], %concatenate3A_98 {strides = array<i32>} : memref<1250x128xf32, #tpu.memory_space<vmem>>, vector<1250x128xf32>,
    return
  }
}

</mosaic_0001>

<sc_bundles>
// kernel: kernel.12.cloned.1.call-start
scs
__scs_entry_jumppad:
0x0: {  	(pc) =	sbr.rel $0x88, $3  }
0x1: {  	(tag) =	ssettag $0x0;
	lr =	simm.s32 $0x1  }
0x2: {  	[smem:$0x3F9A] =	sst lr;
	_ =	strace $0xD0000000  }
0x3: {  	_ = 	snop  }
0x4: {  	_ = 	snop  }
0x5: {  	_ = 	snop  }
0x6: {  	_ = 	snop  }
0x7: {  	_ = 	snop  }
__scs_overlays_trampoline_lowered:
0x8: {  	[smem:$0x3FA9] =	sst s0  }
0x9: {  	[smem:$0x3FAA] =	sst s1  }
0xa: {  	[smem:$0x3FAB] =	sst s2  }
0xb: {  	[smem:$0x3FAC] =	sst s3  }
0xc: {  	[smem:$0x3FAD] =	sst s4  }
0xd: {  	[smem:$0x3FAE] =	sst s5  }
0xe: {  	[smem:$0x3FAF] =	sst s6  }
0xf: {  	[smem:$0x3FB0] =	sst s7  }
0x10: {  	[smem:$0x3FB1] =	sst s8  }
0x11: {  	[smem:$0x3FB2] =	sst s9;
	s0 =	simm.s32 @!p0 $0x0  }
0x12: {  	s1 =	sld [smem:$0x3F98];
	s0 =	simm.s32 @p0 $0x1  }
0x13: {  	[smem:$0x3FB3] =	sst s0;
	s0 =	simm.s32 @!p1 $0x0  }
0x14: {  	s2 =	sld [smem:$0x3F97];
	s0 =	simm.s32 @p1 $0x1  }
0x15: {  	[smem:$0x3FB4] =	sst s0;
	s0 =	simm.s32 @!p2 $0x0  }
0x16: {  	s3 =	sld [smem:$0x3FDB];
	s0 =	simm.s32 @p2 $0x1  }
0x17: {  	s4 =	simm.s32 $0x1BF5;
	[smem:$0x3FB6] =	sst s0  }
0x18: {  	s0 =	sld [smem:$0x3F99];
	_ =	swait.ge [sflag:s4], $0x0  }
0x19: {  	s7 =	sld [smem:$0x3F9A]  }
0x1a: {  	s8 =	sadd.s32 $0xFFFFE003, lr  }
0x1b: {  	s9 =	sadd.s32 $0xFFFFFEF7, lr;
	s5 =	simm.s32 $0xFFFFFFFF;
	p2 =	slt.u32 s8, $0xFFFFF086  }
0x1c: {  	p1 =	slt.u32 s9, $0xF7A;
	s5 =	simm.s32 @!p2 $0x0  }
0x1d: {  	s5 =	simm.s32 @p1 $0x1;
	p0 =	seq.s32 s7, s2  }
0x1e: {  	s7 =	smul.u32 @!p0 $0xF7A, s2;
	p2 =	seq.s32 @!p0 s5, $0x0  }
0x1f: {  	s9 =	smul.u32 $0xF7A, s1;
	s8 =	simm.s32 @!p0 $0x1BF5;
	p2 =	por !p2, p0  }
0x20: {  	[sflag:s8] =	ssyncset.s32 @!p0 $0xFFFFF086;
	s6 =	sadd.s32 @!p0 s3, s7;
	s7 =	simm.s32 @!p0 $0x108  }
0x21: {  	s3 =	sadd.s32 s3, s9;
	s6 =	sadd.s32 @!p0 $0x88, s6;
	s7 =	simm.s32 @p2 $0x1082  }
0x22: {  	[simem:s7], [sflag:s8] =	dma.local @!p0 [hbm:s6], $0xF7A  }
0x23: {  	s9 =	sor.u32 $0xD0000000, s2;
	s6 =	simm.s32 $0x108;
	_ =	swait.ge @!p0 [sflag:s8], $0x0  }
0x24: {  	s3 =	sadd.s32 $0x88, s3;
	s6 =	simm.s32 @!p1 $0x1082;
	[sflag:s4] =	ssyncset.s32 $0xFFFFF086  }
0x25: {  	[simem:s6], [sflag:s4] =	dma.local [hbm:s3], $0xF7A  }
0x26: {  	[smem:$0x3F9A] =	sst s1;
	(tag) =	ssettag s2;
	_ =	strace s9  }
0x27: {  	s1 =	sld [smem:$0x3FAA]  }
0x28: {  	s2 =	sld [smem:$0x3FAB]  }
0x29: {  	s4 =	sld [smem:$0x3FAD]  }
0x2a: {  	p0 =	seq.s32 s5, $0x0;
	s5 =	sld [smem:$0x3FAE]  }
0x2b: {  	s6 =	sld [smem:$0x3FAF]  }
0x2c: {  	s7 =	sld [smem:$0x3FB0]  }
0x2d: {  	s3 =	simm.s32 $0x108;
	s8 =	sld [smem:$0x3FB1]  }
0x2e: {  	s3 =	simm.s32 @!p0 $0x1082;
	s9 =	sld [smem:$0x3FB2]  }
0x2f: {  	lr =	sadd.s32 s0, s3;
	s0 =	sld [smem:$0x3FA9]  }
0x30: {  	s3 =	sld [smem:$0x3FAC]  }
0x31: {  	[smem:$0x3FB5] =	sst s10  }
0x32: {  	s10 =	sld [smem:$0x3FB3];
	_ =	sdelay $0x3  }
0x33: {  	p0 =	seq.s32 s10, $0x1;
	s10 =	sld [smem:$0x3FB5];
	_ =	sdelay $0x3  }
0x34: {  	[smem:$0x3FB5] =	sst s10  }
0x35: {  	s10 =	sld [smem:$0x3FB4];
	_ =	sdelay $0x3  }
0x36: {  	p1 =	seq.s32 s10, $0x1;
	s10 =	sld [smem:$0x3FB5];
	_ =	sdelay $0x3  }
0x37: {  	[smem:$0x3FB5] =	sst s10  }
0x38: {  	s10 =	sld [smem:$0x3FB6]  }
0x39: {  	_ = 	snop;
	(pc) =	sbr.ind lr, $3  }
0x3a: {  	_ = 	snop  }
0x3b: {  	_ = 	snop  }
0x3c: {  	p2 =	seq.s32 s10, $0x1;
	s10 =	sld [smem:$0x3FB5]  }
0x3d: {  	_ =	shalt  }
0x3e: {  	_ =	shalt  }
0x3f: {  	_ =	shalt  }
0x40: {  	_ =	shalt  }
0x41: {  	_ =	shalt  }
0x42: {  	_ =	shalt  }
0x43: {  	_ =	shalt  }
0x44: {  	_ =	shalt  }
0x45: {  	_ =	shalt  }
0x46: {  	_ =	shalt  }
0x47: {  	_ =	shalt  }
0x48: {  	_ =	shalt  }
0x49: {  	_ =	shalt  }
0x4a: {  	_ =	shalt  }
0x4b: {  	_ =	shalt  }
0x4c: {  	_ =	shalt  }
0x4d: {  	_ =	shalt  }
0x4e: {  	_ =	shalt  }
0x4f: {  	_ =	shalt  }
0x50: {  	_ =	shalt  }
0x51: {  	_ =	shalt  }
0x52: {  	_ =	shalt  }
0x53: {  	_ =	shalt  }
0x54: {  	_ =	shalt  }
0x55: {  	_ =	shalt  }
0x56: {  	_ =	shalt  }
0x57: {  	_ =	shalt  }
0x58: {  	_ =	shalt  }
0x59: {  	_ =	shalt  }
0x5a: {  	_ =	shalt  }
0x5b: {  	_ =	shalt  }
0x5c: {  	_ =	shalt  }
0x5d: {  	_ =	shalt  }
0x5e: {  	_ =	shalt  }
0x5f: {  	_ =	shalt  }
0x60: {  	_ =	shalt  }
0x61: {  	_ =	shalt  }
0x62: {  	_ =	shalt  }
0x63: {  	_ =	shalt  }
0x64: {  	_ =	shalt  }
0x65: {  	_ =	shalt  }
0x66: {  	_ =	shalt  }
0x67: {  	_ =	shalt  }
0x68: {  	_ =	shalt  }
0x69: {  	_ =	shalt  }
0x6a: {  	_ =	shalt  }
0x6b: {  	_ =	shalt  }
0x6c: {  	_ =	shalt  }
0x6d: {  	_ =	shalt  }
0x6e: {  	_ =	shalt  }
0x6f: {  	_ =	shalt  }
0x70: {  	_ =	shalt  }
0x71: {  	_ =	shalt  }
0x72: {  	_ =	shalt  }
0x73: {  	_ =	shalt  }
0x74: {  	_ =	shalt  }
0x75: {  	_ =	shalt  }
0x76: {  	_ =	shalt  }
0x77: {  	_ =	shalt  }
0x78: {  	_ =	shalt  }
0x79: {  	_ =	shalt  }
0x7a: {  	_ =	shalt  }
0x7b: {  	_ =	shalt  }
0x7c: {  	_ =	shalt  }
0x7d: {  	_ =	shalt  }
0x7e: {  	_ =	shalt  }
0x7f: {  	_ =	shalt  }
0x80: {  	_ =	shalt  }
0x81: {  	_ =	shalt  }
0x82: {  	_ =	shalt  }
0x83: {  	_ =	shalt  }
0x84: {  	_ =	shalt  }
0x85: {  	_ =	shalt  }
0x86: {  	_ =	shalt  }
0x87: {  	_ =	shalt  }
.Lfunc_end0:
.L_simem_size_0:
called_computation.1_lowered:
.L_overlay_start_0:
0x88: {  	s2 =	sld [smem:$0x3FD9]  }
0x89: {  	s3 =	sld [smem:$0x3FFE];
	_ =	sdelay $0x1  }
0x8a: {  	s1 =	srdreg.scid  }
0x8b: {  	s0 =	sand.u32 $0x1, s1  }
0x8c: {  	s17 =	sshll.u32 s0, $0xA;
	s2 =	sadd.s32 s3, s2  }
0x8d: {  	s2 =	sadd.s32 s2, s17  }
0x8e: {  	[smem:$0x3FC1] =	sst s2  }
0x8f: {  	_ = 	snop  }
0x90: {  	(tm) =	ssettm $0x1  }
0x91: {  	s18 =	sld [smem:$0x3FFB];
	_ =	sdelay $0x3  }
0x92: {  	_ =	strace s18  }
0x93: {  	s2 =	sld [smem:$0x3FFC];
	_ =	sdelay $0x3  }
0x94: {  	_ =	strace s2  }
0x95: {  	s2 =	sld [smem:$0x3FFD];
	_ =	sdelay $0x3  }
0x96: {  	_ =	strace s2  }
0x97: {  	_ =	strace $0x8FFFFFFF  }
0x98: {  	s19 =	sld [smem:$0x3FDB];
	_ =	sdelay $0x1  }
0x99: {  	s20 =	simm.s32 $_scs_section_size  }
0x9a: {  	s4 =	simm.s32 $_size__tile_overlayer_lowered;
	s5 =	simm.s32 $_tile_overlayer_lowered  }
0x9b: {  	s6 =	simm.s32 $0x1BFF;
	s21 =	sshll.u32 s5, $0x1;
	s3 =	sadd.s32 s20, s19  }
0x9c: {  	s22 =	simm.s32 $0x0;
	s4 =	sshll.u32 s4, $0x1;
	s5 =	sadd.s32 s21, s3  }
0x9d: {  	[timem:s22], [sflag:s6] =	dma.local [hbm:s5], s4  }
0x9e: {  	_ =	swait.ge [sflag:s6], s4  }
0x9f: {  	s4 =	ssub.s32 $0x0, s4;
	[sflag:s6] =	ssyncset.done $0x0  }
0xa0: {  	[sflag:s6] =	ssyncadd.s32 s4;
	_ =	sdelay $0x1  }
0xa1: {  	s23 =	simm.s32 $0x1B8B  }
0xa2: {  	_ =	swait.ge [sflag:s23], $0x1  }
0xa3: {  	[sflag:s23] =	ssyncset.done $0x0  }
0xa4: {  	[sflag:s23] =	ssyncadd.s32 $0xFFFFFFFF  }
0xa5: {  	s4 =	sld [smem:$0x0]  }
0xa6: {  	s5 =	sand.u32 $0xFFFFFFFE, s1  }
0xa7: {  	p0 =	sne.s32 s1, s5  }
0xa8: {  	s5 =	sshll.u32 @p0 s5, $0xE  }
0xa9: {  	s5 =	sadd.s32 @p0 $0x11B8D, s5;
	s6 =	sshll.u32 @p0 s4, $0x11  }
0xaa: {  	s5 =	sor.u32 @p0 s6, s5  }
0xab: {  	[sflag:s5] =	ssyncadd.remote.s32 @p0 $0x1;
	_ =	sdelay $0x1  }
0xac: {  	s5 =	simm.s32 @p0 $0x1B8D  }
0xad: {  	_ =	swait.eq @p0 [sflag:s5], $0x1  }
0xae: {  	[sflag:s5] =	ssyncadd.s32 @p0 $0xFFFFFFFF  }
0xaf: {  	s6 =	sshll.u32 @!p0 s1, $0xE  }
0xb0: {  	s6 =	sor.u32 @!p0 $0x4000, s6;
	s5 =	simm.s32 @!p0 $0x1B8D  }
0xb1: {  	s4 =	sshll.u32 @!p0 s4, $0x11;
	s6 =	sadd.s32 @!p0 $0x11B8D, s6;
	_ =	swait.eq @!p0 [sflag:s5], $0x1  }
0xb2: {  	s4 =	sor.u32 @!p0 s4, s6;
	[sflag:s5] =	ssyncadd.s32 @!p0 $0xFFFFFFFF  }
0xb3: {  	s25 =	simm.s32 $0x1B8E;
	s24 =	sld [smem:$0x3FFE];
	[sflag:s4] =	ssyncadd.remote.s32 @!p0 $0x1  }
0xb4: {  	s26 =	simm.s32 $execute0_lowered;
	[smem:$0x3FD2] =	sst s25  }
0xb5: {  	s5 =	sshll.u32 s26, $0x1;
	_ =	strace $0x8000004F;
	[dreg:$0x1] =	wrdreg $0xFFFFFFFF  }
0xb6: {  	s28 =	simm.s32 $_size_execute0_lowered;
	s3 =	sadd.s32 s3, s5;
	[dreg:$0x0] =	wrdreg $0x0  }
0xb7: {  	s5 =	sshll.u32 s28, $0x1;
	[dreg:$0x2] =	wrdreg s3  }
0xb8: {  	[dreg:$0x3] =	wrdreg s5  }
0xb9: {  	[dreg:$0x4] =	wrdreg $0xC0  }
0xba: {  	_ =	task [dreg:s22], $0x5FFFF  }
0xbb: {  	[dreg:$0x1] =	wrdreg $0xFFFFFFFF  }
0xbc: {  	[dreg:$0x0] =	wrdreg $0x60  }
0xbd: {  	[dreg:$0x2] =	wrdreg s24  }
0xbe: {  	[dreg:$0x3] =	wrdreg $0xD1200  }
0xbf: {  	[dreg:$0x4] =	wrdreg $0x9  }
0xc0: {  	_ =	task.clear_ibuf [dreg:s22], $0x5FFFF;
	_ =	strace $0x9000004F  }
0xc1: {  	s29 =	simm.s32 $0x9;
	_ =	strace $0x80000051  }
0xc2: {  	_ =	swait.ge [sflag:s29], $0x1  }
0xc3: {  	[sflag:s29] =	ssyncadd.s32 $0xFFFFFFFF  }
0xc4: {  	_ =	strace $0x90000051  }
0xc5: {  	_ =	sfence  }
0xc6: {  	s30 =	sld [smem:$0x0];
	_ =	sdelay $0x2  }
0xc7: {  	s31 =	sshll.u32 s1, $0xD;
	s1 =	sshrl.u32 s1, $0x2  }
0xc8: {  	s4 =	sand.u32 $0x4000, s31;
	s1 =	sadd.s32 s1, s30  }
0xc9: {  	s0 =	sor.u32 s4, s0;
	s1 =	sshll.u32 s1, $0x11  }
0xca: {  	s0 =	sor.u32 s1, s0  }
0xcb: {  	s0 =	sadd.s32 $0x8F2B, s0  }
0xcc: {  	[sflag:s0] =	ssyncadd.remote.s32 $0x1  }
0xcd: {  	_ =	sfence.sel $0xFFFF  }
0xce: {  	[dreg:$0x0] =	wrdreg $0xFFFFFFFF;
	(pc) =	sbr.abs _section_cstart, $3  }
0xcf: {  	[dreg:$0x1] =	wrdreg $0xFFFFFFFF  }
0xd0: {  	_ =	task.clear_ibuf [dreg:s22], $0x2FFFF;
	_ =	strace $0x9FFFFFFF  }
0xd1: {  	(tm) =	ssettm $0x7FFFFFFF  }
tec
execute0_lowered:
.L_overlay_start_1:
0x0: {  	(tag) =	ssettag $0x1  }
0x1: {  	s7 =	rddreg [dreg:$0x0]  }
0x2: {  	s2 =	rddreg [dreg:$0x1];
	s3 =	simm.s32 $0x0  }
0x3: {  	s9 =	simm.s32 $0x1200;
	[smem:$0x7FF] =	sst s3  }
0x4: {  	s10 =	simm.s32 $0x100;
	_ =	strace $0x80000050;
	[dreg:$0x8] =	wrdreg s9  }
0x5: {  	s11 =	simm.s32 $0x1A00;
	[dreg:$0x9] =	wrdreg s10  }
0x6: {  	s12 =	simm.s32 $0x180;
	[dreg:$0xa] =	wrdreg s11  }
0x7: {  	s13 =	simm.s32 $0x2200;
	[dreg:$0xb] =	wrdreg s12  }
0x8: {  	s14 =	simm.s32 $0x200;
	[dreg:$0xc] =	wrdreg s13  }
0x9: {  	s15 =	simm.s32 $0x2A00;
	[dreg:$0xd] =	wrdreg s14  }
0xa: {  	s0 =	srdreg.scid;
	s16 =	simm.s32 $0x280;
	[dreg:$0xe] =	wrdreg s15  }
0xb: {  	s1 =	stileid.u32;
	s17 =	simm.s32 $0x3200;
	[dreg:$0xf] =	wrdreg s16  }
0xc: {  	s18 =	simm.s32 $0x300;
	s19 =	simm.s32 $0x3A00;
	[dreg:$0x10] =	wrdreg s17  }
0xd: {  	s20 =	simm.s32 $0x380;
	s21 =	simm.s32 $0x4200;
	[dreg:$0x11] =	wrdreg s18  }
0xe: {  	s22 =	simm.s32 $0x400;
	s23 =	simm.s32 $0x4A00;
	[dreg:$0x12] =	wrdreg s19  }
0xf: {  	s31 =	sand.u32 $0x1, s0;
	s26 =	sshll.u32 s1, $0x1;
	[dreg:$0x13] =	wrdreg s20  }
0x10: {  	s4 =	smul.u32 $0x2720, s1;
	s0 =	sor.u32 s31, s26;
	[dreg:$0x14] =	wrdreg s21  }
0x11: {  	s24 =	simm.s32 $0x480;
	[dreg:$0x15] =	wrdreg s22;
	s5 =	smul.u32 $0x1400, s0  }
0x12: {  	[dreg:$0x16] =	wrdreg s23;
	s6 =	sshrl.u32 s4, $0x3;
	s0 =	smul.u32 $0x140, s0  }
0x13: {  	[dreg:$0x17] =	wrdreg s24;
	s4 =	sadd.s32 s4, s2;
	s6 =	sadd.s32 s6, s7  }
0x14: {  	[dreg:$0x4] =	wrdreg s4;
	s6 =	sadd.s32 $0x59A00, s6;
	s0 =	sadd.s32 s0, s7  }
0x15: {  	s5 =	sadd.s32 s5, s7;
	[dreg:$0x3] =	wrdreg s6;
	s0 =	sadd.s32 $0x2A200, s0  }
0x16: {  	s6 =	smul.u32 $0x2710, s1;
	s7 =	sadd.s32 $0x2CA00, s5;
	[dreg:$0x5] =	wrdreg s0  }
0x17: {  	[dreg:$0x6] =	wrdreg s7  }
0x18: {  	[dreg:$0x18] =	wrdreg s6  }
0x19: {  	s8 =	sadd.s32 s6, s2;
	s6 =	rddreg [dreg:$0x3]  }
0x1a: {  	s4 =	simm.s32 $0x2;
	s5 =	simm.s32 $0xAA00;
	[dreg:$0x7] =	wrdreg s8  }
0x1b: {  	[tilespmem:s5], [sflag:$0x2] =	stream.linear.gather [hbm4b:s6+s3], $0x2720, $0x38;
	[tilespmem:$0xF840] =	vst v63  }
0x1c: {  	_ =	swait.ge [sflag:s4], $0x2720  }
0x1d: {  	[sflag:s4] =	ssyncset.done $0x0  }
0x1e: {  	s25 =	rddreg [dreg:$0x4];
	[sflag:s4] =	ssyncadd.s32 $0xFFFFD8E0  }
0x1f: {  	[spmem:s25] =	stream.linear.scatter [tilespmem:s5], [sflag:$0x2], $0x2720, $0x38;
	[tilespmem:$0xF840] =	vst v63  }
0x20: {  	_ =	swait.ge [sflag:s4], $0x2720  }
0x21: {  	[sflag:s4] =	ssyncset.done $0x0  }
0x22: {  	s26 =	rddreg [dreg:$0x5];
	[sflag:s4] =	ssyncadd.s32 $0xFFFFD8E0  }
0x23: {  	[tilespmem:s3], [sflag:$0x2] =	stream.linear.gather [hbm4b:s26+s3], $0xA00, $0x38;
	[tilespmem:$0xF840] =	vst v63  }
0x24: {  	_ =	swait.ge [sflag:s4], $0xA00  }
0x25: {  	[sflag:s4] =	ssyncset.done $0x0  }
0x26: {  	s6 =	simm.s32 $0xA00;
	s0 =	rddreg [dreg:$0x6];
	[sflag:s4] =	ssyncadd.s32 $0xFFFFF600  }
0x27: {  	[tilespmem:s6], [sflag:$0x2] =	stream.linear.gather [hbm4b:s0+s3], $0xA000, $0x38;
	[tilespmem:$0xF840] =	vst v63  }
0x28: {  	_ =	swait.ge [sflag:s4], $0xA000  }
0x29: {  	[sflag:s4] =	ssyncset.done $0x0  }
0x2a: {  	[sflag:s4] =	ssyncadd.s32 $0xFFFF6000  }
0x2b: {  	[bflag:$0x0] =	sbarrier.arrive $0xFFFF  }
0x2c: {  	s8 =	rddreg [dreg:$0x16]  }
0x2d: {  	s9 =	rddreg [dreg:$0x14]  }
0x2e: {  	s10 =	rddreg [dreg:$0x12]  }
0x2f: {  	s11 =	rddreg [dreg:$0x10]  }
0x30: {  	s12 =	rddreg [dreg:$0xe]  }
0x31: {  	s7 =	simm.s32 $0x80;
	s13 =	rddreg [dreg:$0xc]  }
0x32: {  	[spmem:s2] =	stream.indirect.scatter.add.f32 [tilespmem:s6], [sflag:$0x1], $0x10, s3, s7, $0xb8;
	[tilespmem:$0xF840] =	vst v63  }
0x33: {  	s14 =	rddreg [dreg:$0x8]  }
0x34: {  	s15 =	rddreg [dreg:$0xa]  }
0x35: {  	[spmem:s2] =	stream.indirect.scatter.add.f32 [tilespmem:s14], [sflag:$0x1], $0x10, s7, s7, $0xb8;
	[tilespmem:$0xF840] =	vst v63  }
0x36: {  	s16 =	rddreg [dreg:$0x9]  }
0x37: {  	[spmem:s2] =	stream.indirect.scatter.add.f32 [tilespmem:s15], [sflag:$0x1], $0x10, s16, s7, $0xb8;
	[tilespmem:$0xF840] =	vst v63  }
0x38: {  	s1 =	rddreg [dreg:$0xb]  }
0x39: {  	[spmem:s2] =	stream.indirect.scatter.add.f32 [tilespmem:s13], [sflag:$0x1], $0x10, s1, s7, $0xb8;
	[tilespmem:$0xF840] =	vst v63  }
0x3a: {  	s16 =	rddreg [dreg:$0xd]  }
0x3b: {  	[spmem:s2] =	stream.indirect.scatter.add.f32 [tilespmem:s12], [sflag:$0x1], $0x10, s16, s7, $0xb8;
	[tilespmem:$0xF840] =	vst v63  }
0x3c: {  	s17 =	rddreg [dreg:$0xf]  }
0x3d: {  	[spmem:s2] =	stream.indirect.scatter.add.f32 [tilespmem:s11], [sflag:$0x1], $0x10, s17, s7, $0xb8;
	[tilespmem:$0xF840] =	vst v63  }
0x3e: {  	s18 =	rddreg [dreg:$0x11]  }
0x3f: {  	[spmem:s2] =	stream.indirect.scatter.add.f32 [tilespmem:s10], [sflag:$0x1], $0x10, s18, s7, $0xb8;
	[tilespmem:$0xF840] =	vst v63  }
0x40: {  	s19 =	rddreg [dreg:$0x13]  }
0x41: {  	[spmem:s2] =	stream.indirect.scatter.add.f32 [tilespmem:s9], [sflag:$0x1], $0x10, s19, s7, $0xb8;
	[tilespmem:$0xF840] =	vst v63  }
0x42: {  	s20 =	rddreg [dreg:$0x15]  }
0x43: {  	[spmem:s2] =	stream.indirect.scatter.add.f32 [tilespmem:s8], [sflag:$0x1], $0x10, s20, s7, $0xb8;
	[tilespmem:$0xF840] =	vst v63  }
0x44: {  	s22 =	simm.s32 $0x5200;
	s21 =	rddreg [dreg:$0x17]  }
0x45: {  	[spmem:s2] =	stream.indirect.scatter.add.f32 [tilespmem:s22], [sflag:$0x1], $0x10, s21, s7, $0xb8;
	[tilespmem:$0xF840] =	vst v63  }
0x46: {  	s23 =	simm.s32 $0x500;
	s24 =	simm.s32 $0x5A00  }
0x47: {  	[spmem:s2] =	stream.indirect.scatter.add.f32 [tilespmem:s24], [sflag:$0x1], $0x10, s23, s7, $0xb8;
	[tilespmem:$0xF840] =	vst v63  }
0x48: {  	s25 =	simm.s32 $0x580;
	s26 =	simm.s32 $0x6200  }
0x49: {  	[spmem:s2] =	stream.indirect.scatter.add.f32 [tilespmem:s26], [sflag:$0x1], $0x10, s25, s7, $0xb8;
	[tilespmem:$0xF840] =	vst v63  }
0x4a: {  	s9 =	simm.s32 $0x6A00;
	s8 =	simm.s32 $0x600  }
0x4b: {  	[spmem:s2] =	stream.indirect.scatter.add.f32 [tilespmem:s9], [sflag:$0x1], $0x10, s8, s7, $0xb8;
	[tilespmem:$0xF840] =	vst v63  }
0x4c: {  	s11 =	simm.s32 $0x7200;
	s10 =	simm.s32 $0x680  }
0x4d: {  	[spmem:s2] =	stream.indirect.scatter.add.f32 [tilespmem:s11], [sflag:$0x1], $0x10, s10, s7, $0xb8;
	[tilespmem:$0xF840] =	vst v63  }
0x4e: {  	s17 =	simm.s32 $0x700;
	s18 =	simm.s32 $0x7A00  }
0x4f: {  	[spmem:s2] =	stream.indirect.scatter.add.f32 [tilespmem:s18], [sflag:$0x1], $0x10, s17, s7, $0xb8;
	[tilespmem:$0xF840] =	vst v63  }
0x50: {  	s19 =	simm.s32 $0x780;
	s20 =	simm.s32 $0x8200  }
0x51: {  	[spmem:s2] =	stream.indirect.scatter.add.f32 [tilespmem:s20], [sflag:$0x1], $0x10, s19, s7, $0xb8;
	[tilespmem:$0xF840] =	vst v63  }
0x52: {  	s21 =	simm.s32 $0x800;
	s22 =	simm.s32 $0x8A00  }
0x53: {  	[spmem:s2] =	stream.indirect.scatter.add.f32 [tilespmem:s22], [sflag:$0x1], $0x10, s21, s7, $0xb8;
	[tilespmem:$0xF840] =	vst v63  }
0x54: {  	s23 =	simm.s32 $0x880;
	s24 =	simm.s32 $0x9200  }
0x55: {  	[spmem:s2] =	stream.indirect.scatter.add.f32 [tilespmem:s24], [sflag:$0x1], $0x10, s23, s7, $0xb8;
	[tilespmem:$0xF840] =	vst v63  }
0x56: {  	s25 =	simm.s32 $0x900;
	s26 =	simm.s32 $0x9A00  }
0x57: {  	[spmem:s2] =	stream.indirect.scatter.add.f32 [tilespmem:s26], [sflag:$0x1], $0x10, s25, s7, $0xb8;
	[tilespmem:$0xF840] =	vst v63  }
0x58: {  	s28 =	simm.s32 $0x980;
	s29 =	simm.s32 $0xA200;
	s30 =	simm.s32 $0x1  }
0x59: {  	[spmem:s2] =	stream.indirect.scatter.add.f32 [tilespmem:s29], [sflag:$0x1], $0x10, s28, s7, $0xb8;
	[tilespmem:$0xF840] =	vst v63  }
0x5a: {  	_ =	swait.ge [sflag:s30], $0x800  }
0x5b: {  	[sflag:s30] =	ssyncset.done $0x0  }
0x5c: {  	[sflag:s30] =	ssyncadd.s32 $0xFFFFF800  }
0x5d: {  	_ =	swait.ge [sflag:s30], $0x800  }
0x5e: {  	[sflag:s30] =	ssyncset.done $0x0  }
0x5f: {  	[sflag:s30] =	ssyncadd.s32 $0xFFFFF800  }
0x60: {  	_ =	swait.ge [sflag:s30], $0x800  }
0x61: {  	[sflag:s30] =	ssyncset.done $0x0  }
0x62: {  	[sflag:s30] =	ssyncadd.s32 $0xFFFFF800  }
0x63: {  	_ =	swait.ge [sflag:s30], $0x800  }
0x64: {  	[sflag:s30] =	ssyncset.done $0x0  }
0x65: {  	[sflag:s30] =	ssyncadd.s32 $0xFFFFF800  }
0x66: {  	_ =	swait.ge [sflag:s30], $0x800  }
0x67: {  	[sflag:s30] =	ssyncset.done $0x0  }
0x68: {  	[sflag:s30] =	ssyncadd.s32 $0xFFFFF800  }
0x69: {  	_ =	swait.ge [sflag:s30], $0x800  }
0x6a: {  	[sflag:s30] =	ssyncset.done $0x0  }
0x6b: {  	[sflag:s30] =	ssyncadd.s32 $0xFFFFF800  }
0x6c: {  	_ =	swait.ge [sflag:s30], $0x800  }
0x6d: {  	[sflag:s30] =	ssyncset.done $0x0  }
0x6e: {  	[sflag:s30] =	ssyncadd.s32 $0xFFFFF800  }
0x6f: {  	_ =	swait.ge [sflag:s30], $0x800  }
0x70: {  	[sflag:s30] =	ssyncset.done $0x0  }
0x71: {  	[sflag:s30] =	ssyncadd.s32 $0xFFFFF800  }
0x72: {  	_ =	swait.ge [sflag:s30], $0x800  }
0x73: {  	[sflag:s30] =	ssyncset.done $0x0  }
0x74: {  	[sflag:s30] =	ssyncadd.s32 $0xFFFFF800  }
0x75: {  	_ =	swait.ge [sflag:s30], $0x800  }
0x76: {  	[sflag:s30] =	ssyncset.done $0x0  }
0x77: {  	[sflag:s30] =	ssyncadd.s32 $0xFFFFF800  }
0x78: {  	_ =	swait.ge [sflag:s30], $0x800  }
0x79: {  	[sflag:s30] =	ssyncset.done $0x0  }
0x7a: {  	[sflag:s30] =	ssyncadd.s32 $0xFFFFF800  }
0x7b: {  	_ =	swait.ge [sflag:s30], $0x800  }
0x7c: {  	[sflag:s30] =	ssyncset.done $0x0  }
0x7d: {  	[sflag:s30] =	ssyncadd.s32 $0xFFFFF800  }
0x7e: {  	_ =	swait.ge [sflag:s30], $0x800  }
0x7f: {  	[sflag:s30] =	ssyncset.done $0x0  }
0x80: {  	[sflag:s30] =	ssyncadd.s32 $0xFFFFF800  }
0x81: {  	_ =	swait.ge [sflag:s30], $0x800  }
0x82: {  	[sflag:s30] =	ssyncset.done $0x0  }
0x83: {  	[sflag:s30] =	ssyncadd.s32 $0xFFFFF800  }
0x84: {  	_ =	swait.ge [sflag:s30], $0x800  }
0x85: {  	[sflag:s30] =	ssyncset.done $0x0  }
0x86: {  	[sflag:s30] =	ssyncadd.s32 $0xFFFFF800  }
0x87: {  	_ =	swait.ge [sflag:s30], $0x800  }
0x88: {  	[sflag:s30] =	ssyncset.done $0x0  }
0x89: {  	[sflag:s30] =	ssyncadd.s32 $0xFFFFF800  }
0x8a: {  	_ =	swait.ge [sflag:s30], $0x800  }
0x8b: {  	[sflag:s30] =	ssyncset.done $0x0  }
0x8c: {  	[sflag:s30] =	ssyncadd.s32 $0xFFFFF800  }
0x8d: {  	_ =	swait.ge [sflag:s30], $0x800  }
0x8e: {  	s12 =	smul.u32 $0x4E20, s31;
	s31 =	ssub.s32 $0x2, s31;
	[sflag:s30] =	ssyncset.done $0x0  }
0x8f: {  	s13 =	sshrl.u32 s31, $0x1;
	[sflag:s30] =	ssyncadd.s32 $0xFFFFF800  }
0x90: {  	s0 =	ssub.s32 s31, s13;
	_ =	swait.ge [sflag:s30], $0x800  }
0x91: {  	s0 =	smax.u32 s0, $0x1;
	[sflag:s30] =	ssyncset.done $0x0  }
0x92: {  	p0 =	sne.s32 s0, $0x1;
	[sflag:s30] =	ssyncadd.s32 $0xFFFFF800  }
.Ltmp0:
0x93: {  	_ =	swait.ge [sflag:s30], $0x800;
	(pc) =	sbr.rel @!p0 .LBB2_2-.Ltmp0, $4  }
0x94: {  	s16 =	simm.s32 $0x7200;
	s14 =	rddreg [dreg:$0x0];
	[sflag:s30] =	ssyncset.done $0x0  }
0x95: {  	s15 =	rddreg [dreg:$0x18];
	s1 =	sadd.s32 s12, s14;
	[sflag:s30] =	ssyncadd.s32 $0xFFFFF800  }
0x96: {  	s31 =	sshrl.u32 s15, $0x3;
	s1 =	sadd.s32 $0x68800, s1;
	[bflag:$0x0] =	sbarrier.arrive $0xFFFF  }
0x97: {  	s31 =	sadd.s32 s31, s1;
	s1 =	sadd.s32 $0xFFFFFFFF, s0;
	s0 =	rddreg [dreg:$0x7]  }
.LBB2_1:
0x98: {  	[tilespmem:s5], [sflag:$0x2] =	stream.linear.gather [spmem:s0], $0x2710, $0x38;
	[tilespmem:$0xF840] =	vst v63  }
0x99: {  	_ =	swait.ge [sflag:s4], $0x2710  }
0x9a: {  	[sflag:s4] =	ssyncset.done $0x0  }
0x9b: {  	[sflag:s4] =	ssyncadd.s32 $0xFFFFD8F0  }
0x9c: {  	[hbm4b:s31+s3] =	stream.linear.scatter [tilespmem:s5], [sflag:$0x2], $0x2710, $0x38;
	[tilespmem:$0xF840] =	vst v63  }
0x9d: {  	_ =	swait.ge [sflag:s4], $0x2710  }
0x9e: {  	[sflag:s4] =	ssyncset.done $0x0  }
0x9f: {  	s11 =	rddreg [dreg:$0x3];
	[sflag:s4] =	ssyncadd.s32 $0xFFFFD8F0  }
0xa0: {  	[tilespmem:s5], [sflag:$0x2] =	stream.linear.gather [hbm4b:s11+s3], $0x2720, $0x38;
	[tilespmem:$0xF840] =	vst v63  }
0xa1: {  	_ =	swait.ge [sflag:s4], $0x2720  }
0xa2: {  	[sflag:s4] =	ssyncset.done $0x0  }
0xa3: {  	s12 =	rddreg [dreg:$0x4];
	[sflag:s4] =	ssyncadd.s32 $0xFFFFD8E0  }
0xa4: {  	[spmem:s12] =	stream.linear.scatter [tilespmem:s5], [sflag:$0x2], $0x2720, $0x38;
	[tilespmem:$0xF840] =	vst v63  }
0xa5: {  	_ =	swait.ge [sflag:s4], $0x2720  }
0xa6: {  	[sflag:s4] =	ssyncset.done $0x0  }
0xa7: {  	s13 =	rddreg [dreg:$0x5];
	[sflag:s4] =	ssyncadd.s32 $0xFFFFD8E0  }
0xa8: {  	[tilespmem:s3], [sflag:$0x2] =	stream.linear.gather [hbm4b:s13+s3], $0xA00, $0x38;
	[tilespmem:$0xF840] =	vst v63  }
0xa9: {  	_ =	swait.ge [sflag:s4], $0xA00  }
0xaa: {  	[sflag:s4] =	ssyncset.done $0x0  }
0xab: {  	s14 =	rddreg [dreg:$0x6];
	[sflag:s4] =	ssyncadd.s32 $0xFFFFF600  }
0xac: {  	[tilespmem:s6], [sflag:$0x2] =	stream.linear.gather [hbm4b:s14+s3], $0xA000, $0x38;
	[tilespmem:$0xF840] =	vst v63  }
0xad: {  	_ =	swait.ge [sflag:s4], $0xA000  }
0xae: {  	[sflag:s4] =	ssyncset.done $0x0  }
0xaf: {  	[sflag:s4] =	ssyncadd.s32 $0xFFFF6000  }
0xb0: {  	[bflag:$0x0] =	sbarrier.arrive $0xFFFF  }
0xb1: {  	s0 =	rddreg [dreg:$0x16]  }
0xb2: {  	s8 =	rddreg [dreg:$0x14]  }
0xb3: {  	s9 =	rddreg [dreg:$0x12]  }
0xb4: {  	s10 =	rddreg [dreg:$0x10]  }
0xb5: {  	s11 =	rddreg [dreg:$0xe]  }
0xb6: {  	s12 =	rddreg [dreg:$0xc]  }
0xb7: {  	[spmem:s2] =	stream.indirect.scatter.add.f32 [tilespmem:s6], [sflag:$0x1], $0x10, s3, s7, $0xb8;
	[tilespmem:$0xF840] =	vst v63  }
0xb8: {  	s13 =	rddreg [dreg:$0x8]  }
0xb9: {  	s14 =	rddreg [dreg:$0xa]  }
0xba: {  	[spmem:s2] =	stream.indirect.scatter.add.f32 [tilespmem:s13], [sflag:$0x1], $0x10, s7, s7, $0xb8;
	[tilespmem:$0xF840] =	vst v63  }
0xbb: {  	s15 =	rddreg [dreg:$0x9]  }
0xbc: {  	[spmem:s2] =	stream.indirect.scatter.add.f32 [tilespmem:s14], [sflag:$0x1], $0x10, s15, s7, $0xb8;
	[tilespmem:$0xF840] =	vst v63  }
0xbd: {  	s13 =	rddreg [dreg:$0xb]  }
0xbe: {  	[spmem:s2] =	stream.indirect.scatter.add.f32 [tilespmem:s12], [sflag:$0x1], $0x10, s13, s7, $0xb8;
	[tilespmem:$0xF840] =	vst v63  }
0xbf: {  	s15 =	rddreg [dreg:$0xd]  }
0xc0: {  	[spmem:s2] =	stream.indirect.scatter.add.f32 [tilespmem:s11], [sflag:$0x1], $0x10, s15, s7, $0xb8;
	[tilespmem:$0xF840] =	vst v63  }
0xc1: {  	s13 =	rddreg [dreg:$0xf]  }
0xc2: {  	[spmem:s2] =	stream.indirect.scatter.add.f32 [tilespmem:s10], [sflag:$0x1], $0x10, s13, s7, $0xb8;
	[tilespmem:$0xF840] =	vst v63  }
0xc3: {  	s15 =	rddreg [dreg:$0x11]  }
0xc4: {  	[spmem:s2] =	stream.indirect.scatter.add.f32 [tilespmem:s9], [sflag:$0x1], $0x10, s15, s7, $0xb8;
	[tilespmem:$0xF840] =	vst v63  }
0xc5: {  	s12 =	rddreg [dreg:$0x13]  }
0xc6: {  	[spmem:s2] =	stream.indirect.scatter.add.f32 [tilespmem:s8], [sflag:$0x1], $0x10, s12, s7, $0xb8;
	[tilespmem:$0xF840] =	vst v63  }
0xc7: {  	s13 =	rddreg [dreg:$0x15]  }
0xc8: {  	[spmem:s2] =	stream.indirect.scatter.add.f32 [tilespmem:s0], [sflag:$0x1], $0x10, s13, s7, $0xb8;
	[tilespmem:$0xF840] =	vst v63  }
0xc9: {  	s14 =	rddreg [dreg:$0x17];
	s15 =	simm.s32 $0x5200  }
0xca: {  	[spmem:s2] =	stream.indirect.scatter.add.f32 [tilespmem:s15], [sflag:$0x1], $0x10, s14, s7, $0xb8;
	[tilespmem:$0xF840] =	vst v63  }
0xcb: {  	s10 =	simm.s32 $0x5A00;
	s9 =	simm.s32 $0x500  }
0xcc: {  	[spmem:s2] =	stream.indirect.scatter.add.f32 [tilespmem:s10], [sflag:$0x1], $0x10, s9, s7, $0xb8;
	[tilespmem:$0xF840] =	vst v63  }
0xcd: {  	s11 =	simm.s32 $0x580;
	s12 =	simm.s32 $0x6200  }
0xce: {  	[spmem:s2] =	stream.indirect.scatter.add.f32 [tilespmem:s12], [sflag:$0x1], $0x10, s11, s7, $0xb8;
	[tilespmem:$0xF840] =	vst v63  }
0xcf: {  	s13 =	simm.s32 $0x600;
	s14 =	simm.s32 $0x6A00  }
0xd0: {  	[spmem:s2] =	stream.indirect.scatter.add.f32 [tilespmem:s14], [sflag:$0x1], $0x10, s13, s7, $0xb8;
	[tilespmem:$0xF840] =	vst v63  }
0xd1: {  	s15 =	simm.s32 $0x680  }
0xd2: {  	[spmem:s2] =	stream.indirect.scatter.add.f32 [tilespmem:s16], [sflag:$0x1], $0x10, s15, s7, $0xb8;
	[tilespmem:$0xF840] =	vst v63  }
0xd3: {  	_ = 	snop  }
0xd4: {  	[spmem:s2] =	stream.indirect.scatter.add.f32 [tilespmem:s18], [sflag:$0x1], $0x10, s17, s7, $0xb8;
	[tilespmem:$0xF840] =	vst v63  }
0xd5: {  	_ = 	snop  }
0xd6: {  	[spmem:s2] =	stream.indirect.scatter.add.f32 [tilespmem:s20], [sflag:$0x1], $0x10, s19, s7, $0xb8;
	[tilespmem:$0xF840] =	vst v63  }
0xd7: {  	_ = 	snop  }
0xd8: {  	[spmem:s2] =	stream.indirect.scatter.add.f32 [tilespmem:s22], [sflag:$0x1], $0x10, s21, s7, $0xb8;
	[tilespmem:$0xF840] =	vst v63  }
0xd9: {  	_ = 	snop  }
0xda: {  	[spmem:s2] =	stream.indirect.scatter.add.f32 [tilespmem:s24], [sflag:$0x1], $0x10, s23, s7, $0xb8;
	[tilespmem:$0xF840] =	vst v63  }
0xdb: {  	_ = 	snop  }
0xdc: {  	[spmem:s2] =	stream.indirect.scatter.add.f32 [tilespmem:s26], [sflag:$0x1], $0x10, s25, s7, $0xb8;
	[tilespmem:$0xF840] =	vst v63  }
0xdd: {  	_ = 	snop  }
0xde: {  	[spmem:s2] =	stream.indirect.scatter.add.f32 [tilespmem:s29], [sflag:$0x1], $0x10, s28, s7, $0xb8;
	[tilespmem:$0xF840] =	vst v63  }
0xdf: {  	_ =	swait.ge [sflag:s30], $0x800  }
0xe0: {  	[sflag:s30] =	ssyncset.done $0x0  }
0xe1: {  	[sflag:s30] =	ssyncadd.s32 $0xFFFFF800  }
0xe2: {  	_ =	swait.ge [sflag:s30], $0x800  }
0xe3: {  	[sflag:s30] =	ssyncset.done $0x0  }
0xe4: {  	[sflag:s30] =	ssyncadd.s32 $0xFFFFF800  }
0xe5: {  	_ =	swait.ge [sflag:s30], $0x800  }
0xe6: {  	[sflag:s30] =	ssyncset.done $0x0  }
0xe7: {  	[sflag:s30] =	ssyncadd.s32 $0xFFFFF800  }
0xe8: {  	_ =	swait.ge [sflag:s30], $0x800  }
0xe9: {  	[sflag:s30] =	ssyncset.done $0x0  }
0xea: {  	[sflag:s30] =	ssyncadd.s32 $0xFFFFF800  }
0xeb: {  	_ =	swait.ge [sflag:s30], $0x800  }
0xec: {  	[sflag:s30] =	ssyncset.done $0x0  }
0xed: {  	[sflag:s30] =	ssyncadd.s32 $0xFFFFF800  }
0xee: {  	_ =	swait.ge [sflag:s30], $0x800  }
0xef: {  	[sflag:s30] =	ssyncset.done $0x0  }
0xf0: {  	[sflag:s30] =	ssyncadd.s32 $0xFFFFF800  }
0xf1: {  	_ =	swait.ge [sflag:s30], $0x800  }
0xf2: {  	[sflag:s30] =	ssyncset.done $0x0  }
0xf3: {  	[sflag:s30] =	ssyncadd.s32 $0xFFFFF800  }
0xf4: {  	_ =	swait.ge [sflag:s30], $0x800  }
0xf5: {  	[sflag:s30] =	ssyncset.done $0x0  }
0xf6: {  	[sflag:s30] =	ssyncadd.s32 $0xFFFFF800  }
0xf7: {  	_ =	swait.ge [sflag:s30], $0x800  }
0xf8: {  	[sflag:s30] =	ssyncset.done $0x0  }
0xf9: {  	[sflag:s30] =	ssyncadd.s32 $0xFFFFF800  }
0xfa: {  	_ =	swait.ge [sflag:s30], $0x800  }
0xfb: {  	[sflag:s30] =	ssyncset.done $0x0  }
0xfc: {  	[sflag:s30] =	ssyncadd.s32 $0xFFFFF800  }
0xfd: {  	_ =	swait.ge [sflag:s30], $0x800  }
0xfe: {  	[sflag:s30] =	ssyncset.done $0x0  }
0xff: {  	[sflag:s30] =	ssyncadd.s32 $0xFFFFF800  }
0x100: {  	_ =	swait.ge [sflag:s30], $0x800  }
0x101: {  	[sflag:s30] =	ssyncset.done $0x0  }
0x102: {  	[sflag:s30] =	ssyncadd.s32 $0xFFFFF800  }
0x103: {  	_ =	swait.ge [sflag:s30], $0x800  }
0x104: {  	[sflag:s30] =	ssyncset.done $0x0  }
0x105: {  	[sflag:s30] =	ssyncadd.s32 $0xFFFFF800  }
0x106: {  	_ =	swait.ge [sflag:s30], $0x800  }
0x107: {  	[sflag:s30] =	ssyncset.done $0x0  }
0x108: {  	[sflag:s30] =	ssyncadd.s32 $0xFFFFF800  }
0x109: {  	_ =	swait.ge [sflag:s30], $0x800  }
0x10a: {  	[sflag:s30] =	ssyncset.done $0x0  }
0x10b: {  	[sflag:s30] =	ssyncadd.s32 $0xFFFFF800  }
0x10c: {  	_ =	swait.ge [sflag:s30], $0x800  }
0x10d: {  	[sflag:s30] =	ssyncset.done $0x0  }
0x10e: {  	[sflag:s30] =	ssyncadd.s32 $0xFFFFF800  }
0x10f: {  	_ =	swait.ge [sflag:s30], $0x800  }
0x110: {  	[sflag:s30] =	ssyncset.done $0x0  }
0x111: {  	[sflag:s30] =	ssyncadd.s32 $0xFFFFF800  }
0x112: {  	_ =	swait.ge [sflag:s30], $0x800  }
0x113: {  	[sflag:s30] =	ssyncset.done $0x0  }
0x114: {  	[sflag:s30] =	ssyncadd.s32 $0xFFFFF800  }
0x115: {  	_ =	swait.ge [sflag:s30], $0x800  }
0x116: {  	[sflag:s30] =	ssyncset.done $0x0  }
0x117: {  	p0 =	sne.s32 s1, $0x1;
	[sflag:s30] =	ssyncadd.s32 $0xFFFFF800  }
.Ltmp1:
0x118: {  	_ =	swait.ge [sflag:s30], $0x800;
	(pc) =	sbr.rel @p0 .LBB2_1-.Ltmp1, $4  }
0x119: {  	[sflag:s30] =	ssyncset.done $0x0  }
0x11a: {  	[sflag:s30] =	ssyncadd.s32 $0xFFFFF800  }
0x11b: {  	[bflag:$0x0] =	sbarrier.arrive $0xFFFF  }
0x11c: {  	s1 =	sadd.s32 $0xFFFFFFFF, s1;
	s0 =	rddreg [dreg:$0x7]  }
.LBB2_2:
0x11d: {  	[tilespmem:s5], [sflag:$0x2] =	stream.linear.gather [spmem:s0], $0x2710, $0x38;
	[tilespmem:$0xF840] =	vst v63  }
0x11e: {  	_ =	swait.ge [sflag:s4], $0x2710  }
0x11f: {  	[sflag:s4] =	ssyncset.done $0x0  }
0x120: {  	[sflag:s4] =	ssyncadd.s32 $0xFFFFD8F0  }
0x121: {  	[hbm4b:s31+s3] =	stream.linear.scatter [tilespmem:s5], [sflag:$0x2], $0x2710, $0x38;
	[tilespmem:$0xF840] =	vst v63  }
0x122: {  	_ =	swait.ge [sflag:s4], $0x2710  }
0x123: {  	[sflag:s4] =	ssyncset.done $0x0  }
0x124: {  	[sflag:s4] =	ssyncadd.s32 $0xFFFFD8F0  }
0x125: {  	_ =	sfence.sel $0x180000  }
0x126: {  	[bflag:$0x0] =	sbarrier.arrive $0xFFFF  }
0x127: {  	_ =	strace $0x90000050  }
0x128: {  	s31 =	stileid.u32;
	[bflag:$0x2] =	sbarrier.arrive $0xFFFF  }
0x129: {  	p0 =	sne.s32 s31, $0x0;
	s0 =	rddreg [dreg:$0x2]  }
0x12a: {  	s0 =	sadd.s32 @!p0 $0x100000, s0  }
0x12b: {  	[sflag:s0] =	ssyncadd.tile.s32 @!p0 $0x1;
	_ =	shalt  }
.Lfunc_end2:
_tile_overlayer_lowered:
.L_overlay_start_2:
0x12c: {  	(tag) =	ssettag $0x2  }
0x12d: {  	s0 =	rddreg [dreg:$0x0];
	s2 =	stileid.u32  }
0x12e: {  	s1 =	rddreg [dreg:$0x1];
	p0 =	sne.s32 s2, $0x0  }
0x12f: {  	s3 =	rddreg [dreg:$0x2];
	[bflag:$0x3] =	sbarrier.arrive $0xFFFF;
	s2 =	simm.s32 @!p0 $0x1C02  }
0x130: {  	[timem:s3], [sflag:s2] =	dma.local @!p0 [hbm:s0], s1  }
0x131: {  	s0 =	simm.s32 @!p0 $0x2  }
0x132: {  	_ =	swait.ge @!p0 [sflag:s0], s1  }
0x133: {  	s1 =	ssub.s32 @!p0 $0x0, s1;
	[sflag:s0] =	ssyncset.done @!p0 $0x0  }
0x134: {  	[sflag:s0] =	ssyncadd.s32 @!p0 s1  }
0x135: {  	[bflag:$0x3] =	sbarrier.arrive $0xFFFF  }
0x136: {  	_ =	shalt  }

// kernel: kernel.15.cloned.1.call-start
scs
__scs_entry_jumppad:
0x0: {  	(pc) =	sbr.rel $0x88, $3  }
0x1: {  	(tag) =	ssettag $0x0;
	lr =	simm.s32 $0x1  }
0x2: {  	[smem:$0x3F9A] =	sst lr;
	_ =	strace $0xD0000000  }
0x3: {  	_ = 	snop  }
0x4: {  	_ = 	snop  }
0x5: {  	_ = 	snop  }
0x6: {  	_ = 	snop  }
0x7: {  	_ = 	snop  }
__scs_overlays_trampoline_lowered:
0x8: {  	[smem:$0x3FA9] =	sst s0  }
0x9: {  	[smem:$0x3FAA] =	sst s1  }
0xa: {  	[smem:$0x3FAB] =	sst s2  }
0xb: {  	[smem:$0x3FAC] =	sst s3  }
0xc: {  	[smem:$0x3FAD] =	sst s4  }
0xd: {  	[smem:$0x3FAE] =	sst s5  }
0xe: {  	[smem:$0x3FAF] =	sst s6  }
0xf: {  	[smem:$0x3FB0] =	sst s7  }
0x10: {  	[smem:$0x3FB1] =	sst s8  }
0x11: {  	[smem:$0x3FB2] =	sst s9;
	s0 =	simm.s32 @!p0 $0x0  }
0x12: {  	s1 =	sld [smem:$0x3F98];
	s0 =	simm.s32 @p0 $0x1  }
0x13: {  	[smem:$0x3FB3] =	sst s0;
	s0 =	simm.s32 @!p1 $0x0  }
0x14: {  	s2 =	sld [smem:$0x3F97];
	s0 =	simm.s32 @p1 $0x1  }
0x15: {  	[smem:$0x3FB4] =	sst s0;
	s0 =	simm.s32 @!p2 $0x0  }
0x16: {  	s3 =	sld [smem:$0x3FDB];
	s0 =	simm.s32 @p2 $0x1  }
0x17: {  	s4 =	simm.s32 $0x1BF5;
	[smem:$0x3FB6] =	sst s0  }
0x18: {  	s0 =	sld [smem:$0x3F99];
	_ =	swait.ge [sflag:s4], $0x0  }
0x19: {  	s7 =	sld [smem:$0x3F9A]  }
0x1a: {  	s8 =	sadd.s32 $0xFFFFE003, lr  }
0x1b: {  	s9 =	sadd.s32 $0xFFFFFEF7, lr;
	s5 =	simm.s32 $0xFFFFFFFF;
	p2 =	slt.u32 s8, $0xFFFFF086  }
0x1c: {  	p1 =	slt.u32 s9, $0xF7A;
	s5 =	simm.s32 @!p2 $0x0  }
0x1d: {  	s5 =	simm.s32 @p1 $0x1;
	p0 =	seq.s32 s7, s2  }
0x1e: {  	s7 =	smul.u32 @!p0 $0xF7A, s2;
	p2 =	seq.s32 @!p0 s5, $0x0  }
0x1f: {  	s9 =	smul.u32 $0xF7A, s1;
	s8 =	simm.s32 @!p0 $0x1BF5;
	p2 =	por !p2, p0  }
0x20: {  	[sflag:s8] =	ssyncset.s32 @!p0 $0xFFFFF086;
	s6 =	sadd.s32 @!p0 s3, s7;
	s7 =	simm.s32 @!p0 $0x108  }
0x21: {  	s3 =	sadd.s32 s3, s9;
	s6 =	sadd.s32 @!p0 $0x88, s6;
	s7 =	simm.s32 @p2 $0x1082  }
0x22: {  	[simem:s7], [sflag:s8] =	dma.local @!p0 [hbm:s6], $0xF7A  }
0x23: {  	s9 =	sor.u32 $0xD0000000, s2;
	s6 =	simm.s32 $0x108;
	_ =	swait.ge @!p0 [sflag:s8], $0x0  }
0x24: {  	s3 =	sadd.s32 $0x88, s3;
	s6 =	simm.s32 @!p1 $0x1082;
	[sflag:s4] =	ssyncset.s32 $0xFFFFF086  }
0x25: {  	[simem:s6], [sflag:s4] =	dma.local [hbm:s3], $0xF7A  }
0x26: {  	[smem:$0x3F9A] =	sst s1;
	(tag) =	ssettag s2;
	_ =	strace s9  }
0x27: {  	s1 =	sld [smem:$0x3FAA]  }
0x28: {  	s2 =	sld [smem:$0x3FAB]  }
0x29: {  	s4 =	sld [smem:$0x3FAD]  }
0x2a: {  	p0 =	seq.s32 s5, $0x0;
	s5 =	sld [smem:$0x3FAE]  }
0x2b: {  	s6 =	sld [smem:$0x3FAF]  }
0x2c: {  	s7 =	sld [smem:$0x3FB0]  }
0x2d: {  	s3 =	simm.s32 $0x108;
	s8 =	sld [smem:$0x3FB1]  }
0x2e: {  	s3 =	simm.s32 @!p0 $0x1082;
	s9 =	sld [smem:$0x3FB2]  }
0x2f: {  	lr =	sadd.s32 s0, s3;
	s0 =	sld [smem:$0x3FA9]  }
0x30: {  	s3 =	sld [smem:$0x3FAC]  }
0x31: {  	[smem:$0x3FB5] =	sst s10  }
0x32: {  	s10 =	sld [smem:$0x3FB3];
	_ =	sdelay $0x3  }
0x33: {  	p0 =	seq.s32 s10, $0x1;
	s10 =	sld [smem:$0x3FB5];
	_ =	sdelay $0x3  }
0x34: {  	[smem:$0x3FB5] =	sst s10  }
0x35: {  	s10 =	sld [smem:$0x3FB4];
	_ =	sdelay $0x3  }
0x36: {  	p1 =	seq.s32 s10, $0x1;
	s10 =	sld [smem:$0x3FB5];
	_ =	sdelay $0x3  }
0x37: {  	[smem:$0x3FB5] =	sst s10  }
0x38: {  	s10 =	sld [smem:$0x3FB6]  }
0x39: {  	_ = 	snop;
	(pc) =	sbr.ind lr, $3  }
0x3a: {  	_ = 	snop  }
0x3b: {  	_ = 	snop  }
0x3c: {  	p2 =	seq.s32 s10, $0x1;
	s10 =	sld [smem:$0x3FB5]  }
0x3d: {  	_ =	shalt  }
0x3e: {  	_ =	shalt  }
0x3f: {  	_ =	shalt  }
0x40: {  	_ =	shalt  }
0x41: {  	_ =	shalt  }
0x42: {  	_ =	shalt  }
0x43: {  	_ =	shalt  }
0x44: {  	_ =	shalt  }
0x45: {  	_ =	shalt  }
0x46: {  	_ =	shalt  }
0x47: {  	_ =	shalt  }
0x48: {  	_ =	shalt  }
0x49: {  	_ =	shalt  }
0x4a: {  	_ =	shalt  }
0x4b: {  	_ =	shalt  }
0x4c: {  	_ =	shalt  }
0x4d: {  	_ =	shalt  }
0x4e: {  	_ =	shalt  }
0x4f: {  	_ =	shalt  }
0x50: {  	_ =	shalt  }
0x51: {  	_ =	shalt  }
0x52: {  	_ =	shalt  }
0x53: {  	_ =	shalt  }
0x54: {  	_ =	shalt  }
0x55: {  	_ =	shalt  }
0x56: {  	_ =	shalt  }
0x57: {  	_ =	shalt  }
0x58: {  	_ =	shalt  }
0x59: {  	_ =	shalt  }
0x5a: {  	_ =	shalt  }
0x5b: {  	_ =	shalt  }
0x5c: {  	_ =	shalt  }
0x5d: {  	_ =	shalt  }
0x5e: {  	_ =	shalt  }
0x5f: {  	_ =	shalt  }
0x60: {  	_ =	shalt  }
0x61: {  	_ =	shalt  }
0x62: {  	_ =	shalt  }
0x63: {  	_ =	shalt  }
0x64: {  	_ =	shalt  }
0x65: {  	_ =	shalt  }
0x66: {  	_ =	shalt  }
0x67: {  	_ =	shalt  }
0x68: {  	_ =	shalt  }
0x69: {  	_ =	shalt  }
0x6a: {  	_ =	shalt  }
0x6b: {  	_ =	shalt  }
0x6c: {  	_ =	shalt  }
0x6d: {  	_ =	shalt  }
0x6e: {  	_ =	shalt  }
0x6f: {  	_ =	shalt  }
0x70: {  	_ =	shalt  }
0x71: {  	_ =	shalt  }
0x72: {  	_ =	shalt  }
0x73: {  	_ =	shalt  }
0x74: {  	_ =	shalt  }
0x75: {  	_ =	shalt  }
0x76: {  	_ =	shalt  }
0x77: {  	_ =	shalt  }
0x78: {  	_ =	shalt  }
0x79: {  	_ =	shalt  }
0x7a: {  	_ =	shalt  }
0x7b: {  	_ =	shalt  }
0x7c: {  	_ =	shalt  }
0x7d: {  	_ =	shalt  }
0x7e: {  	_ =	shalt  }
0x7f: {  	_ =	shalt  }
0x80: {  	_ =	shalt  }
0x81: {  	_ =	shalt  }
0x82: {  	_ =	shalt  }
0x83: {  	_ =	shalt  }
0x84: {  	_ =	shalt  }
0x85: {  	_ =	shalt  }
0x86: {  	_ =	shalt  }
0x87: {  	_ =	shalt  }
.Lfunc_end0:
.L_simem_size_0:
called_computation.2_lowered:
.L_overlay_start_0:
0x88: {  	s2 =	sld [smem:$0x3FD9]  }
0x89: {  	s3 =	sld [smem:$0x3FFE];
	_ =	sdelay $0x1  }
0x8a: {  	s1 =	srdreg.scid  }
0x8b: {  	s0 =	sand.u32 $0x1, s1  }
0x8c: {  	s17 =	sshll.u32 s0, $0xA;
	s2 =	sadd.s32 s3, s2  }
0x8d: {  	s2 =	sadd.s32 s2, s17  }
0x8e: {  	[smem:$0x3FC1] =	sst s2  }
0x8f: {  	_ = 	snop  }
0x90: {  	s2 =	sld [smem:$0x3FD0];
	(tm) =	ssettm $0x1  }
0x91: {  	s18 =	sld [smem:$0x3FFB];
	_ =	sdelay $0x3  }
0x92: {  	_ =	strace s18  }
0x93: {  	s3 =	sld [smem:$0x3FFC];
	_ =	sdelay $0x3  }
0x94: {  	_ =	strace s3  }
0x95: {  	s3 =	sld [smem:$0x3FFD];
	_ =	sdelay $0x3  }
0x96: {  	_ =	strace s3  }
0x97: {  	_ =	strace $0x8FFFFFFF  }
0x98: {  	s19 =	sld [smem:$0x3FDB];
	_ =	sdelay $0x1  }
0x99: {  	s4 =	simm.s32 $_scs_section_size  }
0x9a: {  	s5 =	simm.s32 $_size__tile_overlayer_lowered;
	s6 =	simm.s32 $_tile_overlayer_lowered  }
0x9b: {  	s22 =	simm.s32 $0x1BFF;
	s21 =	sshll.u32 s6, $0x1;
	s3 =	sadd.s32 s4, s19  }
0x9c: {  	s7 =	simm.s32 $0x0;
	s20 =	sshll.u32 s5, $0x1;
	s5 =	sadd.s32 s21, s3  }
0x9d: {  	[timem:s7], [sflag:s22] =	dma.local [hbm:s5], s20  }
0x9e: {  	_ =	swait.ge [sflag:s22], s20  }
0x9f: {  	s4 =	ssub.s32 $0x0, s20;
	[sflag:s22] =	ssyncset.done $0x0  }
0xa0: {  	[sflag:s22] =	ssyncadd.s32 s4;
	_ =	sdelay $0x1  }
0xa1: {  	s23 =	simm.s32 $0x1B8B  }
0xa2: {  	_ =	swait.ge [sflag:s23], $0x1  }
0xa3: {  	[sflag:s23] =	ssyncset.done $0x0  }
0xa4: {  	s25 =	simm.s32 $0x1B8E;
	s24 =	sld [smem:$0x3FFE];
	[sflag:s23] =	ssyncadd.s32 $0xFFFFFFFF  }
0xa5: {  	s26 =	simm.s32 $execute0_lowered;
	[smem:$0x3FD2] =	sst s25  }
0xa6: {  	s5 =	sshll.u32 s26, $0x1;
	_ =	strace $0x80000046;
	[dreg:$0x1] =	wrdreg $0xFFFFFFFF  }
0xa7: {  	s28 =	simm.s32 $_size_execute0_lowered;
	s3 =	sadd.s32 s3, s5;
	[dreg:$0x0] =	wrdreg $0x0  }
0xa8: {  	s5 =	sshll.u32 s28, $0x1;
	[dreg:$0x2] =	wrdreg s3  }
0xa9: {  	[dreg:$0x3] =	wrdreg s5  }
0xaa: {  	[dreg:$0x4] =	wrdreg $0xC0  }
0xab: {  	_ =	task [dreg:s7], $0x5FFFF  }
0xac: {  	[dreg:$0x1] =	wrdreg $0xFFFFFFFF  }
0xad: {  	[dreg:$0x0] =	wrdreg $0x60  }
0xae: {  	[dreg:$0x2] =	wrdreg s2  }
0xaf: {  	[dreg:$0x3] =	wrdreg s24  }
0xb0: {  	[dreg:$0x4] =	wrdreg $0xA  }
0xb1: {  	_ =	task.clear_ibuf [dreg:s7], $0x5FFFF;
	_ =	strace $0x90000046  }
0xb2: {  	s29 =	simm.s32 $0xA;
	_ =	strace $0x80000048  }
0xb3: {  	_ =	swait.ge [sflag:s29], $0x1  }
0xb4: {  	[sflag:s29] =	ssyncadd.s32 $0xFFFFFFFF  }
0xb5: {  	_ =	strace $0x90000048  }
0xb6: {  	_ =	sfence  }
0xb7: {  	s30 =	sld [smem:$0x0];
	_ =	sdelay $0x2  }
0xb8: {  	s31 =	sshll.u32 s1, $0xD;
	s1 =	sshrl.u32 s1, $0x2  }
0xb9: {  	s3 =	sand.u32 $0x4000, s31;
	s1 =	sadd.s32 s1, s30  }
0xba: {  	s0 =	sor.u32 s3, s0;
	s1 =	sshll.u32 s1, $0x11  }
0xbb: {  	s0 =	sor.u32 s1, s0  }
0xbc: {  	s0 =	sadd.s32 $0x8F2B, s0  }
0xbd: {  	[sflag:s0] =	ssyncadd.remote.s32 $0x1  }
0xbe: {  	_ =	sfence.sel $0xFFFF  }
0xbf: {  	[dreg:$0x0] =	wrdreg $0xFFFFFFFF;
	(pc) =	sbr.abs _section_cstart, $3  }
0xc0: {  	[dreg:$0x1] =	wrdreg $0xFFFFFFFF  }
0xc1: {  	_ =	task.clear_ibuf [dreg:s7], $0x2FFFF;
	_ =	strace $0x9FFFFFFF  }
0xc2: {  	(tm) =	ssettm $0x7FFFFFFF  }
0xc3: {  	_ =	shalt  }
tec
execute0_lowered:
.L_overlay_start_1:
0x0: {  	(tag) =	ssettag $0x1  }
0x1: {  	s1 =	srdreg.scid;
	s0 =	stileid.u32  }
0x2: {  	s2 =	rddreg [dreg:$0x0];
	s1 =	sand.u32 $0x1, s1;
	s3 =	sshll.u32 s0, $0x1  }
0x3: {  	s5 =	rddreg [dreg:$0x1];
	s4 =	sor.u32 s1, s3;
	s3 =	simm.s32 $0x0  }
0x4: {  	s7 =	simm.s32 $0x100;
	[smem:$0x7FF] =	sst s3  }
0x5: {  	s8 =	simm.s32 $0x1A00;
	_ =	strace $0x80000047;
	[dreg:$0x6] =	wrdreg s7  }
0x6: {  	s9 =	simm.s32 $0x180;
	[dreg:$0x7] =	wrdreg s8  }
0x7: {  	s10 =	simm.s32 $0x2200;
	[dreg:$0x8] =	wrdreg s9  }
0x8: {  	s11 =	simm.s32 $0x200;
	[dreg:$0x9] =	wrdreg s10  }
0x9: {  	s12 =	simm.s32 $0x2A00;
	[dreg:$0xa] =	wrdreg s11  }
0xa: {  	s13 =	simm.s32 $0x280;
	[dreg:$0xb] =	wrdreg s12  }
0xb: {  	s14 =	simm.s32 $0x3200;
	[dreg:$0xc] =	wrdreg s13  }
0xc: {  	s15 =	simm.s32 $0x300;
	[dreg:$0xd] =	wrdreg s14  }
0xd: {  	s16 =	simm.s32 $0x3A00;
	[dreg:$0xe] =	wrdreg s15  }
0xe: {  	s17 =	simm.s32 $0x380;
	s6 =	smul.u32 $0x140, s4;
	[dreg:$0xf] =	wrdreg s16  }
0xf: {  	s18 =	simm.s32 $0x4200;
	s4 =	smul.u32 $0x1400, s4;
	[dreg:$0x10] =	wrdreg s17  }
0x10: {  	s19 =	simm.s32 $0x400;
	[dreg:$0x11] =	wrdreg s18;
	s6 =	sadd.s32 s6, s5  }
0x11: {  	[dreg:$0x12] =	wrdreg s19;
	s4 =	sadd.s32 s4, s5;
	s0 =	sadd.s32 $0x2200, s6  }
0x12: {  	s4 =	sadd.s32 $0x4A00, s4;
	[dreg:$0x3] =	wrdreg s0  }
0x13: {  	s6 =	simm.s32 $0x1200;
	[dreg:$0x4] =	wrdreg s4  }
0x14: {  	[dreg:$0x5] =	wrdreg s6  }
0x15: {  	s4 =	simm.s32 $0x2;
	s5 =	rddreg [dreg:$0x3]  }
0x16: {  	[tilespmem:s3], [sflag:$0x2] =	stream.linear.gather [hbm4b:s5+s3], $0xA00, $0x38;
	[tilespmem:$0xAA00] =	vst v63  }
0x17: {  	_ =	swait.ge [sflag:s4], $0xA00  }
0x18: {  	s7 =	rddreg [dreg:$0x11]  }
0x19: {  	s8 =	rddreg [dreg:$0xf]  }
0x1a: {  	s9 =	rddreg [dreg:$0xd]  }
0x1b: {  	s10 =	rddreg [dreg:$0xb]  }
0x1c: {  	s6 =	simm.s32 $0x80;
	s11 =	rddreg [dreg:$0x6];
	[sflag:s4] =	ssyncset.done $0x0  }
0x1d: {  	s5 =	simm.s32 $0xA00;
	s12 =	rddreg [dreg:$0x5];
	[sflag:s4] =	ssyncadd.s32 $0xFFFFF600  }
0x1e: {  	[tilespmem:s5], [sflag:$0x1] =	stream.indirect.gather [hbm4b:s2+s6], $0x10, s3, s6, $0xb8;
	[tilespmem:$0xAA00] =	vst v63  }
0x1f: {  	s13 =	rddreg [dreg:$0x7]  }
0x20: {  	[tilespmem:s12], [sflag:$0x1] =	stream.indirect.gather [hbm4b:s2+s6], $0x10, s6, s6, $0xb8;
	[tilespmem:$0xAA00] =	vst v63  }
0x21: {  	s14 =	rddreg [dreg:$0x9]  }
0x22: {  	[tilespmem:s13], [sflag:$0x1] =	stream.indirect.gather [hbm4b:s2+s6], $0x10, s11, s6, $0xb8;
	[tilespmem:$0xAA00] =	vst v63  }
0x23: {  	s20 =	rddreg [dreg:$0x8]  }
0x24: {  	[tilespmem:s14], [sflag:$0x1] =	stream.indirect.gather [hbm4b:s2+s6], $0x10, s20, s6, $0xb8;
	[tilespmem:$0xAA00] =	vst v63  }
0x25: {  	s21 =	rddreg [dreg:$0xa]  }
0x26: {  	[tilespmem:s10], [sflag:$0x1] =	stream.indirect.gather [hbm4b:s2+s6], $0x10, s21, s6, $0xb8;
	[tilespmem:$0xAA00] =	vst v63  }
0x27: {  	s22 =	rddreg [dreg:$0xc]  }
0x28: {  	[tilespmem:s9], [sflag:$0x1] =	stream.indirect.gather [hbm4b:s2+s6], $0x10, s22, s6, $0xb8;
	[tilespmem:$0xAA00] =	vst v63  }
0x29: {  	s23 =	rddreg [dreg:$0xe]  }
0x2a: {  	[tilespmem:s8], [sflag:$0x1] =	stream.indirect.gather [hbm4b:s2+s6], $0x10, s23, s6, $0xb8;
	[tilespmem:$0xAA00] =	vst v63  }
0x2b: {  	s24 =	rddreg [dreg:$0x10]  }
0x2c: {  	[tilespmem:s7], [sflag:$0x1] =	stream.indirect.gather [hbm4b:s2+s6], $0x10, s24, s6, $0xb8;
	[tilespmem:$0xAA00] =	vst v63  }
0x2d: {  	s26 =	simm.s32 $0x4A00;
	s25 =	rddreg [dreg:$0x12]  }
0x2e: {  	[tilespmem:s26], [sflag:$0x1] =	stream.indirect.gather [hbm4b:s2+s6], $0x10, s25, s6, $0xb8;
	[tilespmem:$0xAA00] =	vst v63  }
0x2f: {  	s8 =	simm.s32 $0x5200;
	s7 =	simm.s32 $0x480  }
0x30: {  	[tilespmem:s8], [sflag:$0x1] =	stream.indirect.gather [hbm4b:s2+s6], $0x10, s7, s6, $0xb8;
	[tilespmem:$0xAA00] =	vst v63  }
0x31: {  	s10 =	simm.s32 $0x5A00;
	s9 =	simm.s32 $0x500  }
0x32: {  	[tilespmem:s10], [sflag:$0x1] =	stream.indirect.gather [hbm4b:s2+s6], $0x10, s9, s6, $0xb8;
	[tilespmem:$0xAA00] =	vst v63  }
0x33: {  	s12 =	simm.s32 $0x6200;
	s11 =	simm.s32 $0x580  }
0x34: {  	[tilespmem:s12], [sflag:$0x1] =	stream.indirect.gather [hbm4b:s2+s6], $0x10, s11, s6, $0xb8;
	[tilespmem:$0xAA00] =	vst v63  }
0x35: {  	s15 =	simm.s32 $0x6A00;
	s14 =	simm.s32 $0x600  }
0x36: {  	[tilespmem:s15], [sflag:$0x1] =	stream.indirect.gather [hbm4b:s2+s6], $0x10, s14, s6, $0xb8;
	[tilespmem:$0xAA00] =	vst v63  }
0x37: {  	s16 =	simm.s32 $0x680;
	s17 =	simm.s32 $0x7200  }
0x38: {  	[tilespmem:s17], [sflag:$0x1] =	stream.indirect.gather [hbm4b:s2+s6], $0x10, s16, s6, $0xb8;
	[tilespmem:$0xAA00] =	vst v63  }
0x39: {  	s18 =	simm.s32 $0x700;
	s19 =	simm.s32 $0x7A00  }
0x3a: {  	[tilespmem:s19], [sflag:$0x1] =	stream.indirect.gather [hbm4b:s2+s6], $0x10, s18, s6, $0xb8;
	[tilespmem:$0xAA00] =	vst v63  }
0x3b: {  	s20 =	simm.s32 $0x780;
	s21 =	simm.s32 $0x8200  }
0x3c: {  	[tilespmem:s21], [sflag:$0x1] =	stream.indirect.gather [hbm4b:s2+s6], $0x10, s20, s6, $0xb8;
	[tilespmem:$0xAA00] =	vst v63  }
0x3d: {  	s22 =	simm.s32 $0x800;
	s23 =	simm.s32 $0x8A00  }
0x3e: {  	[tilespmem:s23], [sflag:$0x1] =	stream.indirect.gather [hbm4b:s2+s6], $0x10, s22, s6, $0xb8;
	[tilespmem:$0xAA00] =	vst v63  }
0x3f: {  	s24 =	simm.s32 $0x880;
	s25 =	simm.s32 $0x9200  }
0x40: {  	[tilespmem:s25], [sflag:$0x1] =	stream.indirect.gather [hbm4b:s2+s6], $0x10, s24, s6, $0xb8;
	[tilespmem:$0xAA00] =	vst v63  }
0x41: {  	s28 =	simm.s32 $0x9A00;
	s26 =	simm.s32 $0x900  }
0x42: {  	[tilespmem:s28], [sflag:$0x1] =	stream.indirect.gather [hbm4b:s2+s6], $0x10, s26, s6, $0xb8;
	[tilespmem:$0xAA00] =	vst v63  }
0x43: {  	s30 =	simm.s32 $0x980;
	s31 =	simm.s32 $0xA200;
	s29 =	simm.s32 $0x1  }
0x44: {  	[tilespmem:s31], [sflag:$0x1] =	stream.indirect.gather [hbm4b:s2+s6], $0x10, s30, s6, $0xb8;
	[tilespmem:$0xAA00] =	vst v63  }
0x45: {  	_ =	swait.ge [sflag:s29], $0x800  }
0x46: {  	[sflag:s29] =	ssyncset.done $0x0  }
0x47: {  	[sflag:s29] =	ssyncadd.s32 $0xFFFFF800  }
0x48: {  	_ =	swait.ge [sflag:s29], $0x800  }
0x49: {  	[sflag:s29] =	ssyncset.done $0x0  }
0x4a: {  	[sflag:s29] =	ssyncadd.s32 $0xFFFFF800  }
0x4b: {  	_ =	swait.ge [sflag:s29], $0x800  }
0x4c: {  	[sflag:s29] =	ssyncset.done $0x0  }
0x4d: {  	[sflag:s29] =	ssyncadd.s32 $0xFFFFF800  }
0x4e: {  	_ =	swait.ge [sflag:s29], $0x800  }
0x4f: {  	[sflag:s29] =	ssyncset.done $0x0  }
0x50: {  	[sflag:s29] =	ssyncadd.s32 $0xFFFFF800  }
0x51: {  	_ =	swait.ge [sflag:s29], $0x800  }
0x52: {  	[sflag:s29] =	ssyncset.done $0x0  }
0x53: {  	[sflag:s29] =	ssyncadd.s32 $0xFFFFF800  }
0x54: {  	_ =	swait.ge [sflag:s29], $0x800  }
0x55: {  	[sflag:s29] =	ssyncset.done $0x0  }
0x56: {  	[sflag:s29] =	ssyncadd.s32 $0xFFFFF800  }
0x57: {  	_ =	swait.ge [sflag:s29], $0x800  }
0x58: {  	[sflag:s29] =	ssyncset.done $0x0  }
0x59: {  	[sflag:s29] =	ssyncadd.s32 $0xFFFFF800  }
0x5a: {  	_ =	swait.ge [sflag:s29], $0x800  }
0x5b: {  	[sflag:s29] =	ssyncset.done $0x0  }
0x5c: {  	[sflag:s29] =	ssyncadd.s32 $0xFFFFF800  }
0x5d: {  	_ =	swait.ge [sflag:s29], $0x800  }
0x5e: {  	[sflag:s29] =	ssyncset.done $0x0  }
0x5f: {  	[sflag:s29] =	ssyncadd.s32 $0xFFFFF800  }
0x60: {  	_ =	swait.ge [sflag:s29], $0x800  }
0x61: {  	[sflag:s29] =	ssyncset.done $0x0  }
0x62: {  	[sflag:s29] =	ssyncadd.s32 $0xFFFFF800  }
0x63: {  	_ =	swait.ge [sflag:s29], $0x800  }
0x64: {  	[sflag:s29] =	ssyncset.done $0x0  }
0x65: {  	[sflag:s29] =	ssyncadd.s32 $0xFFFFF800  }
0x66: {  	_ =	swait.ge [sflag:s29], $0x800  }
0x67: {  	[sflag:s29] =	ssyncset.done $0x0  }
0x68: {  	[sflag:s29] =	ssyncadd.s32 $0xFFFFF800  }
0x69: {  	_ =	swait.ge [sflag:s29], $0x800  }
0x6a: {  	[sflag:s29] =	ssyncset.done $0x0  }
0x6b: {  	[sflag:s29] =	ssyncadd.s32 $0xFFFFF800  }
0x6c: {  	_ =	swait.ge [sflag:s29], $0x800  }
0x6d: {  	[sflag:s29] =	ssyncset.done $0x0  }
0x6e: {  	[sflag:s29] =	ssyncadd.s32 $0xFFFFF800  }
0x6f: {  	_ =	swait.ge [sflag:s29], $0x800  }
0x70: {  	[sflag:s29] =	ssyncset.done $0x0  }
0x71: {  	[sflag:s29] =	ssyncadd.s32 $0xFFFFF800  }
0x72: {  	_ =	swait.ge [sflag:s29], $0x800  }
0x73: {  	[sflag:s29] =	ssyncset.done $0x0  }
0x74: {  	[sflag:s29] =	ssyncadd.s32 $0xFFFFF800  }
0x75: {  	s1 =	ssub.s32 $0x2, s1;
	_ =	swait.ge [sflag:s29], $0x800  }
0x76: {  	s13 =	sshrl.u32 s1, $0x1;
	[sflag:s29] =	ssyncset.done $0x0  }
0x77: {  	s0 =	ssub.s32 s1, s13;
	[sflag:s29] =	ssyncadd.s32 $0xFFFFF800  }
0x78: {  	s0 =	smax.u32 s0, $0x1;
	_ =	swait.ge [sflag:s29], $0x800  }
0x79: {  	p0 =	sne.s32 s0, $0x1;
	[sflag:s29] =	ssyncset.done $0x0  }
.Ltmp0:
0x7a: {  	[sflag:s29] =	ssyncadd.s32 $0xFFFFF800;
	(pc) =	sbr.rel @!p0 .LBB2_2-.Ltmp0, $4  }
0x7b: {  	_ =	swait.ge [sflag:s29], $0x800  }
0x7c: {  	[sflag:s29] =	ssyncset.done $0x0  }
0x7d: {  	[sflag:s29] =	ssyncadd.s32 $0xFFFFF800  }
0x7e: {  	s1 =	sadd.s32 $0xFFFFFFFF, s0;
	_ =	swait.ge [sflag:s29], $0x800  }
.LBB2_1:
0x7f: {  	[sflag:s29] =	ssyncset.done $0x0  }
0x80: {  	s0 =	rddreg [dreg:$0x4];
	[sflag:s29] =	ssyncadd.s32 $0xFFFFF800  }
0x81: {  	[hbm4b:s0+s3] =	stream.linear.scatter [tilespmem:s5], [sflag:$0x2], $0xA000, $0x38;
	[tilespmem:$0xAA00] =	vst v63  }
0x82: {  	_ =	swait.ge [sflag:s4], $0xA000  }
0x83: {  	[sflag:s4] =	ssyncset.done $0x0  }
0x84: {  	s11 =	rddreg [dreg:$0x3];
	[sflag:s4] =	ssyncadd.s32 $0xFFFF6000  }
0x85: {  	[tilespmem:s3], [sflag:$0x2] =	stream.linear.gather [hbm4b:s11+s3], $0xA00, $0x38;
	[tilespmem:$0xAA00] =	vst v63  }
0x86: {  	_ =	swait.ge [sflag:s4], $0xA00  }
0x87: {  	s0 =	rddreg [dreg:$0x11]  }
0x88: {  	s7 =	rddreg [dreg:$0xf]  }
0x89: {  	s8 =	rddreg [dreg:$0xd]  }
0x8a: {  	s9 =	rddreg [dreg:$0xb]  }
0x8b: {  	s10 =	rddreg [dreg:$0x6];
	[sflag:s4] =	ssyncset.done $0x0  }
0x8c: {  	s11 =	rddreg [dreg:$0x5];
	[sflag:s4] =	ssyncadd.s32 $0xFFFFF600  }
0x8d: {  	[tilespmem:s5], [sflag:$0x1] =	stream.indirect.gather [hbm4b:s2+s6], $0x10, s3, s6, $0xb8;
	[tilespmem:$0xAA00] =	vst v63  }
0x8e: {  	s12 =	rddreg [dreg:$0x7]  }
0x8f: {  	[tilespmem:s11], [sflag:$0x1] =	stream.indirect.gather [hbm4b:s2+s6], $0x10, s6, s6, $0xb8;
	[tilespmem:$0xAA00] =	vst v63  }
0x90: {  	s13 =	rddreg [dreg:$0x9]  }
0x91: {  	[tilespmem:s12], [sflag:$0x1] =	stream.indirect.gather [hbm4b:s2+s6], $0x10, s10, s6, $0xb8;
	[tilespmem:$0xAA00] =	vst v63  }
0x92: {  	s11 =	rddreg [dreg:$0x8]  }
0x93: {  	[tilespmem:s13], [sflag:$0x1] =	stream.indirect.gather [hbm4b:s2+s6], $0x10, s11, s6, $0xb8;
	[tilespmem:$0xAA00] =	vst v63  }
0x94: {  	s12 =	rddreg [dreg:$0xa]  }
0x95: {  	[tilespmem:s9], [sflag:$0x1] =	stream.indirect.gather [hbm4b:s2+s6], $0x10, s12, s6, $0xb8;
	[tilespmem:$0xAA00] =	vst v63  }
0x96: {  	s13 =	rddreg [dreg:$0xc]  }
0x97: {  	[tilespmem:s8], [sflag:$0x1] =	stream.indirect.gather [hbm4b:s2+s6], $0x10, s13, s6, $0xb8;
	[tilespmem:$0xAA00] =	vst v63  }
0x98: {  	s10 =	rddreg [dreg:$0xe]  }
0x99: {  	[tilespmem:s7], [sflag:$0x1] =	stream.indirect.gather [hbm4b:s2+s6], $0x10, s10, s6, $0xb8;
	[tilespmem:$0xAA00] =	vst v63  }
0x9a: {  	s11 =	rddreg [dreg:$0x10]  }
0x9b: {  	[tilespmem:s0], [sflag:$0x1] =	stream.indirect.gather [hbm4b:s2+s6], $0x10, s11, s6, $0xb8;
	[tilespmem:$0xAA00] =	vst v63  }
0x9c: {  	s12 =	rddreg [dreg:$0x12];
	s13 =	simm.s32 $0x4A00  }
0x9d: {  	[tilespmem:s13], [sflag:$0x1] =	stream.indirect.gather [hbm4b:s2+s6], $0x10, s12, s6, $0xb8;
	[tilespmem:$0xAA00] =	vst v63  }
0x9e: {  	s9 =	simm.s32 $0x5200;
	s8 =	simm.s32 $0x480  }
0x9f: {  	[tilespmem:s9], [sflag:$0x1] =	stream.indirect.gather [hbm4b:s2+s6], $0x10, s8, s6, $0xb8;
	[tilespmem:$0xAA00] =	vst v63  }
0xa0: {  	s10 =	simm.s32 $0x500;
	s11 =	simm.s32 $0x5A00  }
0xa1: {  	[tilespmem:s11], [sflag:$0x1] =	stream.indirect.gather [hbm4b:s2+s6], $0x10, s10, s6, $0xb8;
	[tilespmem:$0xAA00] =	vst v63  }
0xa2: {  	s12 =	simm.s32 $0x580;
	s13 =	simm.s32 $0x6200  }
0xa3: {  	[tilespmem:s13], [sflag:$0x1] =	stream.indirect.gather [hbm4b:s2+s6], $0x10, s12, s6, $0xb8;
	[tilespmem:$0xAA00] =	vst v63  }
0xa4: {  	_ = 	snop  }
0xa5: {  	[tilespmem:s15], [sflag:$0x1] =	stream.indirect.gather [hbm4b:s2+s6], $0x10, s14, s6, $0xb8;
	[tilespmem:$0xAA00] =	vst v63  }
0xa6: {  	_ = 	snop  }
0xa7: {  	[tilespmem:s17], [sflag:$0x1] =	stream.indirect.gather [hbm4b:s2+s6], $0x10, s16, s6, $0xb8;
	[tilespmem:$0xAA00] =	vst v63  }
0xa8: {  	_ = 	snop  }
0xa9: {  	[tilespmem:s19], [sflag:$0x1] =	stream.indirect.gather [hbm4b:s2+s6], $0x10, s18, s6, $0xb8;
	[tilespmem:$0xAA00] =	vst v63  }
0xaa: {  	_ = 	snop  }
0xab: {  	[tilespmem:s21], [sflag:$0x1] =	stream.indirect.gather [hbm4b:s2+s6], $0x10, s20, s6, $0xb8;
	[tilespmem:$0xAA00] =	vst v63  }
0xac: {  	_ = 	snop  }
0xad: {  	[tilespmem:s23], [sflag:$0x1] =	stream.indirect.gather [hbm4b:s2+s6], $0x10, s22, s6, $0xb8;
	[tilespmem:$0xAA00] =	vst v63  }
0xae: {  	_ = 	snop  }
0xaf: {  	[tilespmem:s25], [sflag:$0x1] =	stream.indirect.gather [hbm4b:s2+s6], $0x10, s24, s6, $0xb8;
	[tilespmem:$0xAA00] =	vst v63  }
0xb0: {  	_ = 	snop  }
0xb1: {  	[tilespmem:s28], [sflag:$0x1] =	stream.indirect.gather [hbm4b:s2+s6], $0x10, s26, s6, $0xb8;
	[tilespmem:$0xAA00] =	vst v63  }
0xb2: {  	_ = 	snop  }
0xb3: {  	[tilespmem:s31], [sflag:$0x1] =	stream.indirect.gather [hbm4b:s2+s6], $0x10, s30, s6, $0xb8;
	[tilespmem:$0xAA00] =	vst v63  }
0xb4: {  	_ =	swait.ge [sflag:s29], $0x800  }
0xb5: {  	[sflag:s29] =	ssyncset.done $0x0  }
0xb6: {  	[sflag:s29] =	ssyncadd.s32 $0xFFFFF800  }
0xb7: {  	_ =	swait.ge [sflag:s29], $0x800  }
0xb8: {  	[sflag:s29] =	ssyncset.done $0x0  }
0xb9: {  	[sflag:s29] =	ssyncadd.s32 $0xFFFFF800  }
0xba: {  	_ =	swait.ge [sflag:s29], $0x800  }
0xbb: {  	[sflag:s29] =	ssyncset.done $0x0  }
0xbc: {  	[sflag:s29] =	ssyncadd.s32 $0xFFFFF800  }
0xbd: {  	_ =	swait.ge [sflag:s29], $0x800  }
0xbe: {  	[sflag:s29] =	ssyncset.done $0x0  }
0xbf: {  	[sflag:s29] =	ssyncadd.s32 $0xFFFFF800  }
0xc0: {  	_ =	swait.ge [sflag:s29], $0x800  }
0xc1: {  	[sflag:s29] =	ssyncset.done $0x0  }
0xc2: {  	[sflag:s29] =	ssyncadd.s32 $0xFFFFF800  }
0xc3: {  	_ =	swait.ge [sflag:s29], $0x800  }
0xc4: {  	[sflag:s29] =	ssyncset.done $0x0  }
0xc5: {  	[sflag:s29] =	ssyncadd.s32 $0xFFFFF800  }
0xc6: {  	_ =	swait.ge [sflag:s29], $0x800  }
0xc7: {  	[sflag:s29] =	ssyncset.done $0x0  }
0xc8: {  	[sflag:s29] =	ssyncadd.s32 $0xFFFFF800  }
0xc9: {  	_ =	swait.ge [sflag:s29], $0x800  }
0xca: {  	[sflag:s29] =	ssyncset.done $0x0  }
0xcb: {  	[sflag:s29] =	ssyncadd.s32 $0xFFFFF800  }
0xcc: {  	_ =	swait.ge [sflag:s29], $0x800  }
0xcd: {  	[sflag:s29] =	ssyncset.done $0x0  }
0xce: {  	[sflag:s29] =	ssyncadd.s32 $0xFFFFF800  }
0xcf: {  	_ =	swait.ge [sflag:s29], $0x800  }
0xd0: {  	[sflag:s29] =	ssyncset.done $0x0  }
0xd1: {  	[sflag:s29] =	ssyncadd.s32 $0xFFFFF800  }
0xd2: {  	_ =	swait.ge [sflag:s29], $0x800  }
0xd3: {  	[sflag:s29] =	ssyncset.done $0x0  }
0xd4: {  	[sflag:s29] =	ssyncadd.s32 $0xFFFFF800  }
0xd5: {  	_ =	swait.ge [sflag:s29], $0x800  }
0xd6: {  	[sflag:s29] =	ssyncset.done $0x0  }
0xd7: {  	[sflag:s29] =	ssyncadd.s32 $0xFFFFF800  }
0xd8: {  	_ =	swait.ge [sflag:s29], $0x800  }
0xd9: {  	[sflag:s29] =	ssyncset.done $0x0  }
0xda: {  	[sflag:s29] =	ssyncadd.s32 $0xFFFFF800  }
0xdb: {  	_ =	swait.ge [sflag:s29], $0x800  }
0xdc: {  	[sflag:s29] =	ssyncset.done $0x0  }
0xdd: {  	[sflag:s29] =	ssyncadd.s32 $0xFFFFF800  }
0xde: {  	_ =	swait.ge [sflag:s29], $0x800  }
0xdf: {  	[sflag:s29] =	ssyncset.done $0x0  }
0xe0: {  	[sflag:s29] =	ssyncadd.s32 $0xFFFFF800  }
0xe1: {  	_ =	swait.ge [sflag:s29], $0x800  }
0xe2: {  	[sflag:s29] =	ssyncset.done $0x0  }
0xe3: {  	[sflag:s29] =	ssyncadd.s32 $0xFFFFF800  }
0xe4: {  	_ =	swait.ge [sflag:s29], $0x800  }
0xe5: {  	[sflag:s29] =	ssyncset.done $0x0  }
0xe6: {  	[sflag:s29] =	ssyncadd.s32 $0xFFFFF800  }
0xe7: {  	_ =	swait.ge [sflag:s29], $0x800  }
0xe8: {  	p0 =	sne.s32 s1, $0x1;
	[sflag:s29] =	ssyncset.done $0x0  }
.Ltmp1:
0xe9: {  	[sflag:s29] =	ssyncadd.s32 $0xFFFFF800;
	(pc) =	sbr.rel @p0 .LBB2_1-.Ltmp1, $4  }
0xea: {  	_ =	swait.ge [sflag:s29], $0x800  }
0xeb: {  	[sflag:s29] =	ssyncset.done $0x0  }
0xec: {  	[sflag:s29] =	ssyncadd.s32 $0xFFFFF800  }
0xed: {  	s1 =	sadd.s32 $0xFFFFFFFF, s1;
	_ =	swait.ge [sflag:s29], $0x800  }
.LBB2_2:
0xee: {  	[sflag:s29] =	ssyncset.done $0x0  }
0xef: {  	s0 =	rddreg [dreg:$0x4];
	[sflag:s29] =	ssyncadd.s32 $0xFFFFF800  }
0xf0: {  	[hbm4b:s0+s3] =	stream.linear.scatter [tilespmem:s5], [sflag:$0x2], $0xA000, $0x38;
	[tilespmem:$0xAA00] =	vst v63  }
0xf1: {  	_ =	swait.ge [sflag:s4], $0xA000  }
0xf2: {  	[sflag:s4] =	ssyncset.done $0x0  }
0xf3: {  	[sflag:s4] =	ssyncadd.s32 $0xFFFF6000  }
0xf4: {  	_ =	sfence.sel $0x180000  }
0xf5: {  	[bflag:$0x0] =	sbarrier.arrive $0xFFFF  }
0xf6: {  	_ =	strace $0x90000047  }
0xf7: {  	s31 =	stileid.u32;
	[bflag:$0x2] =	sbarrier.arrive $0xFFFF  }
0xf8: {  	p0 =	sne.s32 s31, $0x0;
	s0 =	rddreg [dreg:$0x2]  }
0xf9: {  	s0 =	sadd.s32 @!p0 $0x100000, s0  }
0xfa: {  	[sflag:s0] =	ssyncadd.tile.s32 @!p0 $0x1;
	_ =	shalt  }
.Lfunc_end2:
_tile_overlayer_lowered:
.L_overlay_start_2:
0xfb: {  	(tag) =	ssettag $0x2  }
0xfc: {  	s0 =	rddreg [dreg:$0x0];
	s2 =	stileid.u32  }
0xfd: {  	s1 =	rddreg [dreg:$0x1];
	p0 =	sne.s32 s2, $0x0  }
0xfe: {  	s3 =	rddreg [dreg:$0x2];
	[bflag:$0x3] =	sbarrier.arrive $0xFFFF;
	s2 =	simm.s32 @!p0 $0x1C02  }
0xff: {  	[timem:s3], [sflag:s2] =	dma.local @!p0 [hbm:s0], s1  }
0x100: {  	s0 =	simm.s32 @!p0 $0x2  }
0x101: {  	_ =	swait.ge @!p0 [sflag:s0], s1  }
0x102: {  	s1 =	ssub.s32 @!p0 $0x0, s1;
	[sflag:s0] =	ssyncset.done @!p0 $0x0  }
0x103: {  	[sflag:s0] =	ssyncadd.s32 @!p0 s1  }
0x104: {  	[bflag:$0x3] =	sbarrier.arrive $0xFFFF  }
0x105: {  	_ =	shalt  }

// kernel: kernel.18.cloned.1.call-start
scs
__scs_entry_jumppad:
0x0: {  	(pc) =	sbr.rel $0x88, $3  }
0x1: {  	(tag) =	ssettag $0x0;
	lr =	simm.s32 $0x1  }
0x2: {  	[smem:$0x3F9A] =	sst lr;
	_ =	strace $0xD0000000  }
0x3: {  	_ = 	snop  }
0x4: {  	_ = 	snop  }
0x5: {  	_ = 	snop  }
0x6: {  	_ = 	snop  }
0x7: {  	_ = 	snop  }
__scs_overlays_trampoline_lowered:
0x8: {  	[smem:$0x3FA9] =	sst s0  }
0x9: {  	[smem:$0x3FAA] =	sst s1  }
0xa: {  	[smem:$0x3FAB] =	sst s2  }
0xb: {  	[smem:$0x3FAC] =	sst s3  }
0xc: {  	[smem:$0x3FAD] =	sst s4  }
0xd: {  	[smem:$0x3FAE] =	sst s5  }
0xe: {  	[smem:$0x3FAF] =	sst s6  }
0xf: {  	[smem:$0x3FB0] =	sst s7  }
0x10: {  	[smem:$0x3FB1] =	sst s8  }
0x11: {  	[smem:$0x3FB2] =	sst s9;
	s0 =	simm.s32 @!p0 $0x0  }
0x12: {  	s1 =	sld [smem:$0x3F98];
	s0 =	simm.s32 @p0 $0x1  }
0x13: {  	[smem:$0x3FB3] =	sst s0;
	s0 =	simm.s32 @!p1 $0x0  }
0x14: {  	s2 =	sld [smem:$0x3F97];
	s0 =	simm.s32 @p1 $0x1  }
0x15: {  	[smem:$0x3FB4] =	sst s0;
	s0 =	simm.s32 @!p2 $0x0  }
0x16: {  	s3 =	sld [smem:$0x3FDB];
	s0 =	simm.s32 @p2 $0x1  }
0x17: {  	s4 =	simm.s32 $0x1BF5;
	[smem:$0x3FB6] =	sst s0  }
0x18: {  	s0 =	sld [smem:$0x3F99];
	_ =	swait.ge [sflag:s4], $0x0  }
0x19: {  	s7 =	sld [smem:$0x3F9A]  }
0x1a: {  	s8 =	sadd.s32 $0xFFFFE003, lr  }
0x1b: {  	s9 =	sadd.s32 $0xFFFFFEF7, lr;
	s5 =	simm.s32 $0xFFFFFFFF;
	p2 =	slt.u32 s8, $0xFFFFF086  }
0x1c: {  	p1 =	slt.u32 s9, $0xF7A;
	s5 =	simm.s32 @!p2 $0x0  }
0x1d: {  	s5 =	simm.s32 @p1 $0x1;
	p0 =	seq.s32 s7, s2  }
0x1e: {  	s7 =	smul.u32 @!p0 $0xF7A, s2;
	p2 =	seq.s32 @!p0 s5, $0x0  }
0x1f: {  	s9 =	smul.u32 $0xF7A, s1;
	s8 =	simm.s32 @!p0 $0x1BF5;
	p2 =	por !p2, p0  }
0x20: {  	[sflag:s8] =	ssyncset.s32 @!p0 $0xFFFFF086;
	s6 =	sadd.s32 @!p0 s3, s7;
	s7 =	simm.s32 @!p0 $0x108  }
0x21: {  	s3 =	sadd.s32 s3, s9;
	s6 =	sadd.s32 @!p0 $0x88, s6;
	s7 =	simm.s32 @p2 $0x1082  }
0x22: {  	[simem:s7], [sflag:s8] =	dma.local @!p0 [hbm:s6], $0xF7A  }
0x23: {  	s9 =	sor.u32 $0xD0000000, s2;
	s6 =	simm.s32 $0x108;
	_ =	swait.ge @!p0 [sflag:s8], $0x0  }
0x24: {  	s3 =	sadd.s32 $0x88, s3;
	s6 =	simm.s32 @!p1 $0x1082;
	[sflag:s4] =	ssyncset.s32 $0xFFFFF086  }
0x25: {  	[simem:s6], [sflag:s4] =	dma.local [hbm:s3], $0xF7A  }
0x26: {  	[smem:$0x3F9A] =	sst s1;
	(tag) =	ssettag s2;
	_ =	strace s9  }
0x27: {  	s1 =	sld [smem:$0x3FAA]  }
0x28: {  	s2 =	sld [smem:$0x3FAB]  }
0x29: {  	s4 =	sld [smem:$0x3FAD]  }
0x2a: {  	p0 =	seq.s32 s5, $0x0;
	s5 =	sld [smem:$0x3FAE]  }
0x2b: {  	s6 =	sld [smem:$0x3FAF]  }
0x2c: {  	s7 =	sld [smem:$0x3FB0]  }
0x2d: {  	s3 =	simm.s32 $0x108;
	s8 =	sld [smem:$0x3FB1]  }
0x2e: {  	s3 =	simm.s32 @!p0 $0x1082;
	s9 =	sld [smem:$0x3FB2]  }
0x2f: {  	lr =	sadd.s32 s0, s3;
	s0 =	sld [smem:$0x3FA9]  }
0x30: {  	s3 =	sld [smem:$0x3FAC]  }
0x31: {  	[smem:$0x3FB5] =	sst s10  }
0x32: {  	s10 =	sld [smem:$0x3FB3];
	_ =	sdelay $0x3  }
0x33: {  	p0 =	seq.s32 s10, $0x1;
	s10 =	sld [smem:$0x3FB5];
	_ =	sdelay $0x3  }
0x34: {  	[smem:$0x3FB5] =	sst s10  }
0x35: {  	s10 =	sld [smem:$0x3FB4];
	_ =	sdelay $0x3  }
0x36: {  	p1 =	seq.s32 s10, $0x1;
	s10 =	sld [smem:$0x3FB5];
	_ =	sdelay $0x3  }
0x37: {  	[smem:$0x3FB5] =	sst s10  }
0x38: {  	s10 =	sld [smem:$0x3FB6]  }
0x39: {  	_ = 	snop;
	(pc) =	sbr.ind lr, $3  }
0x3a: {  	_ = 	snop  }
0x3b: {  	_ = 	snop  }
0x3c: {  	p2 =	seq.s32 s10, $0x1;
	s10 =	sld [smem:$0x3FB5]  }
0x3d: {  	_ =	shalt  }
0x3e: {  	_ =	shalt  }
0x3f: {  	_ =	shalt  }
0x40: {  	_ =	shalt  }
0x41: {  	_ =	shalt  }
0x42: {  	_ =	shalt  }
0x43: {  	_ =	shalt  }
0x44: {  	_ =	shalt  }
0x45: {  	_ =	shalt  }
0x46: {  	_ =	shalt  }
0x47: {  	_ =	shalt  }
0x48: {  	_ =	shalt  }
0x49: {  	_ =	shalt  }
0x4a: {  	_ =	shalt  }
0x4b: {  	_ =	shalt  }
0x4c: {  	_ =	shalt  }
0x4d: {  	_ =	shalt  }
0x4e: {  	_ =	shalt  }
0x4f: {  	_ =	shalt  }
0x50: {  	_ =	shalt  }
0x51: {  	_ =	shalt  }
0x52: {  	_ =	shalt  }
0x53: {  	_ =	shalt  }
0x54: {  	_ =	shalt  }
0x55: {  	_ =	shalt  }
0x56: {  	_ =	shalt  }
0x57: {  	_ =	shalt  }
0x58: {  	_ =	shalt  }
0x59: {  	_ =	shalt  }
0x5a: {  	_ =	shalt  }
0x5b: {  	_ =	shalt  }
0x5c: {  	_ =	shalt  }
0x5d: {  	_ =	shalt  }
0x5e: {  	_ =	shalt  }
0x5f: {  	_ =	shalt  }
0x60: {  	_ =	shalt  }
0x61: {  	_ =	shalt  }
0x62: {  	_ =	shalt  }
0x63: {  	_ =	shalt  }
0x64: {  	_ =	shalt  }
0x65: {  	_ =	shalt  }
0x66: {  	_ =	shalt  }
0x67: {  	_ =	shalt  }
0x68: {  	_ =	shalt  }
0x69: {  	_ =	shalt  }
0x6a: {  	_ =	shalt  }
0x6b: {  	_ =	shalt  }
0x6c: {  	_ =	shalt  }
0x6d: {  	_ =	shalt  }
0x6e: {  	_ =	shalt  }
0x6f: {  	_ =	shalt  }
0x70: {  	_ =	shalt  }
0x71: {  	_ =	shalt  }
0x72: {  	_ =	shalt  }
0x73: {  	_ =	shalt  }
0x74: {  	_ =	shalt  }
0x75: {  	_ =	shalt  }
0x76: {  	_ =	shalt  }
0x77: {  	_ =	shalt  }
0x78: {  	_ =	shalt  }
0x79: {  	_ =	shalt  }
0x7a: {  	_ =	shalt  }
0x7b: {  	_ =	shalt  }
0x7c: {  	_ =	shalt  }
0x7d: {  	_ =	shalt  }
0x7e: {  	_ =	shalt  }
0x7f: {  	_ =	shalt  }
0x80: {  	_ =	shalt  }
0x81: {  	_ =	shalt  }
0x82: {  	_ =	shalt  }
0x83: {  	_ =	shalt  }
0x84: {  	_ =	shalt  }
0x85: {  	_ =	shalt  }
0x86: {  	_ =	shalt  }
0x87: {  	_ =	shalt  }
.Lfunc_end0:
.L_simem_size_0:
called_computation.3_lowered:
.L_overlay_start_0:
0x88: {  	s2 =	sld [smem:$0x3FD9]  }
0x89: {  	s3 =	sld [smem:$0x3FFE];
	_ =	sdelay $0x1  }
0x8a: {  	s1 =	srdreg.scid  }
0x8b: {  	s0 =	sand.u32 $0x1, s1  }
0x8c: {  	s17 =	sshll.u32 s0, $0xA;
	s2 =	sadd.s32 s3, s2  }
0x8d: {  	s2 =	sadd.s32 s2, s17  }
0x8e: {  	[smem:$0x3FC1] =	sst s2  }
0x8f: {  	_ = 	snop  }
0x90: {  	(tm) =	ssettm $0x1  }
0x91: {  	s18 =	sld [smem:$0x3FFB];
	_ =	sdelay $0x3  }
0x92: {  	_ =	strace s18  }
0x93: {  	s2 =	sld [smem:$0x3FFC];
	_ =	sdelay $0x3  }
0x94: {  	_ =	strace s2  }
0x95: {  	s2 =	sld [smem:$0x3FFD];
	_ =	sdelay $0x3  }
0x96: {  	_ =	strace s2  }
0x97: {  	_ =	strace $0x8FFFFFFF  }
0x98: {  	s19 =	sld [smem:$0x3FDB];
	_ =	sdelay $0x1  }
0x99: {  	s20 =	simm.s32 $_scs_section_size  }
0x9a: {  	s4 =	simm.s32 $_size__tile_overlayer_lowered;
	s5 =	simm.s32 $_tile_overlayer_lowered  }
0x9b: {  	s6 =	simm.s32 $0x1BFF;
	s21 =	sshll.u32 s5, $0x1;
	s3 =	sadd.s32 s20, s19  }
0x9c: {  	s22 =	simm.s32 $0x0;
	s4 =	sshll.u32 s4, $0x1;
	s5 =	sadd.s32 s21, s3  }
0x9d: {  	[timem:s22], [sflag:s6] =	dma.local [hbm:s5], s4  }
0x9e: {  	_ =	swait.ge [sflag:s6], s4  }
0x9f: {  	s4 =	ssub.s32 $0x0, s4;
	[sflag:s6] =	ssyncset.done $0x0  }
0xa0: {  	[sflag:s6] =	ssyncadd.s32 s4;
	_ =	sdelay $0x1  }
0xa1: {  	s23 =	simm.s32 $0x1B8B  }
0xa2: {  	_ =	swait.ge [sflag:s23], $0x1  }
0xa3: {  	[sflag:s23] =	ssyncset.done $0x0  }
0xa4: {  	[sflag:s23] =	ssyncadd.s32 $0xFFFFFFFF  }
0xa5: {  	s4 =	sld [smem:$0x0]  }
0xa6: {  	s5 =	sand.u32 $0xFFFFFFFE, s1  }
0xa7: {  	p0 =	sne.s32 s1, s5  }
0xa8: {  	s5 =	sshll.u32 @p0 s5, $0xE  }
0xa9: {  	s5 =	sadd.s32 @p0 $0x11B8D, s5;
	s6 =	sshll.u32 @p0 s4, $0x11  }
0xaa: {  	s5 =	sor.u32 @p0 s6, s5  }
0xab: {  	[sflag:s5] =	ssyncadd.remote.s32 @p0 $0x1;
	_ =	sdelay $0x1  }
0xac: {  	s5 =	simm.s32 @p0 $0x1B8D  }
0xad: {  	_ =	swait.eq @p0 [sflag:s5], $0x1  }
0xae: {  	[sflag:s5] =	ssyncadd.s32 @p0 $0xFFFFFFFF  }
0xaf: {  	s6 =	sshll.u32 @!p0 s1, $0xE  }
0xb0: {  	s6 =	sor.u32 @!p0 $0x4000, s6;
	s5 =	simm.s32 @!p0 $0x1B8D  }
0xb1: {  	s4 =	sshll.u32 @!p0 s4, $0x11;
	s6 =	sadd.s32 @!p0 $0x11B8D, s6;
	_ =	swait.eq @!p0 [sflag:s5], $0x1  }
0xb2: {  	s4 =	sor.u32 @!p0 s4, s6;
	[sflag:s5] =	ssyncadd.s32 @!p0 $0xFFFFFFFF  }
0xb3: {  	s25 =	simm.s32 $0x1B8E;
	s24 =	sld [smem:$0x3FFE];
	[sflag:s4] =	ssyncadd.remote.s32 @!p0 $0x1  }
0xb4: {  	s26 =	simm.s32 $execute0_lowered;
	[smem:$0x3FD2] =	sst s25  }
0xb5: {  	s5 =	sshll.u32 s26, $0x1;
	_ =	strace $0x8000004C;
	[dreg:$0x1] =	wrdreg $0xFFFFFFFF  }
0xb6: {  	s28 =	simm.s32 $_size_execute0_lowered;
	s3 =	sadd.s32 s3, s5;
	[dreg:$0x0] =	wrdreg $0x0  }
0xb7: {  	s5 =	sshll.u32 s28, $0x1;
	[dreg:$0x2] =	wrdreg s3  }
0xb8: {  	[dreg:$0x3] =	wrdreg s5  }
0xb9: {  	[dreg:$0x4] =	wrdreg $0xC0  }
0xba: {  	_ =	task [dreg:s22], $0x5FFFF  }
0xbb: {  	[dreg:$0x1] =	wrdreg $0xFFFFFFFF  }
0xbc: {  	[dreg:$0x0] =	wrdreg $0x60  }
0xbd: {  	[dreg:$0x2] =	wrdreg s24  }
0xbe: {  	[dreg:$0x3] =	wrdreg $0xD1200  }
0xbf: {  	[dreg:$0x4] =	wrdreg $0xA  }
0xc0: {  	_ =	task.clear_ibuf [dreg:s22], $0x5FFFF;
	_ =	strace $0x9000004C  }
0xc1: {  	s29 =	simm.s32 $0xA;
	_ =	strace $0x8000004E  }
0xc2: {  	_ =	swait.ge [sflag:s29], $0x1  }
0xc3: {  	[sflag:s29] =	ssyncadd.s32 $0xFFFFFFFF  }
0xc4: {  	_ =	strace $0x9000004E  }
0xc5: {  	_ =	sfence  }
0xc6: {  	s30 =	sld [smem:$0x0];
	_ =	sdelay $0x2  }
0xc7: {  	s31 =	sshll.u32 s1, $0xD;
	s1 =	sshrl.u32 s1, $0x2  }
0xc8: {  	s4 =	sand.u32 $0x4000, s31;
	s1 =	sadd.s32 s1, s30  }
0xc9: {  	s0 =	sor.u32 s4, s0;
	s1 =	sshll.u32 s1, $0x11  }
0xca: {  	s0 =	sor.u32 s1, s0  }
0xcb: {  	s0 =	sadd.s32 $0x8F2B, s0  }
0xcc: {  	[sflag:s0] =	ssyncadd.remote.s32 $0x1  }
0xcd: {  	_ =	sfence.sel $0xFFFF  }
0xce: {  	[dreg:$0x0] =	wrdreg $0xFFFFFFFF;
	(pc) =	sbr.abs _section_cstart, $3  }
0xcf: {  	[dreg:$0x1] =	wrdreg $0xFFFFFFFF  }
0xd0: {  	_ =	task.clear_ibuf [dreg:s22], $0x2FFFF;
	_ =	strace $0x9FFFFFFF  }
0xd1: {  	(tm) =	ssettm $0x7FFFFFFF  }
tec
execute0_lowered:
.L_overlay_start_1:
0x0: {  	(tag) =	ssettag $0x1  }
0x1: {  	s7 =	rddreg [dreg:$0x0]  }
0x2: {  	s2 =	rddreg [dreg:$0x1];
	s3 =	simm.s32 $0x0  }
0x3: {  	s9 =	simm.s32 $0x1200;
	[smem:$0x7FF] =	sst s3  }
0x4: {  	s10 =	simm.s32 $0x100;
	_ =	strace $0x8000004D;
	[dreg:$0x8] =	wrdreg s9  }
0x5: {  	s11 =	simm.s32 $0x1A00;
	[dreg:$0x9] =	wrdreg s10  }
0x6: {  	s12 =	simm.s32 $0x180;
	[dreg:$0xa] =	wrdreg s11  }
0x7: {  	s13 =	simm.s32 $0x2200;
	[dreg:$0xb] =	wrdreg s12  }
0x8: {  	s14 =	simm.s32 $0x200;
	[dreg:$0xc] =	wrdreg s13  }
0x9: {  	s15 =	simm.s32 $0x2A00;
	[dreg:$0xd] =	wrdreg s14  }
0xa: {  	s0 =	srdreg.scid;
	s16 =	simm.s32 $0x280;
	[dreg:$0xe] =	wrdreg s15  }
0xb: {  	s1 =	stileid.u32;
	s17 =	simm.s32 $0x3200;
	[dreg:$0xf] =	wrdreg s16  }
0xc: {  	s18 =	simm.s32 $0x300;
	s19 =	simm.s32 $0x3A00;
	[dreg:$0x10] =	wrdreg s17  }
0xd: {  	s20 =	simm.s32 $0x380;
	s21 =	simm.s32 $0x4200;
	[dreg:$0x11] =	wrdreg s18  }
0xe: {  	s22 =	simm.s32 $0x400;
	s23 =	simm.s32 $0x4A00;
	[dreg:$0x12] =	wrdreg s19  }
0xf: {  	s31 =	sand.u32 $0x1, s0;
	s26 =	sshll.u32 s1, $0x1;
	[dreg:$0x13] =	wrdreg s20  }
0x10: {  	s4 =	smul.u32 $0x2720, s1;
	s0 =	sor.u32 s31, s26;
	[dreg:$0x14] =	wrdreg s21  }
0x11: {  	s24 =	simm.s32 $0x480;
	[dreg:$0x15] =	wrdreg s22;
	s5 =	smul.u32 $0x1400, s0  }
0x12: {  	[dreg:$0x16] =	wrdreg s23;
	s6 =	sshrl.u32 s4, $0x3;
	s0 =	smul.u32 $0x140, s0  }
0x13: {  	[dreg:$0x17] =	wrdreg s24;
	s4 =	sadd.s32 s4, s2;
	s6 =	sadd.s32 s6, s7  }
0x14: {  	[dreg:$0x4] =	wrdreg s4;
	s6 =	sadd.s32 $0x59A00, s6;
	s0 =	sadd.s32 s0, s7  }
0x15: {  	s5 =	sadd.s32 s5, s7;
	[dreg:$0x3] =	wrdreg s6;
	s0 =	sadd.s32 $0x57200, s0  }
0x16: {  	s6 =	smul.u32 $0x2710, s1;
	s7 =	sadd.s32 $0x2200, s5;
	[dreg:$0x5] =	wrdreg s0  }
0x17: {  	[dreg:$0x6] =	wrdreg s7  }
0x18: {  	[dreg:$0x18] =	wrdreg s6  }
0x19: {  	s8 =	sadd.s32 s6, s2;
	s6 =	rddreg [dreg:$0x3]  }
0x1a: {  	s4 =	simm.s32 $0x2;
	s5 =	simm.s32 $0xAA00;
	[dreg:$0x7] =	wrdreg s8  }
0x1b: {  	[tilespmem:s5], [sflag:$0x2] =	stream.linear.gather [hbm4b:s6+s3], $0x2720, $0x38;
	[tilespmem:$0xF840] =	vst v63  }
0x1c: {  	_ =	swait.ge [sflag:s4], $0x2720  }
0x1d: {  	[sflag:s4] =	ssyncset.done $0x0  }
0x1e: {  	s25 =	rddreg [dreg:$0x4];
	[sflag:s4] =	ssyncadd.s32 $0xFFFFD8E0  }
0x1f: {  	[spmem:s25] =	stream.linear.scatter [tilespmem:s5], [sflag:$0x2], $0x2720, $0x38;
	[tilespmem:$0xF840] =	vst v63  }
0x20: {  	_ =	swait.ge [sflag:s4], $0x2720  }
0x21: {  	[sflag:s4] =	ssyncset.done $0x0  }
0x22: {  	s26 =	rddreg [dreg:$0x5];
	[sflag:s4] =	ssyncadd.s32 $0xFFFFD8E0  }
0x23: {  	[tilespmem:s3], [sflag:$0x2] =	stream.linear.gather [hbm4b:s26+s3], $0xA00, $0x38;
	[tilespmem:$0xF840] =	vst v63  }
0x24: {  	_ =	swait.ge [sflag:s4], $0xA00  }
0x25: {  	[sflag:s4] =	ssyncset.done $0x0  }
0x26: {  	s6 =	simm.s32 $0xA00;
	s0 =	rddreg [dreg:$0x6];
	[sflag:s4] =	ssyncadd.s32 $0xFFFFF600  }
0x27: {  	[tilespmem:s6], [sflag:$0x2] =	stream.linear.gather [hbm4b:s0+s3], $0xA000, $0x38;
	[tilespmem:$0xF840] =	vst v63  }
0x28: {  	_ =	swait.ge [sflag:s4], $0xA000  }
0x29: {  	[sflag:s4] =	ssyncset.done $0x0  }
0x2a: {  	[sflag:s4] =	ssyncadd.s32 $0xFFFF6000  }
0x2b: {  	[bflag:$0x0] =	sbarrier.arrive $0xFFFF  }
0x2c: {  	s8 =	rddreg [dreg:$0x16]  }
0x2d: {  	s9 =	rddreg [dreg:$0x14]  }
0x2e: {  	s10 =	rddreg [dreg:$0x12]  }
0x2f: {  	s11 =	rddreg [dreg:$0x10]  }
0x30: {  	s12 =	rddreg [dreg:$0xe]  }
0x31: {  	s7 =	simm.s32 $0x80;
	s13 =	rddreg [dreg:$0xc]  }
0x32: {  	[spmem:s2] =	stream.indirect.scatter.add.f32 [tilespmem:s6], [sflag:$0x1], $0x10, s3, s7, $0xb8;
	[tilespmem:$0xF840] =	vst v63  }
0x33: {  	s14 =	rddreg [dreg:$0x8]  }
0x34: {  	s15 =	rddreg [dreg:$0xa]  }
0x35: {  	[spmem:s2] =	stream.indirect.scatter.add.f32 [tilespmem:s14], [sflag:$0x1], $0x10, s7, s7, $0xb8;
	[tilespmem:$0xF840] =	vst v63  }
0x36: {  	s16 =	rddreg [dreg:$0x9]  }
0x37: {  	[spmem:s2] =	stream.indirect.scatter.add.f32 [tilespmem:s15], [sflag:$0x1], $0x10, s16, s7, $0xb8;
	[tilespmem:$0xF840] =	vst v63  }
0x38: {  	s1 =	rddreg [dreg:$0xb]  }
0x39: {  	[spmem:s2] =	stream.indirect.scatter.add.f32 [tilespmem:s13], [sflag:$0x1], $0x10, s1, s7, $0xb8;
	[tilespmem:$0xF840] =	vst v63  }
0x3a: {  	s16 =	rddreg [dreg:$0xd]  }
0x3b: {  	[spmem:s2] =	stream.indirect.scatter.add.f32 [tilespmem:s12], [sflag:$0x1], $0x10, s16, s7, $0xb8;
	[tilespmem:$0xF840] =	vst v63  }
0x3c: {  	s17 =	rddreg [dreg:$0xf]  }
0x3d: {  	[spmem:s2] =	stream.indirect.scatter.add.f32 [tilespmem:s11], [sflag:$0x1], $0x10, s17, s7, $0xb8;
	[tilespmem:$0xF840] =	vst v63  }
0x3e: {  	s18 =	rddreg [dreg:$0x11]  }
0x3f: {  	[spmem:s2] =	stream.indirect.scatter.add.f32 [tilespmem:s10], [sflag:$0x1], $0x10, s18, s7, $0xb8;
	[tilespmem:$0xF840] =	vst v63  }
0x40: {  	s19 =	rddreg [dreg:$0x13]  }
0x41: {  	[spmem:s2] =	stream.indirect.scatter.add.f32 [tilespmem:s9], [sflag:$0x1], $0x10, s19, s7, $0xb8;
	[tilespmem:$0xF840] =	vst v63  }
0x42: {  	s20 =	rddreg [dreg:$0x15]  }
0x43: {  	[spmem:s2] =	stream.indirect.scatter.add.f32 [tilespmem:s8], [sflag:$0x1], $0x10, s20, s7, $0xb8;
	[tilespmem:$0xF840] =	vst v63  }
0x44: {  	s22 =	simm.s32 $0x5200;
	s21 =	rddreg [dreg:$0x17]  }
0x45: {  	[spmem:s2] =	stream.indirect.scatter.add.f32 [tilespmem:s22], [sflag:$0x1], $0x10, s21, s7, $0xb8;
	[tilespmem:$0xF840] =	vst v63  }
0x46: {  	s23 =	simm.s32 $0x500;
	s24 =	simm.s32 $0x5A00  }
0x47: {  	[spmem:s2] =	stream.indirect.scatter.add.f32 [tilespmem:s24], [sflag:$0x1], $0x10, s23, s7, $0xb8;
	[tilespmem:$0xF840] =	vst v63  }
0x48: {  	s25 =	simm.s32 $0x580;
	s26 =	simm.s32 $0x6200  }
0x49: {  	[spmem:s2] =	stream.indirect.scatter.add.f32 [tilespmem:s26], [sflag:$0x1], $0x10, s25, s7, $0xb8;
	[tilespmem:$0xF840] =	vst v63  }
0x4a: {  	s9 =	simm.s32 $0x6A00;
	s8 =	simm.s32 $0x600  }
0x4b: {  	[spmem:s2] =	stream.indirect.scatter.add.f32 [tilespmem:s9], [sflag:$0x1], $0x10, s8, s7, $0xb8;
	[tilespmem:$0xF840] =	vst v63  }
0x4c: {  	s11 =	simm.s32 $0x7200;
	s10 =	simm.s32 $0x680  }
0x4d: {  	[spmem:s2] =	stream.indirect.scatter.add.f32 [tilespmem:s11], [sflag:$0x1], $0x10, s10, s7, $0xb8;
	[tilespmem:$0xF840] =	vst v63  }
0x4e: {  	s17 =	simm.s32 $0x700;
	s18 =	simm.s32 $0x7A00  }
0x4f: {  	[spmem:s2] =	stream.indirect.scatter.add.f32 [tilespmem:s18], [sflag:$0x1], $0x10, s17, s7, $0xb8;
	[tilespmem:$0xF840] =	vst v63  }
0x50: {  	s19 =	simm.s32 $0x780;
	s20 =	simm.s32 $0x8200  }
0x51: {  	[spmem:s2] =	stream.indirect.scatter.add.f32 [tilespmem:s20], [sflag:$0x1], $0x10, s19, s7, $0xb8;
	[tilespmem:$0xF840] =	vst v63  }
0x52: {  	s21 =	simm.s32 $0x800;
	s22 =	simm.s32 $0x8A00  }
0x53: {  	[spmem:s2] =	stream.indirect.scatter.add.f32 [tilespmem:s22], [sflag:$0x1], $0x10, s21, s7, $0xb8;
	[tilespmem:$0xF840] =	vst v63  }
0x54: {  	s23 =	simm.s32 $0x880;
	s24 =	simm.s32 $0x9200  }
0x55: {  	[spmem:s2] =	stream.indirect.scatter.add.f32 [tilespmem:s24], [sflag:$0x1], $0x10, s23, s7, $0xb8;
	[tilespmem:$0xF840] =	vst v63  }
0x56: {  	s25 =	simm.s32 $0x900;
	s26 =	simm.s32 $0x9A00  }
0x57: {  	[spmem:s2] =	stream.indirect.scatter.add.f32 [tilespmem:s26], [sflag:$0x1], $0x10, s25, s7, $0xb8;
	[tilespmem:$0xF840] =	vst v63  }
0x58: {  	s28 =	simm.s32 $0x980;
	s29 =	simm.s32 $0xA200;
	s30 =	simm.s32 $0x1  }
0x59: {  	[spmem:s2] =	stream.indirect.scatter.add.f32 [tilespmem:s29], [sflag:$0x1], $0x10, s28, s7, $0xb8;
	[tilespmem:$0xF840] =	vst v63  }
0x5a: {  	_ =	swait.ge [sflag:s30], $0x800  }
0x5b: {  	[sflag:s30] =	ssyncset.done $0x0  }
0x5c: {  	[sflag:s30] =	ssyncadd.s32 $0xFFFFF800  }
0x5d: {  	_ =	swait.ge [sflag:s30], $0x800  }
0x5e: {  	[sflag:s30] =	ssyncset.done $0x0  }
0x5f: {  	[sflag:s30] =	ssyncadd.s32 $0xFFFFF800  }
0x60: {  	_ =	swait.ge [sflag:s30], $0x800  }
0x61: {  	[sflag:s30] =	ssyncset.done $0x0  }
0x62: {  	[sflag:s30] =	ssyncadd.s32 $0xFFFFF800  }
0x63: {  	_ =	swait.ge [sflag:s30], $0x800  }
0x64: {  	[sflag:s30] =	ssyncset.done $0x0  }
0x65: {  	[sflag:s30] =	ssyncadd.s32 $0xFFFFF800  }
0x66: {  	_ =	swait.ge [sflag:s30], $0x800  }
0x67: {  	[sflag:s30] =	ssyncset.done $0x0  }
0x68: {  	[sflag:s30] =	ssyncadd.s32 $0xFFFFF800  }
0x69: {  	_ =	swait.ge [sflag:s30], $0x800  }
0x6a: {  	[sflag:s30] =	ssyncset.done $0x0  }
0x6b: {  	[sflag:s30] =	ssyncadd.s32 $0xFFFFF800  }
0x6c: {  	_ =	swait.ge [sflag:s30], $0x800  }
0x6d: {  	[sflag:s30] =	ssyncset.done $0x0  }
0x6e: {  	[sflag:s30] =	ssyncadd.s32 $0xFFFFF800  }
0x6f: {  	_ =	swait.ge [sflag:s30], $0x800  }
0x70: {  	[sflag:s30] =	ssyncset.done $0x0  }
0x71: {  	[sflag:s30] =	ssyncadd.s32 $0xFFFFF800  }
0x72: {  	_ =	swait.ge [sflag:s30], $0x800  }
0x73: {  	[sflag:s30] =	ssyncset.done $0x0  }
0x74: {  	[sflag:s30] =	ssyncadd.s32 $0xFFFFF800  }
0x75: {  	_ =	swait.ge [sflag:s30], $0x800  }
0x76: {  	[sflag:s30] =	ssyncset.done $0x0  }
0x77: {  	[sflag:s30] =	ssyncadd.s32 $0xFFFFF800  }
0x78: {  	_ =	swait.ge [sflag:s30], $0x800  }
0x79: {  	[sflag:s30] =	ssyncset.done $0x0  }
0x7a: {  	[sflag:s30] =	ssyncadd.s32 $0xFFFFF800  }
0x7b: {  	_ =	swait.ge [sflag:s30], $0x800  }
0x7c: {  	[sflag:s30] =	ssyncset.done $0x0  }
0x7d: {  	[sflag:s30] =	ssyncadd.s32 $0xFFFFF800  }
0x7e: {  	_ =	swait.ge [sflag:s30], $0x800  }
0x7f: {  	[sflag:s30] =	ssyncset.done $0x0  }
0x80: {  	[sflag:s30] =	ssyncadd.s32 $0xFFFFF800  }
0x81: {  	_ =	swait.ge [sflag:s30], $0x800  }
0x82: {  	[sflag:s30] =	ssyncset.done $0x0  }
0x83: {  	[sflag:s30] =	ssyncadd.s32 $0xFFFFF800  }
0x84: {  	_ =	swait.ge [sflag:s30], $0x800  }
0x85: {  	[sflag:s30] =	ssyncset.done $0x0  }
0x86: {  	[sflag:s30] =	ssyncadd.s32 $0xFFFFF800  }
0x87: {  	_ =	swait.ge [sflag:s30], $0x800  }
0x88: {  	[sflag:s30] =	ssyncset.done $0x0  }
0x89: {  	[sflag:s30] =	ssyncadd.s32 $0xFFFFF800  }
0x8a: {  	_ =	swait.ge [sflag:s30], $0x800  }
0x8b: {  	[sflag:s30] =	ssyncset.done $0x0  }
0x8c: {  	[sflag:s30] =	ssyncadd.s32 $0xFFFFF800  }
0x8d: {  	_ =	swait.ge [sflag:s30], $0x800  }
0x8e: {  	s12 =	smul.u32 $0x4E20, s31;
	s31 =	ssub.s32 $0x2, s31;
	[sflag:s30] =	ssyncset.done $0x0  }
0x8f: {  	s13 =	sshrl.u32 s31, $0x1;
	[sflag:s30] =	ssyncadd.s32 $0xFFFFF800  }
0x90: {  	s0 =	ssub.s32 s31, s13;
	_ =	swait.ge [sflag:s30], $0x800  }
0x91: {  	s0 =	smax.u32 s0, $0x1;
	[sflag:s30] =	ssyncset.done $0x0  }
0x92: {  	p0 =	sne.s32 s0, $0x1;
	[sflag:s30] =	ssyncadd.s32 $0xFFFFF800  }
.Ltmp0:
0x93: {  	_ =	swait.ge [sflag:s30], $0x800;
	(pc) =	sbr.rel @!p0 .LBB2_2-.Ltmp0, $4  }
0x94: {  	s16 =	simm.s32 $0x7200;
	s14 =	rddreg [dreg:$0x0];
	[sflag:s30] =	ssyncset.done $0x0  }
0x95: {  	s15 =	rddreg [dreg:$0x18];
	s1 =	sadd.s32 s12, s14;
	[sflag:s30] =	ssyncadd.s32 $0xFFFFF800  }
0x96: {  	s31 =	sshrl.u32 s15, $0x3;
	s1 =	sadd.s32 $0x5EA00, s1;
	[bflag:$0x0] =	sbarrier.arrive $0xFFFF  }
0x97: {  	s31 =	sadd.s32 s31, s1;
	s1 =	sadd.s32 $0xFFFFFFFF, s0;
	s0 =	rddreg [dreg:$0x7]  }
.LBB2_1:
0x98: {  	[tilespmem:s5], [sflag:$0x2] =	stream.linear.gather [spmem:s0], $0x2710, $0x38;
	[tilespmem:$0xF840] =	vst v63  }
0x99: {  	_ =	swait.ge [sflag:s4], $0x2710  }
0x9a: {  	[sflag:s4] =	ssyncset.done $0x0  }
0x9b: {  	[sflag:s4] =	ssyncadd.s32 $0xFFFFD8F0  }
0x9c: {  	[hbm4b:s31+s3] =	stream.linear.scatter [tilespmem:s5], [sflag:$0x2], $0x2710, $0x38;
	[tilespmem:$0xF840] =	vst v63  }
0x9d: {  	_ =	swait.ge [sflag:s4], $0x2710  }
0x9e: {  	[sflag:s4] =	ssyncset.done $0x0  }
0x9f: {  	s11 =	rddreg [dreg:$0x3];
	[sflag:s4] =	ssyncadd.s32 $0xFFFFD8F0  }
0xa0: {  	[tilespmem:s5], [sflag:$0x2] =	stream.linear.gather [hbm4b:s11+s3], $0x2720, $0x38;
	[tilespmem:$0xF840] =	vst v63  }
0xa1: {  	_ =	swait.ge [sflag:s4], $0x2720  }
0xa2: {  	[sflag:s4] =	ssyncset.done $0x0  }
0xa3: {  	s12 =	rddreg [dreg:$0x4];
	[sflag:s4] =	ssyncadd.s32 $0xFFFFD8E0  }
0xa4: {  	[spmem:s12] =	stream.linear.scatter [tilespmem:s5], [sflag:$0x2], $0x2720, $0x38;
	[tilespmem:$0xF840] =	vst v63  }
0xa5: {  	_ =	swait.ge [sflag:s4], $0x2720  }
0xa6: {  	[sflag:s4] =	ssyncset.done $0x0  }
0xa7: {  	s13 =	rddreg [dreg:$0x5];
	[sflag:s4] =	ssyncadd.s32 $0xFFFFD8E0  }
0xa8: {  	[tilespmem:s3], [sflag:$0x2] =	stream.linear.gather [hbm4b:s13+s3], $0xA00, $0x38;
	[tilespmem:$0xF840] =	vst v63  }
0xa9: {  	_ =	swait.ge [sflag:s4], $0xA00  }
0xaa: {  	[sflag:s4] =	ssyncset.done $0x0  }
0xab: {  	s14 =	rddreg [dreg:$0x6];
	[sflag:s4] =	ssyncadd.s32 $0xFFFFF600  }
0xac: {  	[tilespmem:s6], [sflag:$0x2] =	stream.linear.gather [hbm4b:s14+s3], $0xA000, $0x38;
	[tilespmem:$0xF840] =	vst v63  }
0xad: {  	_ =	swait.ge [sflag:s4], $0xA000  }
0xae: {  	[sflag:s4] =	ssyncset.done $0x0  }
0xaf: {  	[sflag:s4] =	ssyncadd.s32 $0xFFFF6000  }
0xb0: {  	[bflag:$0x0] =	sbarrier.arrive $0xFFFF  }
0xb1: {  	s0 =	rddreg [dreg:$0x16]  }
0xb2: {  	s8 =	rddreg [dreg:$0x14]  }
0xb3: {  	s9 =	rddreg [dreg:$0x12]  }
0xb4: {  	s10 =	rddreg [dreg:$0x10]  }
0xb5: {  	s11 =	rddreg [dreg:$0xe]  }
0xb6: {  	s12 =	rddreg [dreg:$0xc]  }
0xb7: {  	[spmem:s2] =	stream.indirect.scatter.add.f32 [tilespmem:s6], [sflag:$0x1], $0x10, s3, s7, $0xb8;
	[tilespmem:$0xF840] =	vst v63  }
0xb8: {  	s13 =	rddreg [dreg:$0x8]  }
0xb9: {  	s14 =	rddreg [dreg:$0xa]  }
0xba: {  	[spmem:s2] =	stream.indirect.scatter.add.f32 [tilespmem:s13], [sflag:$0x1], $0x10, s7, s7, $0xb8;
	[tilespmem:$0xF840] =	vst v63  }
0xbb: {  	s15 =	rddreg [dreg:$0x9]  }
0xbc: {  	[spmem:s2] =	stream.indirect.scatter.add.f32 [tilespmem:s14], [sflag:$0x1], $0x10, s15, s7, $0xb8;
	[tilespmem:$0xF840] =	vst v63  }
0xbd: {  	s13 =	rddreg [dreg:$0xb]  }
0xbe: {  	[spmem:s2] =	stream.indirect.scatter.add.f32 [tilespmem:s12], [sflag:$0x1], $0x10, s13, s7, $0xb8;
	[tilespmem:$0xF840] =	vst v63  }
0xbf: {  	s15 =	rddreg [dreg:$0xd]  }
0xc0: {  	[spmem:s2] =	stream.indirect.scatter.add.f32 [tilespmem:s11], [sflag:$0x1], $0x10, s15, s7, $0xb8;
	[tilespmem:$0xF840] =	vst v63  }
0xc1: {  	s13 =	rddreg [dreg:$0xf]  }
0xc2: {  	[spmem:s2] =	stream.indirect.scatter.add.f32 [tilespmem:s10], [sflag:$0x1], $0x10, s13, s7, $0xb8;
	[tilespmem:$0xF840] =	vst v63  }
0xc3: {  	s15 =	rddreg [dreg:$0x11]  }
0xc4: {  	[spmem:s2] =	stream.indirect.scatter.add.f32 [tilespmem:s9], [sflag:$0x1], $0x10, s15, s7, $0xb8;
	[tilespmem:$0xF840] =	vst v63  }
0xc5: {  	s12 =	rddreg [dreg:$0x13]  }
0xc6: {  	[spmem:s2] =	stream.indirect.scatter.add.f32 [tilespmem:s8], [sflag:$0x1], $0x10, s12, s7, $0xb8;
	[tilespmem:$0xF840] =	vst v63  }
0xc7: {  	s13 =	rddreg [dreg:$0x15]  }
0xc8: {  	[spmem:s2] =	stream.indirect.scatter.add.f32 [tilespmem:s0], [sflag:$0x1], $0x10, s13, s7, $0xb8;
	[tilespmem:$0xF840] =	vst v63  }
0xc9: {  	s14 =	rddreg [dreg:$0x17];
	s15 =	simm.s32 $0x5200  }
0xca: {  	[spmem:s2] =	stream.indirect.scatter.add.f32 [tilespmem:s15], [sflag:$0x1], $0x10, s14, s7, $0xb8;
	[tilespmem:$0xF840] =	vst v63  }
0xcb: {  	s10 =	simm.s32 $0x5A00;
	s9 =	simm.s32 $0x500  }
0xcc: {  	[spmem:s2] =	stream.indirect.scatter.add.f32 [tilespmem:s10], [sflag:$0x1], $0x10, s9, s7, $0xb8;
	[tilespmem:$0xF840] =	vst v63  }
0xcd: {  	s11 =	simm.s32 $0x580;
	s12 =	simm.s32 $0x6200  }
0xce: {  	[spmem:s2] =	stream.indirect.scatter.add.f32 [tilespmem:s12], [sflag:$0x1], $0x10, s11, s7, $0xb8;
	[tilespmem:$0xF840] =	vst v63  }
0xcf: {  	s13 =	simm.s32 $0x600;
	s14 =	simm.s32 $0x6A00  }
0xd0: {  	[spmem:s2] =	stream.indirect.scatter.add.f32 [tilespmem:s14], [sflag:$0x1], $0x10, s13, s7, $0xb8;
	[tilespmem:$0xF840] =	vst v63  }
0xd1: {  	s15 =	simm.s32 $0x680  }
0xd2: {  	[spmem:s2] =	stream.indirect.scatter.add.f32 [tilespmem:s16], [sflag:$0x1], $0x10, s15, s7, $0xb8;
	[tilespmem:$0xF840] =	vst v63  }
0xd3: {  	_ = 	snop  }
0xd4: {  	[spmem:s2] =	stream.indirect.scatter.add.f32 [tilespmem:s18], [sflag:$0x1], $0x10, s17, s7, $0xb8;
	[tilespmem:$0xF840] =	vst v63  }
0xd5: {  	_ = 	snop  }
0xd6: {  	[spmem:s2] =	stream.indirect.scatter.add.f32 [tilespmem:s20], [sflag:$0x1], $0x10, s19, s7, $0xb8;
	[tilespmem:$0xF840] =	vst v63  }
0xd7: {  	_ = 	snop  }
0xd8: {  	[spmem:s2] =	stream.indirect.scatter.add.f32 [tilespmem:s22], [sflag:$0x1], $0x10, s21, s7, $0xb8;
	[tilespmem:$0xF840] =	vst v63  }
0xd9: {  	_ = 	snop  }
0xda: {  	[spmem:s2] =	stream.indirect.scatter.add.f32 [tilespmem:s24], [sflag:$0x1], $0x10, s23, s7, $0xb8;
	[tilespmem:$0xF840] =	vst v63  }
0xdb: {  	_ = 	snop  }
0xdc: {  	[spmem:s2] =	stream.indirect.scatter.add.f32 [tilespmem:s26], [sflag:$0x1], $0x10, s25, s7, $0xb8;
	[tilespmem:$0xF840] =	vst v63  }
0xdd: {  	_ = 	snop  }
0xde: {  	[spmem:s2] =	stream.indirect.scatter.add.f32 [tilespmem:s29], [sflag:$0x1], $0x10, s28, s7, $0xb8;
	[tilespmem:$0xF840] =	vst v63  }
0xdf: {  	_ =	swait.ge [sflag:s30], $0x800  }
0xe0: {  	[sflag:s30] =	ssyncset.done $0x0  }
0xe1: {  	[sflag:s30] =	ssyncadd.s32 $0xFFFFF800  }
0xe2: {  	_ =	swait.ge [sflag:s30], $0x800  }
0xe3: {  	[sflag:s30] =	ssyncset.done $0x0  }
0xe4: {  	[sflag:s30] =	ssyncadd.s32 $0xFFFFF800  }
0xe5: {  	_ =	swait.ge [sflag:s30], $0x800  }
0xe6: {  	[sflag:s30] =	ssyncset.done $0x0  }
0xe7: {  	[sflag:s30] =	ssyncadd.s32 $0xFFFFF800  }
0xe8: {  	_ =	swait.ge [sflag:s30], $0x800  }
0xe9: {  	[sflag:s30] =	ssyncset.done $0x0  }
0xea: {  	[sflag:s30] =	ssyncadd.s32 $0xFFFFF800  }
0xeb: {  	_ =	swait.ge [sflag:s30], $0x800  }
0xec: {  	[sflag:s30] =	ssyncset.done $0x0  }
0xed: {  	[sflag:s30] =	ssyncadd.s32 $0xFFFFF800  }
0xee: {  	_ =	swait.ge [sflag:s30], $0x800  }
0xef: {  	[sflag:s30] =	ssyncset.done $0x0  }
0xf0: {  	[sflag:s30] =	ssyncadd.s32 $0xFFFFF800  }
0xf1: {  	_ =	swait.ge [sflag:s30], $0x800  }
0xf2: {  	[sflag:s30] =	ssyncset.done $0x0  }
0xf3: {  	[sflag:s30] =	ssyncadd.s32 $0xFFFFF800  }
0xf4: {  	_ =	swait.ge [sflag:s30], $0x800  }
0xf5: {  	[sflag:s30] =	ssyncset.done $0x0  }
0xf6: {  	[sflag:s30] =	ssyncadd.s32 $0xFFFFF800  }
0xf7: {  	_ =	swait.ge [sflag:s30], $0x800  }
0xf8: {  	[sflag:s30] =	ssyncset.done $0x0  }
0xf9: {  	[sflag:s30] =	ssyncadd.s32 $0xFFFFF800  }
0xfa: {  	_ =	swait.ge [sflag:s30], $0x800  }
0xfb: {  	[sflag:s30] =	ssyncset.done $0x0  }
0xfc: {  	[sflag:s30] =	ssyncadd.s32 $0xFFFFF800  }
0xfd: {  	_ =	swait.ge [sflag:s30], $0x800  }
0xfe: {  	[sflag:s30] =	ssyncset.done $0x0  }
0xff: {  	[sflag:s30] =	ssyncadd.s32 $0xFFFFF800  }
0x100: {  	_ =	swait.ge [sflag:s30], $0x800  }
0x101: {  	[sflag:s30] =	ssyncset.done $0x0  }
0x102: {  	[sflag:s30] =	ssyncadd.s32 $0xFFFFF800  }
0x103: {  	_ =	swait.ge [sflag:s30], $0x800  }
0x104: {  	[sflag:s30] =	ssyncset.done $0x0  }
0x105: {  	[sflag:s30] =	ssyncadd.s32 $0xFFFFF800  }
0x106: {  	_ =	swait.ge [sflag:s30], $0x800  }
0x107: {  	[sflag:s30] =	ssyncset.done $0x0  }
0x108: {  	[sflag:s30] =	ssyncadd.s32 $0xFFFFF800  }
0x109: {  	_ =	swait.ge [sflag:s30], $0x800  }
0x10a: {  	[sflag:s30] =	ssyncset.done $0x0  }
0x10b: {  	[sflag:s30] =	ssyncadd.s32 $0xFFFFF800  }
0x10c: {  	_ =	swait.ge [sflag:s30], $0x800  }
0x10d: {  	[sflag:s30] =	ssyncset.done $0x0  }
0x10e: {  	[sflag:s30] =	ssyncadd.s32 $0xFFFFF800  }
0x10f: {  	_ =	swait.ge [sflag:s30], $0x800  }
0x110: {  	[sflag:s30] =	ssyncset.done $0x0  }
0x111: {  	[sflag:s30] =	ssyncadd.s32 $0xFFFFF800  }
0x112: {  	_ =	swait.ge [sflag:s30], $0x800  }
0x113: {  	[sflag:s30] =	ssyncset.done $0x0  }
0x114: {  	[sflag:s30] =	ssyncadd.s32 $0xFFFFF800  }
0x115: {  	_ =	swait.ge [sflag:s30], $0x800  }
0x116: {  	[sflag:s30] =	ssyncset.done $0x0  }
0x117: {  	p0 =	sne.s32 s1, $0x1;
	[sflag:s30] =	ssyncadd.s32 $0xFFFFF800  }
.Ltmp1:
0x118: {  	_ =	swait.ge [sflag:s30], $0x800;
	(pc) =	sbr.rel @p0 .LBB2_1-.Ltmp1, $4  }
0x119: {  	[sflag:s30] =	ssyncset.done $0x0  }
0x11a: {  	[sflag:s30] =	ssyncadd.s32 $0xFFFFF800  }
0x11b: {  	[bflag:$0x0] =	sbarrier.arrive $0xFFFF  }
0x11c: {  	s1 =	sadd.s32 $0xFFFFFFFF, s1;
	s0 =	rddreg [dreg:$0x7]  }
.LBB2_2:
0x11d: {  	[tilespmem:s5], [sflag:$0x2] =	stream.linear.gather [spmem:s0], $0x2710, $0x38;
	[tilespmem:$0xF840] =	vst v63  }
0x11e: {  	_ =	swait.ge [sflag:s4], $0x2710  }
0x11f: {  	[sflag:s4] =	ssyncset.done $0x0  }
0x120: {  	[sflag:s4] =	ssyncadd.s32 $0xFFFFD8F0  }
0x121: {  	[hbm4b:s31+s3] =	stream.linear.scatter [tilespmem:s5], [sflag:$0x2], $0x2710, $0x38;
	[tilespmem:$0xF840] =	vst v63  }
0x122: {  	_ =	swait.ge [sflag:s4], $0x2710  }
0x123: {  	[sflag:s4] =	ssyncset.done $0x0  }
0x124: {  	[sflag:s4] =	ssyncadd.s32 $0xFFFFD8F0  }
0x125: {  	_ =	sfence.sel $0x180000  }
0x126: {  	[bflag:$0x0] =	sbarrier.arrive $0xFFFF  }
0x127: {  	_ =	strace $0x9000004D  }
0x128: {  	s31 =	stileid.u32;
	[bflag:$0x2] =	sbarrier.arrive $0xFFFF  }
0x129: {  	p0 =	sne.s32 s31, $0x0;
	s0 =	rddreg [dreg:$0x2]  }
0x12a: {  	s0 =	sadd.s32 @!p0 $0x100000, s0  }
0x12b: {  	[sflag:s0] =	ssyncadd.tile.s32 @!p0 $0x1;
	_ =	shalt  }
.Lfunc_end2:
_tile_overlayer_lowered:
.L_overlay_start_2:
0x12c: {  	(tag) =	ssettag $0x2  }
0x12d: {  	s0 =	rddreg [dreg:$0x0];
	s2 =	stileid.u32  }
0x12e: {  	s1 =	rddreg [dreg:$0x1];
	p0 =	sne.s32 s2, $0x0  }
0x12f: {  	s3 =	rddreg [dreg:$0x2];
	[bflag:$0x3] =	sbarrier.arrive $0xFFFF;
	s2 =	simm.s32 @!p0 $0x1C02  }
0x130: {  	[timem:s3], [sflag:s2] =	dma.local @!p0 [hbm:s0], s1  }
0x131: {  	s0 =	simm.s32 @!p0 $0x2  }
0x132: {  	_ =	swait.ge @!p0 [sflag:s0], s1  }
0x133: {  	s1 =	ssub.s32 @!p0 $0x0, s1;
	[sflag:s0] =	ssyncset.done @!p0 $0x0  }
0x134: {  	[sflag:s0] =	ssyncadd.s32 @!p0 s1  }
0x135: {  	[bflag:$0x3] =	sbarrier.arrive $0xFFFF  }
0x136: {  	_ =	shalt  }

// kernel: kernel.9.cloned.1.call-start
scs
__scs_entry_jumppad:
0x0: {  	(pc) =	sbr.rel $0x88, $3  }
0x1: {  	(tag) =	ssettag $0x0;
	lr =	simm.s32 $0x1  }
0x2: {  	[smem:$0x3F9A] =	sst lr;
	_ =	strace $0xD0000000  }
0x3: {  	_ = 	snop  }
0x4: {  	_ = 	snop  }
0x5: {  	_ = 	snop  }
0x6: {  	_ = 	snop  }
0x7: {  	_ = 	snop  }
__scs_overlays_trampoline_lowered:
0x8: {  	[smem:$0x3FA9] =	sst s0  }
0x9: {  	[smem:$0x3FAA] =	sst s1  }
0xa: {  	[smem:$0x3FAB] =	sst s2  }
0xb: {  	[smem:$0x3FAC] =	sst s3  }
0xc: {  	[smem:$0x3FAD] =	sst s4  }
0xd: {  	[smem:$0x3FAE] =	sst s5  }
0xe: {  	[smem:$0x3FAF] =	sst s6  }
0xf: {  	[smem:$0x3FB0] =	sst s7  }
0x10: {  	[smem:$0x3FB1] =	sst s8  }
0x11: {  	[smem:$0x3FB2] =	sst s9;
	s0 =	simm.s32 @!p0 $0x0  }
0x12: {  	s1 =	sld [smem:$0x3F98];
	s0 =	simm.s32 @p0 $0x1  }
0x13: {  	[smem:$0x3FB3] =	sst s0;
	s0 =	simm.s32 @!p1 $0x0  }
0x14: {  	s2 =	sld [smem:$0x3F97];
	s0 =	simm.s32 @p1 $0x1  }
0x15: {  	[smem:$0x3FB4] =	sst s0;
	s0 =	simm.s32 @!p2 $0x0  }
0x16: {  	s3 =	sld [smem:$0x3FDB];
	s0 =	simm.s32 @p2 $0x1  }
0x17: {  	s4 =	simm.s32 $0x1BF5;
	[smem:$0x3FB6] =	sst s0  }
0x18: {  	s0 =	sld [smem:$0x3F99];
	_ =	swait.ge [sflag:s4], $0x0  }
0x19: {  	s7 =	sld [smem:$0x3F9A]  }
0x1a: {  	s8 =	sadd.s32 $0xFFFFE003, lr  }
0x1b: {  	s9 =	sadd.s32 $0xFFFFFEF7, lr;
	s5 =	simm.s32 $0xFFFFFFFF;
	p2 =	slt.u32 s8, $0xFFFFF086  }
0x1c: {  	p1 =	slt.u32 s9, $0xF7A;
	s5 =	simm.s32 @!p2 $0x0  }
0x1d: {  	s5 =	simm.s32 @p1 $0x1;
	p0 =	seq.s32 s7, s2  }
0x1e: {  	s7 =	smul.u32 @!p0 $0xF7A, s2;
	p2 =	seq.s32 @!p0 s5, $0x0  }
0x1f: {  	s9 =	smul.u32 $0xF7A, s1;
	s8 =	simm.s32 @!p0 $0x1BF5;
	p2 =	por !p2, p0  }
0x20: {  	[sflag:s8] =	ssyncset.s32 @!p0 $0xFFFFF086;
	s6 =	sadd.s32 @!p0 s3, s7;
	s7 =	simm.s32 @!p0 $0x108  }
0x21: {  	s3 =	sadd.s32 s3, s9;
	s6 =	sadd.s32 @!p0 $0x88, s6;
	s7 =	simm.s32 @p2 $0x1082  }
0x22: {  	[simem:s7], [sflag:s8] =	dma.local @!p0 [hbm:s6], $0xF7A  }
0x23: {  	s9 =	sor.u32 $0xD0000000, s2;
	s6 =	simm.s32 $0x108;
	_ =	swait.ge @!p0 [sflag:s8], $0x0  }
0x24: {  	s3 =	sadd.s32 $0x88, s3;
	s6 =	simm.s32 @!p1 $0x1082;
	[sflag:s4] =	ssyncset.s32 $0xFFFFF086  }
0x25: {  	[simem:s6], [sflag:s4] =	dma.local [hbm:s3], $0xF7A  }
0x26: {  	[smem:$0x3F9A] =	sst s1;
	(tag) =	ssettag s2;
	_ =	strace s9  }
0x27: {  	s1 =	sld [smem:$0x3FAA]  }
0x28: {  	s2 =	sld [smem:$0x3FAB]  }
0x29: {  	s4 =	sld [smem:$0x3FAD]  }
0x2a: {  	p0 =	seq.s32 s5, $0x0;
	s5 =	sld [smem:$0x3FAE]  }
0x2b: {  	s6 =	sld [smem:$0x3FAF]  }
0x2c: {  	s7 =	sld [smem:$0x3FB0]  }
0x2d: {  	s3 =	simm.s32 $0x108;
	s8 =	sld [smem:$0x3FB1]  }
0x2e: {  	s3 =	simm.s32 @!p0 $0x1082;
	s9 =	sld [smem:$0x3FB2]  }
0x2f: {  	lr =	sadd.s32 s0, s3;
	s0 =	sld [smem:$0x3FA9]  }
0x30: {  	s3 =	sld [smem:$0x3FAC]  }
0x31: {  	[smem:$0x3FB5] =	sst s10  }
0x32: {  	s10 =	sld [smem:$0x3FB3];
	_ =	sdelay $0x3  }
0x33: {  	p0 =	seq.s32 s10, $0x1;
	s10 =	sld [smem:$0x3FB5];
	_ =	sdelay $0x3  }
0x34: {  	[smem:$0x3FB5] =	sst s10  }
0x35: {  	s10 =	sld [smem:$0x3FB4];
	_ =	sdelay $0x3  }
0x36: {  	p1 =	seq.s32 s10, $0x1;
	s10 =	sld [smem:$0x3FB5];
	_ =	sdelay $0x3  }
0x37: {  	[smem:$0x3FB5] =	sst s10  }
0x38: {  	s10 =	sld [smem:$0x3FB6]  }
0x39: {  	_ = 	snop;
	(pc) =	sbr.ind lr, $3  }
0x3a: {  	_ = 	snop  }
0x3b: {  	_ = 	snop  }
0x3c: {  	p2 =	seq.s32 s10, $0x1;
	s10 =	sld [smem:$0x3FB5]  }
0x3d: {  	_ =	shalt  }
0x3e: {  	_ =	shalt  }
0x3f: {  	_ =	shalt  }
0x40: {  	_ =	shalt  }
0x41: {  	_ =	shalt  }
0x42: {  	_ =	shalt  }
0x43: {  	_ =	shalt  }
0x44: {  	_ =	shalt  }
0x45: {  	_ =	shalt  }
0x46: {  	_ =	shalt  }
0x47: {  	_ =	shalt  }
0x48: {  	_ =	shalt  }
0x49: {  	_ =	shalt  }
0x4a: {  	_ =	shalt  }
0x4b: {  	_ =	shalt  }
0x4c: {  	_ =	shalt  }
0x4d: {  	_ =	shalt  }
0x4e: {  	_ =	shalt  }
0x4f: {  	_ =	shalt  }
0x50: {  	_ =	shalt  }
0x51: {  	_ =	shalt  }
0x52: {  	_ =	shalt  }
0x53: {  	_ =	shalt  }
0x54: {  	_ =	shalt  }
0x55: {  	_ =	shalt  }
0x56: {  	_ =	shalt  }
0x57: {  	_ =	shalt  }
0x58: {  	_ =	shalt  }
0x59: {  	_ =	shalt  }
0x5a: {  	_ =	shalt  }
0x5b: {  	_ =	shalt  }
0x5c: {  	_ =	shalt  }
0x5d: {  	_ =	shalt  }
0x5e: {  	_ =	shalt  }
0x5f: {  	_ =	shalt  }
0x60: {  	_ =	shalt  }
0x61: {  	_ =	shalt  }
0x62: {  	_ =	shalt  }
0x63: {  	_ =	shalt  }
0x64: {  	_ =	shalt  }
0x65: {  	_ =	shalt  }
0x66: {  	_ =	shalt  }
0x67: {  	_ =	shalt  }
0x68: {  	_ =	shalt  }
0x69: {  	_ =	shalt  }
0x6a: {  	_ =	shalt  }
0x6b: {  	_ =	shalt  }
0x6c: {  	_ =	shalt  }
0x6d: {  	_ =	shalt  }
0x6e: {  	_ =	shalt  }
0x6f: {  	_ =	shalt  }
0x70: {  	_ =	shalt  }
0x71: {  	_ =	shalt  }
0x72: {  	_ =	shalt  }
0x73: {  	_ =	shalt  }
0x74: {  	_ =	shalt  }
0x75: {  	_ =	shalt  }
0x76: {  	_ =	shalt  }
0x77: {  	_ =	shalt  }
0x78: {  	_ =	shalt  }
0x79: {  	_ =	shalt  }
0x7a: {  	_ =	shalt  }
0x7b: {  	_ =	shalt  }
0x7c: {  	_ =	shalt  }
0x7d: {  	_ =	shalt  }
0x7e: {  	_ =	shalt  }
0x7f: {  	_ =	shalt  }
0x80: {  	_ =	shalt  }
0x81: {  	_ =	shalt  }
0x82: {  	_ =	shalt  }
0x83: {  	_ =	shalt  }
0x84: {  	_ =	shalt  }
0x85: {  	_ =	shalt  }
0x86: {  	_ =	shalt  }
0x87: {  	_ =	shalt  }
.Lfunc_end0:
.L_simem_size_0:
called_computation_lowered:
.L_overlay_start_0:
0x88: {  	s2 =	sld [smem:$0x3FD9]  }
0x89: {  	s3 =	sld [smem:$0x3FFE];
	_ =	sdelay $0x1  }
0x8a: {  	s1 =	srdreg.scid  }
0x8b: {  	s0 =	sand.u32 $0x1, s1  }
0x8c: {  	s17 =	sshll.u32 s0, $0xA;
	s2 =	sadd.s32 s3, s2  }
0x8d: {  	s2 =	sadd.s32 s2, s17  }
0x8e: {  	[smem:$0x3FC1] =	sst s2  }
0x8f: {  	_ = 	snop  }
0x90: {  	s18 =	sld [smem:$0x3FD0];
	(tm) =	ssettm $0x1  }
0x91: {  	s19 =	sld [smem:$0x3FFB];
	_ =	sdelay $0x3  }
0x92: {  	_ =	strace s19  }
0x93: {  	s2 =	sld [smem:$0x3FFC];
	_ =	sdelay $0x3  }
0x94: {  	_ =	strace s2  }
0x95: {  	s2 =	sld [smem:$0x3FFD];
	_ =	sdelay $0x3  }
0x96: {  	_ =	strace s2  }
0x97: {  	_ =	strace $0x8FFFFFFF  }
0x98: {  	s20 =	sld [smem:$0x3FDB];
	_ =	sdelay $0x1  }
0x99: {  	s4 =	simm.s32 $_scs_section_size  }
0x9a: {  	s5 =	simm.s32 $_size__tile_overlayer_lowered;
	s6 =	simm.s32 $_tile_overlayer_lowered  }
0x9b: {  	s7 =	simm.s32 $0x1BFF;
	s21 =	sshll.u32 s6, $0x1;
	s4 =	sadd.s32 s4, s20  }
0x9c: {  	s22 =	simm.s32 $0x0;
	s5 =	sshll.u32 s5, $0x1;
	s6 =	sadd.s32 s21, s4  }
0x9d: {  	[timem:s22], [sflag:s7] =	dma.local [hbm:s6], s5  }
0x9e: {  	_ =	swait.ge [sflag:s7], s5  }
0x9f: {  	s5 =	ssub.s32 $0x0, s5;
	[sflag:s7] =	ssyncset.done $0x0  }
0xa0: {  	[sflag:s7] =	ssyncadd.s32 s5;
	_ =	sdelay $0x1  }
0xa1: {  	s23 =	simm.s32 $0x1B8B  }
0xa2: {  	_ =	swait.ge [sflag:s23], $0x1  }
0xa3: {  	[sflag:s23] =	ssyncset.done $0x0  }
0xa4: {  	[sflag:s23] =	ssyncadd.s32 $0xFFFFFFFF  }
0xa5: {  	s5 =	sld [smem:$0x0]  }
0xa6: {  	s6 =	sand.u32 $0xFFFFFFFE, s1  }
0xa7: {  	p0 =	sne.s32 s1, s6  }
0xa8: {  	s6 =	sshll.u32 @p0 s6, $0xE  }
0xa9: {  	s6 =	sadd.s32 @p0 $0x11B8D, s6;
	s7 =	sshll.u32 @p0 s5, $0x11  }
0xaa: {  	s6 =	sor.u32 @p0 s7, s6  }
0xab: {  	[sflag:s6] =	ssyncadd.remote.s32 @p0 $0x1;
	_ =	sdelay $0x1  }
0xac: {  	s6 =	simm.s32 @p0 $0x1B8D  }
0xad: {  	_ =	swait.eq @p0 [sflag:s6], $0x1  }
0xae: {  	[sflag:s6] =	ssyncadd.s32 @p0 $0xFFFFFFFF  }
0xaf: {  	s7 =	sshll.u32 @!p0 s1, $0xE  }
0xb0: {  	s7 =	sor.u32 @!p0 $0x4000, s7;
	s6 =	simm.s32 @!p0 $0x1B8D  }
0xb1: {  	s5 =	sshll.u32 @!p0 s5, $0x11;
	s7 =	sadd.s32 @!p0 $0x11B8D, s7;
	_ =	swait.eq @!p0 [sflag:s6], $0x1  }
0xb2: {  	s5 =	sor.u32 @!p0 s5, s7;
	[sflag:s6] =	ssyncadd.s32 @!p0 $0xFFFFFFFF  }
0xb3: {  	s25 =	simm.s32 $0x1B8E;
	s24 =	sld [smem:$0x3FFE];
	[sflag:s5] =	ssyncadd.remote.s32 @!p0 $0x1  }
0xb4: {  	s26 =	simm.s32 $execute0_lowered;
	[smem:$0x3FD2] =	sst s25  }
0xb5: {  	s6 =	sshll.u32 s26, $0x1;
	_ =	strace $0x80000049;
	[dreg:$0x1] =	wrdreg $0xFFFFFFFF  }
0xb6: {  	s28 =	simm.s32 $_size_execute0_lowered;
	s4 =	sadd.s32 s4, s6;
	[dreg:$0x0] =	wrdreg $0x0  }
0xb7: {  	s6 =	sshll.u32 s28, $0x1;
	[dreg:$0x2] =	wrdreg s4  }
0xb8: {  	[dreg:$0x3] =	wrdreg s6  }
0xb9: {  	[dreg:$0x4] =	wrdreg $0xC0  }
0xba: {  	_ =	task [dreg:s22], $0x5FFFF  }
0xbb: {  	[dreg:$0x1] =	wrdreg $0xFFFFFFFF  }
0xbc: {  	[dreg:$0x0] =	wrdreg $0x60  }
0xbd: {  	[dreg:$0x2] =	wrdreg s18  }
0xbe: {  	[dreg:$0x3] =	wrdreg s24  }
0xbf: {  	[dreg:$0x4] =	wrdreg $0x9  }
0xc0: {  	_ =	task.clear_ibuf [dreg:s22], $0x5FFFF;
	_ =	strace $0x90000049  }
0xc1: {  	s29 =	simm.s32 $0x9;
	_ =	strace $0x8000004B  }
0xc2: {  	_ =	swait.ge [sflag:s29], $0x1  }
0xc3: {  	[sflag:s29] =	ssyncadd.s32 $0xFFFFFFFF  }
0xc4: {  	_ =	strace $0x9000004B  }
0xc5: {  	_ =	sfence  }
0xc6: {  	s30 =	sld [smem:$0x0];
	_ =	sdelay $0x2  }
0xc7: {  	s31 =	sshll.u32 s1, $0xD;
	s1 =	sshrl.u32 s1, $0x2  }
0xc8: {  	s4 =	sand.u32 $0x4000, s31;
	s1 =	sadd.s32 s1, s30  }
0xc9: {  	s0 =	sor.u32 s4, s0;
	s1 =	sshll.u32 s1, $0x11  }
0xca: {  	s0 =	sor.u32 s1, s0  }
0xcb: {  	s0 =	sadd.s32 $0x8F2B, s0  }
0xcc: {  	[sflag:s0] =	ssyncadd.remote.s32 $0x1  }
0xcd: {  	_ =	sfence.sel $0xFFFF  }
0xce: {  	[dreg:$0x0] =	wrdreg $0xFFFFFFFF;
	(pc) =	sbr.abs _section_cstart, $3  }
0xcf: {  	[dreg:$0x1] =	wrdreg $0xFFFFFFFF  }
0xd0: {  	_ =	task.clear_ibuf [dreg:s22], $0x2FFFF;
	_ =	strace $0x9FFFFFFF  }
0xd1: {  	(tm) =	ssettm $0x7FFFFFFF  }
tec
execute0_lowered:
.L_overlay_start_1:
0x0: {  	(tag) =	ssettag $0x1  }
0x1: {  	s1 =	srdreg.scid;
	s0 =	stileid.u32  }
0x2: {  	s2 =	rddreg [dreg:$0x0];
	s1 =	sand.u32 $0x1, s1;
	s3 =	sshll.u32 s0, $0x1  }
0x3: {  	s5 =	rddreg [dreg:$0x1];
	s4 =	sor.u32 s1, s3;
	s3 =	simm.s32 $0x0  }
0x4: {  	s7 =	simm.s32 $0x100;
	[smem:$0x7FF] =	sst s3  }
0x5: {  	s8 =	simm.s32 $0x1A00;
	_ =	strace $0x8000004A;
	[dreg:$0x6] =	wrdreg s7  }
0x6: {  	s9 =	simm.s32 $0x180;
	[dreg:$0x7] =	wrdreg s8  }
0x7: {  	s10 =	simm.s32 $0x2200;
	[dreg:$0x8] =	wrdreg s9  }
0x8: {  	s11 =	simm.s32 $0x200;
	[dreg:$0x9] =	wrdreg s10  }
0x9: {  	s12 =	simm.s32 $0x2A00;
	[dreg:$0xa] =	wrdreg s11  }
0xa: {  	s13 =	simm.s32 $0x280;
	[dreg:$0xb] =	wrdreg s12  }
0xb: {  	s14 =	simm.s32 $0x3200;
	[dreg:$0xc] =	wrdreg s13  }
0xc: {  	s15 =	simm.s32 $0x300;
	[dreg:$0xd] =	wrdreg s14  }
0xd: {  	s16 =	simm.s32 $0x3A00;
	[dreg:$0xe] =	wrdreg s15  }
0xe: {  	s17 =	simm.s32 $0x380;
	s6 =	smul.u32 $0x140, s4;
	[dreg:$0xf] =	wrdreg s16  }
0xf: {  	s18 =	simm.s32 $0x4200;
	s4 =	smul.u32 $0x1400, s4;
	[dreg:$0x10] =	wrdreg s17  }
0x10: {  	s19 =	simm.s32 $0x400;
	[dreg:$0x11] =	wrdreg s18;
	s6 =	sadd.s32 s6, s5  }
0x11: {  	[dreg:$0x12] =	wrdreg s19;
	s4 =	sadd.s32 s4, s5;
	s0 =	sadd.s32 $0x2CA00, s6  }
0x12: {  	s4 =	sadd.s32 $0x2F200, s4;
	[dreg:$0x3] =	wrdreg s0  }
0x13: {  	s6 =	simm.s32 $0x1200;
	[dreg:$0x4] =	wrdreg s4  }
0x14: {  	[dreg:$0x5] =	wrdreg s6  }
0x15: {  	s4 =	simm.s32 $0x2;
	s5 =	rddreg [dreg:$0x3]  }
0x16: {  	[tilespmem:s3], [sflag:$0x2] =	stream.linear.gather [hbm4b:s5+s3], $0xA00, $0x38;
	[tilespmem:$0xAA00] =	vst v63  }
0x17: {  	_ =	swait.ge [sflag:s4], $0xA00  }
0x18: {  	s7 =	rddreg [dreg:$0x11]  }
0x19: {  	s8 =	rddreg [dreg:$0xf]  }
0x1a: {  	s9 =	rddreg [dreg:$0xd]  }
0x1b: {  	s10 =	rddreg [dreg:$0xb]  }
0x1c: {  	s6 =	simm.s32 $0x80;
	s11 =	rddreg [dreg:$0x6];
	[sflag:s4] =	ssyncset.done $0x0  }
0x1d: {  	s5 =	simm.s32 $0xA00;
	s12 =	rddreg [dreg:$0x5];
	[sflag:s4] =	ssyncadd.s32 $0xFFFFF600  }
0x1e: {  	[tilespmem:s5], [sflag:$0x1] =	stream.indirect.gather [hbm4b:s2+s6], $0x10, s3, s6, $0xb8;
	[tilespmem:$0xAA00] =	vst v63  }
0x1f: {  	s13 =	rddreg [dreg:$0x7]  }
0x20: {  	[tilespmem:s12], [sflag:$0x1] =	stream.indirect.gather [hbm4b:s2+s6], $0x10, s6, s6, $0xb8;
	[tilespmem:$0xAA00] =	vst v63  }
0x21: {  	s14 =	rddreg [dreg:$0x9]  }
0x22: {  	[tilespmem:s13], [sflag:$0x1] =	stream.indirect.gather [hbm4b:s2+s6], $0x10, s11, s6, $0xb8;
	[tilespmem:$0xAA00] =	vst v63  }
0x23: {  	s20 =	rddreg [dreg:$0x8]  }
0x24: {  	[tilespmem:s14], [sflag:$0x1] =	stream.indirect.gather [hbm4b:s2+s6], $0x10, s20, s6, $0xb8;
	[tilespmem:$0xAA00] =	vst v63  }
0x25: {  	s21 =	rddreg [dreg:$0xa]  }
0x26: {  	[tilespmem:s10], [sflag:$0x1] =	stream.indirect.gather [hbm4b:s2+s6], $0x10, s21, s6, $0xb8;
	[tilespmem:$0xAA00] =	vst v63  }
0x27: {  	s22 =	rddreg [dreg:$0xc]  }
0x28: {  	[tilespmem:s9], [sflag:$0x1] =	stream.indirect.gather [hbm4b:s2+s6], $0x10, s22, s6, $0xb8;
	[tilespmem:$0xAA00] =	vst v63  }
0x29: {  	s23 =	rddreg [dreg:$0xe]  }
0x2a: {  	[tilespmem:s8], [sflag:$0x1] =	stream.indirect.gather [hbm4b:s2+s6], $0x10, s23, s6, $0xb8;
	[tilespmem:$0xAA00] =	vst v63  }
0x2b: {  	s24 =	rddreg [dreg:$0x10]  }
0x2c: {  	[tilespmem:s7], [sflag:$0x1] =	stream.indirect.gather [hbm4b:s2+s6], $0x10, s24, s6, $0xb8;
	[tilespmem:$0xAA00] =	vst v63  }
0x2d: {  	s26 =	simm.s32 $0x4A00;
	s25 =	rddreg [dreg:$0x12]  }
0x2e: {  	[tilespmem:s26], [sflag:$0x1] =	stream.indirect.gather [hbm4b:s2+s6], $0x10, s25, s6, $0xb8;
	[tilespmem:$0xAA00] =	vst v63  }
0x2f: {  	s8 =	simm.s32 $0x5200;
	s7 =	simm.s32 $0x480  }
0x30: {  	[tilespmem:s8], [sflag:$0x1] =	stream.indirect.gather [hbm4b:s2+s6], $0x10, s7, s6, $0xb8;
	[tilespmem:$0xAA00] =	vst v63  }
0x31: {  	s10 =	simm.s32 $0x5A00;
	s9 =	simm.s32 $0x500  }
0x32: {  	[tilespmem:s10], [sflag:$0x1] =	stream.indirect.gather [hbm4b:s2+s6], $0x10, s9, s6, $0xb8;
	[tilespmem:$0xAA00] =	vst v63  }
0x33: {  	s12 =	simm.s32 $0x6200;
	s11 =	simm.s32 $0x580  }
0x34: {  	[tilespmem:s12], [sflag:$0x1] =	stream.indirect.gather [hbm4b:s2+s6], $0x10, s11, s6, $0xb8;
	[tilespmem:$0xAA00] =	vst v63  }
0x35: {  	s15 =	simm.s32 $0x6A00;
	s14 =	simm.s32 $0x600  }
0x36: {  	[tilespmem:s15], [sflag:$0x1] =	stream.indirect.gather [hbm4b:s2+s6], $0x10, s14, s6, $0xb8;
	[tilespmem:$0xAA00] =	vst v63  }
0x37: {  	s16 =	simm.s32 $0x680;
	s17 =	simm.s32 $0x7200  }
0x38: {  	[tilespmem:s17], [sflag:$0x1] =	stream.indirect.gather [hbm4b:s2+s6], $0x10, s16, s6, $0xb8;
	[tilespmem:$0xAA00] =	vst v63  }
0x39: {  	s18 =	simm.s32 $0x700;
	s19 =	simm.s32 $0x7A00  }
0x3a: {  	[tilespmem:s19], [sflag:$0x1] =	stream.indirect.gather [hbm4b:s2+s6], $0x10, s18, s6, $0xb8;
	[tilespmem:$0xAA00] =	vst v63  }
0x3b: {  	s20 =	simm.s32 $0x780;
	s21 =	simm.s32 $0x8200  }
0x3c: {  	[tilespmem:s21], [sflag:$0x1] =	stream.indirect.gather [hbm4b:s2+s6], $0x10, s20, s6, $0xb8;
	[tilespmem:$0xAA00] =	vst v63  }
0x3d: {  	s22 =	simm.s32 $0x800;
	s23 =	simm.s32 $0x8A00  }
0x3e: {  	[tilespmem:s23], [sflag:$0x1] =	stream.indirect.gather [hbm4b:s2+s6], $0x10, s22, s6, $0xb8;
	[tilespmem:$0xAA00] =	vst v63  }
0x3f: {  	s24 =	simm.s32 $0x880;
	s25 =	simm.s32 $0x9200  }
0x40: {  	[tilespmem:s25], [sflag:$0x1] =	stream.indirect.gather [hbm4b:s2+s6], $0x10, s24, s6, $0xb8;
	[tilespmem:$0xAA00] =	vst v63  }
0x41: {  	s28 =	simm.s32 $0x9A00;
	s26 =	simm.s32 $0x900  }
0x42: {  	[tilespmem:s28], [sflag:$0x1] =	stream.indirect.gather [hbm4b:s2+s6], $0x10, s26, s6, $0xb8;
	[tilespmem:$0xAA00] =	vst v63  }
0x43: {  	s30 =	simm.s32 $0x980;
	s31 =	simm.s32 $0xA200;
	s29 =	simm.s32 $0x1  }
0x44: {  	[tilespmem:s31], [sflag:$0x1] =	stream.indirect.gather [hbm4b:s2+s6], $0x10, s30, s6, $0xb8;
	[tilespmem:$0xAA00] =	vst v63  }
0x45: {  	_ =	swait.ge [sflag:s29], $0x800  }
0x46: {  	[sflag:s29] =	ssyncset.done $0x0  }
0x47: {  	[sflag:s29] =	ssyncadd.s32 $0xFFFFF800  }
0x48: {  	_ =	swait.ge [sflag:s29], $0x800  }
0x49: {  	[sflag:s29] =	ssyncset.done $0x0  }
0x4a: {  	[sflag:s29] =	ssyncadd.s32 $0xFFFFF800  }
0x4b: {  	_ =	swait.ge [sflag:s29], $0x800  }
0x4c: {  	[sflag:s29] =	ssyncset.done $0x0  }
0x4d: {  	[sflag:s29] =	ssyncadd.s32 $0xFFFFF800  }
0x4e: {  	_ =	swait.ge [sflag:s29], $0x800  }
0x4f: {  	[sflag:s29] =	ssyncset.done $0x0  }
0x50: {  	[sflag:s29] =	ssyncadd.s32 $0xFFFFF800  }
0x51: {  	_ =	swait.ge [sflag:s29], $0x800  }
0x52: {  	[sflag:s29] =	ssyncset.done $0x0  }
0x53: {  	[sflag:s29] =	ssyncadd.s32 $0xFFFFF800  }
0x54: {  	_ =	swait.ge [sflag:s29], $0x800  }
0x55: {  	[sflag:s29] =	ssyncset.done $0x0  }
0x56: {  	[sflag:s29] =	ssyncadd.s32 $0xFFFFF800  }
0x57: {  	_ =	swait.ge [sflag:s29], $0x800  }
0x58: {  	[sflag:s29] =	ssyncset.done $0x0  }
0x59: {  	[sflag:s29] =	ssyncadd.s32 $0xFFFFF800  }
0x5a: {  	_ =	swait.ge [sflag:s29], $0x800  }
0x5b: {  	[sflag:s29] =	ssyncset.done $0x0  }
0x5c: {  	[sflag:s29] =	ssyncadd.s32 $0xFFFFF800  }
0x5d: {  	_ =	swait.ge [sflag:s29], $0x800  }
0x5e: {  	[sflag:s29] =	ssyncset.done $0x0  }
0x5f: {  	[sflag:s29] =	ssyncadd.s32 $0xFFFFF800  }
0x60: {  	_ =	swait.ge [sflag:s29], $0x800  }
0x61: {  	[sflag:s29] =	ssyncset.done $0x0  }
0x62: {  	[sflag:s29] =	ssyncadd.s32 $0xFFFFF800  }
0x63: {  	_ =	swait.ge [sflag:s29], $0x800  }
0x64: {  	[sflag:s29] =	ssyncset.done $0x0  }
0x65: {  	[sflag:s29] =	ssyncadd.s32 $0xFFFFF800  }
0x66: {  	_ =	swait.ge [sflag:s29], $0x800  }
0x67: {  	[sflag:s29] =	ssyncset.done $0x0  }
0x68: {  	[sflag:s29] =	ssyncadd.s32 $0xFFFFF800  }
0x69: {  	_ =	swait.ge [sflag:s29], $0x800  }
0x6a: {  	[sflag:s29] =	ssyncset.done $0x0  }
0x6b: {  	[sflag:s29] =	ssyncadd.s32 $0xFFFFF800  }
0x6c: {  	_ =	swait.ge [sflag:s29], $0x800  }
0x6d: {  	[sflag:s29] =	ssyncset.done $0x0  }
0x6e: {  	[sflag:s29] =	ssyncadd.s32 $0xFFFFF800  }
0x6f: {  	_ =	swait.ge [sflag:s29], $0x800  }
0x70: {  	[sflag:s29] =	ssyncset.done $0x0  }
0x71: {  	[sflag:s29] =	ssyncadd.s32 $0xFFFFF800  }
0x72: {  	_ =	swait.ge [sflag:s29], $0x800  }
0x73: {  	[sflag:s29] =	ssyncset.done $0x0  }
0x74: {  	[sflag:s29] =	ssyncadd.s32 $0xFFFFF800  }
0x75: {  	s1 =	ssub.s32 $0x2, s1;
	_ =	swait.ge [sflag:s29], $0x800  }
0x76: {  	s13 =	sshrl.u32 s1, $0x1;
	[sflag:s29] =	ssyncset.done $0x0  }
0x77: {  	s0 =	ssub.s32 s1, s13;
	[sflag:s29] =	ssyncadd.s32 $0xFFFFF800  }
0x78: {  	s0 =	smax.u32 s0, $0x1;
	_ =	swait.ge [sflag:s29], $0x800  }
0x79: {  	p0 =	sne.s32 s0, $0x1;
	[sflag:s29] =	ssyncset.done $0x0  }
.Ltmp0:
0x7a: {  	[sflag:s29] =	ssyncadd.s32 $0xFFFFF800;
	(pc) =	sbr.rel @!p0 .LBB2_2-.Ltmp0, $4  }
0x7b: {  	_ =	swait.ge [sflag:s29], $0x800  }
0x7c: {  	[sflag:s29] =	ssyncset.done $0x0  }
0x7d: {  	[sflag:s29] =	ssyncadd.s32 $0xFFFFF800  }
0x7e: {  	s1 =	sadd.s32 $0xFFFFFFFF, s0;
	_ =	swait.ge [sflag:s29], $0x800  }
.LBB2_1:
0x7f: {  	[sflag:s29] =	ssyncset.done $0x0  }
0x80: {  	s0 =	rddreg [dreg:$0x4];
	[sflag:s29] =	ssyncadd.s32 $0xFFFFF800  }
0x81: {  	[hbm4b:s0+s3] =	stream.linear.scatter [tilespmem:s5], [sflag:$0x2], $0xA000, $0x38;
	[tilespmem:$0xAA00] =	vst v63  }
0x82: {  	_ =	swait.ge [sflag:s4], $0xA000  }
0x83: {  	[sflag:s4] =	ssyncset.done $0x0  }
0x84: {  	s11 =	rddreg [dreg:$0x3];
	[sflag:s4] =	ssyncadd.s32 $0xFFFF6000  }
0x85: {  	[tilespmem:s3], [sflag:$0x2] =	stream.linear.gather [hbm4b:s11+s3], $0xA00, $0x38;
	[tilespmem:$0xAA00] =	vst v63  }
0x86: {  	_ =	swait.ge [sflag:s4], $0xA00  }
0x87: {  	s0 =	rddreg [dreg:$0x11]  }
0x88: {  	s7 =	rddreg [dreg:$0xf]  }
0x89: {  	s8 =	rddreg [dreg:$0xd]  }
0x8a: {  	s9 =	rddreg [dreg:$0xb]  }
0x8b: {  	s10 =	rddreg [dreg:$0x6];
	[sflag:s4] =	ssyncset.done $0x0  }
0x8c: {  	s11 =	rddreg [dreg:$0x5];
	[sflag:s4] =	ssyncadd.s32 $0xFFFFF600  }
0x8d: {  	[tilespmem:s5], [sflag:$0x1] =	stream.indirect.gather [hbm4b:s2+s6], $0x10, s3, s6, $0xb8;
	[tilespmem:$0xAA00] =	vst v63  }
0x8e: {  	s12 =	rddreg [dreg:$0x7]  }
0x8f: {  	[tilespmem:s11], [sflag:$0x1] =	stream.indirect.gather [hbm4b:s2+s6], $0x10, s6, s6, $0xb8;
	[tilespmem:$0xAA00] =	vst v63  }
0x90: {  	s13 =	rddreg [dreg:$0x9]  }
0x91: {  	[tilespmem:s12], [sflag:$0x1] =	stream.indirect.gather [hbm4b:s2+s6], $0x10, s10, s6, $0xb8;
	[tilespmem:$0xAA00] =	vst v63  }
0x92: {  	s11 =	rddreg [dreg:$0x8]  }
0x93: {  	[tilespmem:s13], [sflag:$0x1] =	stream.indirect.gather [hbm4b:s2+s6], $0x10, s11, s6, $0xb8;
	[tilespmem:$0xAA00] =	vst v63  }
0x94: {  	s12 =	rddreg [dreg:$0xa]  }
0x95: {  	[tilespmem:s9], [sflag:$0x1] =	stream.indirect.gather [hbm4b:s2+s6], $0x10, s12, s6, $0xb8;
	[tilespmem:$0xAA00] =	vst v63  }
0x96: {  	s13 =	rddreg [dreg:$0xc]  }
0x97: {  	[tilespmem:s8], [sflag:$0x1] =	stream.indirect.gather [hbm4b:s2+s6], $0x10, s13, s6, $0xb8;
	[tilespmem:$0xAA00] =	vst v63  }
0x98: {  	s10 =	rddreg [dreg:$0xe]  }
0x99: {  	[tilespmem:s7], [sflag:$0x1] =	stream.indirect.gather [hbm4b:s2+s6], $0x10, s10, s6, $0xb8;
	[tilespmem:$0xAA00] =	vst v63  }
0x9a: {  	s11 =	rddreg [dreg:$0x10]  }
0x9b: {  	[tilespmem:s0], [sflag:$0x1] =	stream.indirect.gather [hbm4b:s2+s6], $0x10, s11, s6, $0xb8;
	[tilespmem:$0xAA00] =	vst v63  }
0x9c: {  	s12 =	rddreg [dreg:$0x12];
	s13 =	simm.s32 $0x4A00  }
0x9d: {  	[tilespmem:s13], [sflag:$0x1] =	stream.indirect.gather [hbm4b:s2+s6], $0x10, s12, s6, $0xb8;
	[tilespmem:$0xAA00] =	vst v63  }
0x9e: {  	s9 =	simm.s32 $0x5200;
	s8 =	simm.s32 $0x480  }
0x9f: {  	[tilespmem:s9], [sflag:$0x1] =	stream.indirect.gather [hbm4b:s2+s6], $0x10, s8, s6, $0xb8;
	[tilespmem:$0xAA00] =	vst v63  }
0xa0: {  	s10 =	simm.s32 $0x500;
	s11 =	simm.s32 $0x5A00  }
0xa1: {  	[tilespmem:s11], [sflag:$0x1] =	stream.indirect.gather [hbm4b:s2+s6], $0x10, s10, s6, $0xb8;
	[tilespmem:$0xAA00] =	vst v63  }
0xa2: {  	s12 =	simm.s32 $0x580;
	s13 =	simm.s32 $0x6200  }
0xa3: {  	[tilespmem:s13], [sflag:$0x1] =	stream.indirect.gather [hbm4b:s2+s6], $0x10, s12, s6, $0xb8;
	[tilespmem:$0xAA00] =	vst v63  }
0xa4: {  	_ = 	snop  }
0xa5: {  	[tilespmem:s15], [sflag:$0x1] =	stream.indirect.gather [hbm4b:s2+s6], $0x10, s14, s6, $0xb8;
	[tilespmem:$0xAA00] =	vst v63  }
0xa6: {  	_ = 	snop  }
0xa7: {  	[tilespmem:s17], [sflag:$0x1] =	stream.indirect.gather [hbm4b:s2+s6], $0x10, s16, s6, $0xb8;
	[tilespmem:$0xAA00] =	vst v63  }
0xa8: {  	_ = 	snop  }
0xa9: {  	[tilespmem:s19], [sflag:$0x1] =	stream.indirect.gather [hbm4b:s2+s6], $0x10, s18, s6, $0xb8;
	[tilespmem:$0xAA00] =	vst v63  }
0xaa: {  	_ = 	snop  }
0xab: {  	[tilespmem:s21], [sflag:$0x1] =	stream.indirect.gather [hbm4b:s2+s6], $0x10, s20, s6, $0xb8;
	[tilespmem:$0xAA00] =	vst v63  }
0xac: {  	_ = 	snop  }
0xad: {  	[tilespmem:s23], [sflag:$0x1] =	stream.indirect.gather [hbm4b:s2+s6], $0x10, s22, s6, $0xb8;
	[tilespmem:$0xAA00] =	vst v63  }
0xae: {  	_ = 	snop  }
0xaf: {  	[tilespmem:s25], [sflag:$0x1] =	stream.indirect.gather [hbm4b:s2+s6], $0x10, s24, s6, $0xb8;
	[tilespmem:$0xAA00] =	vst v63  }
0xb0: {  	_ = 	snop  }
0xb1: {  	[tilespmem:s28], [sflag:$0x1] =	stream.indirect.gather [hbm4b:s2+s6], $0x10, s26, s6, $0xb8;
	[tilespmem:$0xAA00] =	vst v63  }
0xb2: {  	_ = 	snop  }
0xb3: {  	[tilespmem:s31], [sflag:$0x1] =	stream.indirect.gather [hbm4b:s2+s6], $0x10, s30, s6, $0xb8;
	[tilespmem:$0xAA00] =	vst v63  }
0xb4: {  	_ =	swait.ge [sflag:s29], $0x800  }
0xb5: {  	[sflag:s29] =	ssyncset.done $0x0  }
0xb6: {  	[sflag:s29] =	ssyncadd.s32 $0xFFFFF800  }
0xb7: {  	_ =	swait.ge [sflag:s29], $0x800  }
0xb8: {  	[sflag:s29] =	ssyncset.done $0x0  }
0xb9: {  	[sflag:s29] =	ssyncadd.s32 $0xFFFFF800  }
0xba: {  	_ =	swait.ge [sflag:s29], $0x800  }
0xbb: {  	[sflag:s29] =	ssyncset.done $0x0  }
0xbc: {  	[sflag:s29] =	ssyncadd.s32 $0xFFFFF800  }
0xbd: {  	_ =	swait.ge [sflag:s29], $0x800  }
0xbe: {  	[sflag:s29] =	ssyncset.done $0x0  }
0xbf: {  	[sflag:s29] =	ssyncadd.s32 $0xFFFFF800  }
0xc0: {  	_ =	swait.ge [sflag:s29], $0x800  }
0xc1: {  	[sflag:s29] =	ssyncset.done $0x0  }
0xc2: {  	[sflag:s29] =	ssyncadd.s32 $0xFFFFF800  }
0xc3: {  	_ =	swait.ge [sflag:s29], $0x800  }
0xc4: {  	[sflag:s29] =	ssyncset.done $0x0  }
0xc5: {  	[sflag:s29] =	ssyncadd.s32 $0xFFFFF800  }
0xc6: {  	_ =	swait.ge [sflag:s29], $0x800  }
0xc7: {  	[sflag:s29] =	ssyncset.done $0x0  }
0xc8: {  	[sflag:s29] =	ssyncadd.s32 $0xFFFFF800  }
0xc9: {  	_ =	swait.ge [sflag:s29], $0x800  }
0xca: {  	[sflag:s29] =	ssyncset.done $0x0  }
0xcb: {  	[sflag:s29] =	ssyncadd.s32 $0xFFFFF800  }
0xcc: {  	_ =	swait.ge [sflag:s29], $0x800  }
0xcd: {  	[sflag:s29] =	ssyncset.done $0x0  }
0xce: {  	[sflag:s29] =	ssyncadd.s32 $0xFFFFF800  }
0xcf: {  	_ =	swait.ge [sflag:s29], $0x800  }
0xd0: {  	[sflag:s29] =	ssyncset.done $0x0  }
0xd1: {  	[sflag:s29] =	ssyncadd.s32 $0xFFFFF800  }
0xd2: {  	_ =	swait.ge [sflag:s29], $0x800  }
0xd3: {  	[sflag:s29] =	ssyncset.done $0x0  }
0xd4: {  	[sflag:s29] =	ssyncadd.s32 $0xFFFFF800  }
0xd5: {  	_ =	swait.ge [sflag:s29], $0x800  }
0xd6: {  	[sflag:s29] =	ssyncset.done $0x0  }
0xd7: {  	[sflag:s29] =	ssyncadd.s32 $0xFFFFF800  }
0xd8: {  	_ =	swait.ge [sflag:s29], $0x800  }
0xd9: {  	[sflag:s29] =	ssyncset.done $0x0  }
0xda: {  	[sflag:s29] =	ssyncadd.s32 $0xFFFFF800  }
0xdb: {  	_ =	swait.ge [sflag:s29], $0x800  }
0xdc: {  	[sflag:s29] =	ssyncset.done $0x0  }
0xdd: {  	[sflag:s29] =	ssyncadd.s32 $0xFFFFF800  }
0xde: {  	_ =	swait.ge [sflag:s29], $0x800  }
0xdf: {  	[sflag:s29] =	ssyncset.done $0x0  }
0xe0: {  	[sflag:s29] =	ssyncadd.s32 $0xFFFFF800  }
0xe1: {  	_ =	swait.ge [sflag:s29], $0x800  }
0xe2: {  	[sflag:s29] =	ssyncset.done $0x0  }
0xe3: {  	[sflag:s29] =	ssyncadd.s32 $0xFFFFF800  }
0xe4: {  	_ =	swait.ge [sflag:s29], $0x800  }
0xe5: {  	[sflag:s29] =	ssyncset.done $0x0  }
0xe6: {  	[sflag:s29] =	ssyncadd.s32 $0xFFFFF800  }
0xe7: {  	_ =	swait.ge [sflag:s29], $0x800  }
0xe8: {  	p0 =	sne.s32 s1, $0x1;
	[sflag:s29] =	ssyncset.done $0x0  }
.Ltmp1:
0xe9: {  	[sflag:s29] =	ssyncadd.s32 $0xFFFFF800;
	(pc) =	sbr.rel @p0 .LBB2_1-.Ltmp1, $4  }
0xea: {  	_ =	swait.ge [sflag:s29], $0x800  }
0xeb: {  	[sflag:s29] =	ssyncset.done $0x0  }
0xec: {  	[sflag:s29] =	ssyncadd.s32 $0xFFFFF800  }
0xed: {  	s1 =	sadd.s32 $0xFFFFFFFF, s1;
	_ =	swait.ge [sflag:s29], $0x800  }
.LBB2_2:
0xee: {  	[sflag:s29] =	ssyncset.done $0x0  }
0xef: {  	s0 =	rddreg [dreg:$0x4];
	[sflag:s29] =	ssyncadd.s32 $0xFFFFF800  }
0xf0: {  	[hbm4b:s0+s3] =	stream.linear.scatter [tilespmem:s5], [sflag:$0x2], $0xA000, $0x38;
	[tilespmem:$0xAA00] =	vst v63  }
0xf1: {  	_ =	swait.ge [sflag:s4], $0xA000  }
0xf2: {  	[sflag:s4] =	ssyncset.done $0x0  }
0xf3: {  	[sflag:s4] =	ssyncadd.s32 $0xFFFF6000  }
0xf4: {  	_ =	sfence.sel $0x180000  }
0xf5: {  	[bflag:$0x0] =	sbarrier.arrive $0xFFFF  }
0xf6: {  	_ =	strace $0x9000004A  }
0xf7: {  	s31 =	stileid.u32;
	[bflag:$0x2] =	sbarrier.arrive $0xFFFF  }
0xf8: {  	p0 =	sne.s32 s31, $0x0;
	s0 =	rddreg [dreg:$0x2]  }
0xf9: {  	s0 =	sadd.s32 @!p0 $0x100000, s0  }
0xfa: {  	[sflag:s0] =	ssyncadd.tile.s32 @!p0 $0x1;
	_ =	shalt  }
.Lfunc_end2:
_tile_overlayer_lowered:
.L_overlay_start_2:
0xfb: {  	(tag) =	ssettag $0x2  }
0xfc: {  	s0 =	rddreg [dreg:$0x0];
	s2 =	stileid.u32  }
0xfd: {  	s1 =	rddreg [dreg:$0x1];
	p0 =	sne.s32 s2, $0x0  }
0xfe: {  	s3 =	rddreg [dreg:$0x2];
	[bflag:$0x3] =	sbarrier.arrive $0xFFFF;
	s2 =	simm.s32 @!p0 $0x1C02  }
0xff: {  	[timem:s3], [sflag:s2] =	dma.local @!p0 [hbm:s0], s1  }
0x100: {  	s0 =	simm.s32 @!p0 $0x2  }
0x101: {  	_ =	swait.ge @!p0 [sflag:s0], s1  }
0x102: {  	s1 =	ssub.s32 @!p0 $0x0, s1;
	[sflag:s0] =	ssyncset.done @!p0 $0x0  }
0x103: {  	[sflag:s0] =	ssyncadd.s32 @!p0 s1  }
0x104: {  	[bflag:$0x3] =	sbarrier.arrive $0xFFFF  }
0x105: {  	_ =	shalt  }

</sc_bundles>
